<compile_context>
chip_gen: v7x
topology: tpu7x:2x2x1
jax: 0.10.2.dev20260603
libtpu: 0.0.44.dev20260713+nightly
codegen_flags: <defaults>
</compile_context>

<pallas_src>
import functools

import jax
import jax.numpy as jnp
from jax import lax
from jax.experimental import pallas as pl
from jax.experimental.pallas import tpu as pltpu
from jax.experimental.pallas import tpu_sc as plsc

VOCAB = 100000
DIM = 128
L_CTX = 200
L_TGT = 20

NTILE = 16
ROWS = DIM // NTILE
CPAD = 208
TTOT = ROWS * L_TGT


def _vi(x):
    return lax.broadcast_in_dim(jnp.asarray(x, jnp.int32), (16,), ())


def _vf(x):
    return lax.broadcast_in_dim(jnp.asarray(x, jnp.float32), (16,), ())


def _body(ctx_hbm, tgt_hbm, words_hbm, out_hbm,
          cidx, coff, cval, tidx, toff, tval, outacc, shared, red, outbuf,
          mred, sem):
    sid = lax.axis_index("s")
    d0 = sid * ROWS
    lane = lax.iota(jnp.int32, 16)
    m8 = lane < _vi(8)
    zi = _vi(0)
    zf = _vf(0.0)

    cps = []
    for r in range(ROWS):
        cps.append(pltpu.async_copy(
            ctx_hbm.at[pl.ds((d0 + r) * L_CTX, L_CTX)],
            cidx.at[pl.ds(r * CPAD, L_CTX)], sem))
    cps.append(pltpu.async_copy(
        tgt_hbm.at[pl.ds(d0 * L_TGT, TTOT)], tidx, sem))
    for cp in cps:
        cp.wait()

    for r in range(ROWS):
        base = _vi((d0 + r) * VOCAB)
        for i in range(13):
            v = cidx[pl.ds(r * CPAD + i * 16, 16)]
            off = v + base
            if i == 12:
                off = jnp.where(m8, off, zi)
            coff[pl.ds(r * CPAD + i * 16, 16)] = off

    vocab_v = _vi(VOCAB)
    d0v = _vi(d0)
    for i in range(10):
        lo = (i * 16) // L_TGT
        hi = (i * 16 + 15) // L_TGT
        if hi == lo:
            dl_c = _vi(lo)
        else:
            bnd = (lo + 1) * L_TGT - i * 16
            dl_c = jnp.where(lane >= _vi(bnd), _vi(hi), _vi(lo))
        off = (tidx[pl.ds(i * 16, 16)] + (d0v + dl_c) * vocab_v
               + _vi(DIM * VOCAB))
        toff[pl.ds(i * 16, 16)] = off

    gs = []
    for r in range(ROWS):
        b = r * CPAD
        gs.append(pltpu.async_copy(
            words_hbm.at[coff.at[pl.ds(b, 128)]],
            cval.at[pl.ds(b, 128)], sem))
        gs.append(pltpu.async_copy(
            words_hbm.at[coff.at[pl.ds(b + 128, 80)]],
            cval.at[pl.ds(b + 128, 80)], sem))
    gs.append(pltpu.async_copy(
        words_hbm.at[toff.at[pl.ds(0, 128)]], tval.at[pl.ds(0, 128)], sem))
    gs.append(pltpu.async_copy(
        words_hbm.at[toff.at[pl.ds(128, 32)]], tval.at[pl.ds(128, 32)], sem))
    for cp in gs:
        cp.wait()

    scale_v = _vf(1.0 / L_CTX)
    means = []
    for r in range(ROWS):
        acc = zf
        for i in range(13):
            v = cval[pl.ds(r * CPAD + i * 16, 16)]
            if i == 12:
                v = jnp.where(m8, v, zf)
            acc = acc + v
        for k in (8, 4, 2, 1):
            mred[pl.ds(0, 16)] = acc
            acc = acc + plsc.load_gather(mred, [lane ^ _vi(k)])
        means.append(acc * scale_v)

    outacc[pl.ds(0, 16)] = zf
    outacc[pl.ds(16, 16)] = zf
    for i in range(10):
        lo = (i * 16) // L_TGT
        hi = (i * 16 + 15) // L_TGT
        pos = lane + _vi(i * 16)
        if hi == lo:
            dl_c = _vi(lo)
            mv = means[lo]
        else:
            bnd = (lo + 1) * L_TGT - i * 16
            mhi = lane >= _vi(bnd)
            dl_c = jnp.where(mhi, _vi(hi), _vi(lo))
            mv = jnp.where(mhi, means[hi], means[lo])
        t_c = pos - dl_c * _vi(L_TGT)
        prod = mv * tval[pl.ds(i * 16, 16)]
        plsc.addupdate_scatter(outacc, [t_c], prod)

    pltpu.sync_copy(outacc, shared.at[pl.ds(32 * sid, 32)])
    plsc.subcore_barrier()

    pltpu.sync_copy(shared, red)
    a0 = _vf(0.0)
    a1 = _vf(0.0)
    for s in range(NTILE):
        a0 = a0 + red[pl.ds(32 * s, 16)]
        a1 = a1 + red[pl.ds(32 * s + 16, 16)]
    onev = _vf(1.0)
    outbuf[pl.ds(0, 16)] = onev / (onev + jnp.exp(-a0))
    outbuf[pl.ds(16, 16)] = onev / (onev + jnp.exp(-a1))

    @pl.when(sid == 0)
    def _():
        pltpu.sync_copy(outbuf, out_hbm)


_mesh = plsc.VectorSubcoreMesh(
    core_axis_name="c", subcore_axis_name="s", num_cores=1)

_sc_call = functools.partial(
    pl.kernel,
    out_type=jax.ShapeDtypeStruct((32,), jnp.float32),
    mesh=_mesh,
    compiler_params=pltpu.CompilerParams(needs_layout_passes=False),
    scratch_types=[
        pltpu.VMEM((ROWS * CPAD,), jnp.int32),
        pltpu.VMEM((ROWS * CPAD,), jnp.int32),
        pltpu.VMEM((ROWS * CPAD,), jnp.float32),
        pltpu.VMEM((TTOT,), jnp.int32),
        pltpu.VMEM((TTOT,), jnp.int32),
        pltpu.VMEM((TTOT,), jnp.float32),
        pltpu.VMEM((32,), jnp.float32),
        pltpu.VMEM_SHARED((NTILE * 32,), jnp.float32),
        pltpu.VMEM((NTILE * 32,), jnp.float32),
        pltpu.VMEM((32,), jnp.float32),
        pltpu.VMEM((16,), jnp.float32),
        pltpu.SemaphoreType.DMA,
    ],
)(_body)


@jax.jit
def kernel(context_gather_content, target_tree_gather_content, words, tree):
    out = _sc_call(
        context_gather_content.reshape(-1),
        target_tree_gather_content.reshape(-1),
        jnp.concatenate([words.reshape(-1), tree.reshape(-1)]),
    )
    return out[:L_TGT]

# --- scband reference (transcript-rebuilt; emitter-appended) ---
"""Pipeline reference for scband-kmer2vec-63136019251783 (READ-ONLY COPY).

The authoritative reference and input builder live on the scoring server;
editing this copy changes nothing except your own understanding.
"""

import jax, jax.numpy as jnp
import numpy as np

VOCAB = 100000
DIM = 128
L_CTX = 200
L_TGT = 20


def setup_inputs(seed: int = 0) -> dict:
    key = jax.random.key(seed)
    k1, k2, k3, k4 = jax.random.split(key, 4)
    words = jax.random.normal(k1, (DIM, VOCAB), dtype=jnp.float32)
    tree = jax.random.normal(k2, (DIM, VOCAB), dtype=jnp.float32) * 0.01
    context_gather_content = jax.random.randint(k3, (DIM, L_CTX), 0, VOCAB, dtype=jnp.int32)
    target_tree_gather_content = jax.random.randint(k4, (DIM, L_TGT), 0, VOCAB, dtype=jnp.int32)
    return {
        "context_gather_content": context_gather_content,
        "target_tree_gather_content": target_tree_gather_content,
        "words": words,
        "tree": tree,
    }


def reference(context_gather_content, target_tree_gather_content, words, tree):
    # torch.gather(self.words, 1, idx) == take_along_axis on axis=1
    context_items = jnp.take_along_axis(words, context_gather_content, axis=1)  # [D, L_ctx]
    context_mean = jnp.mean(context_items, axis=1)  # [D]
    target_tree_items = jnp.take_along_axis(tree, target_tree_gather_content, axis=1)  # [D, L_tgt]
    return jax.nn.sigmoid(jnp.matmul(context_mean, target_tree_items))  # [L_tgt]

if __name__ == "__main__":
    import jax
    _d = setup_inputs()
    print(jax.jit(kernel)(*tuple(_d.values())))

</pallas_src>

<mosaic_0001>
#map = affine_map<(d0, d1) -> (0)>
module attributes {stable_mosaic.version = 14 : i64} {
  func.func @_body(%arg0: i32, %arg1: i32, %arg2: memref<25600xi32, #tpu.memory_space<hbm>>, %arg3: memref<2560xi32, #tpu.memory_space<hbm>>, %arg4: memref<25600000xf32, #tpu.memory_space<hbm>>, %arg5: memref<32xf32, #tpu.memory_space<hbm>>, %arg6: memref<1664xi32, #tpu.memory_space<vmem>>, %arg7: memref<1664xi32, #tpu.memory_space<vmem>>, %arg8: memref<1664xf32, #tpu.memory_space<vmem>>, %arg9: memref<160xi32, #tpu.memory_space<vmem>>, %arg10: memref<160xi32, #tpu.memory_space<vmem>>, %arg11: memref<160xf32, #tpu.memory_space<vmem>>, %arg12: memref<32xf32, #tpu.memory_space<vmem>>, %arg13: memref<512xf32, #tpu.memory_space<vmem_shared>>, %arg14: memref<512xf32, #tpu.memory_space<vmem>>, %arg15: memref<32xf32, #tpu.memory_space<vmem>>, %arg16: memref<16xf32, #tpu.memory_space<vmem>>, %arg17: memref<!tpu.dma_semaphore, #tpu.memory_space<semaphore_mem>>) attributes {dimension_semantics = [#tpu.dimension_semantics<core_parallel>, #tpu.dimension_semantics<subcore_parallel>], iteration_bounds = array<i64: 1, 16>, scalar_prefetch = 0 : i64, scratch_operands = 12 : i64, tpu.core_type = #tpu.core_type<sc_vector_subcore>, window_params = [{transform_indices = #map}, {transform_indices = #map}, {transform_indices = #map}, {transform_indices = #map}]} {
    %mul3A = arith.constant 8 : i32
    %mul3A_0 = arith.muli %arg1, %mul3A : i32
    %iota3A = tpu.iota {dimensions = array<i32: 0>} : vector<16xi32>
    %broadcast_in_dim3A = arith.constant 8 : i32
    %broadcast_in_dim3A_1 = vector.broadcast %broadcast_in_dim3A : i32 to vector<16xi32>
    %lt3A = arith.cmpi slt, %iota3A, %broadcast_in_dim3A_1 : vector<16xi32>
    %broadcast_in_dim3A_2 = arith.constant 0 : i32
    %broadcast_in_dim3A_3 = vector.broadcast %broadcast_in_dim3A_2 : i32 to vector<16xi32>
    %broadcast_in_dim3A_4 = arith.constant 0.000000e+00 : f32
    %broadcast_in_dim3A_5 = vector.broadcast %broadcast_in_dim3A_4 : f32 to vector<16xf32>
    %add3A = arith.constant 0 : i32
    %add3A_6 = arith.addi %mul3A_0, %add3A : i32
    %mul3A_7 = arith.constant 200 : i32
    %mul3A_8 = arith.muli %add3A_6, %mul3A_7 : i32
    %dma_start3A = arith.constant 0 : i32
    %dma_start3A_9 = tpu.memref_slice %arg6[%dma_start3A] : memref<1664xi32, #tpu.memory_space<vmem>> -> memref<200xi32, #tpu.memory_space<vmem>>
    %dma_start3A_10 = tpu.memref_slice %arg2[%mul3A_8] : memref<25600xi32, #tpu.memory_space<hbm>> -> memref<200xi32, #tpu.memory_space<hbm>>
    %dma_start3A_11 = arith.constant 0 : i32
    %dma_start3A_12 = tpu.memref_slice %arg6[%dma_start3A_11] : memref<1664xi32, #tpu.memory_space<vmem>> -> memref<200xi32, #tpu.memory_space<vmem>>
    %dma_start3A_13 = tpu.memref_slice %arg2[%mul3A_8] : memref<25600xi32, #tpu.memory_space<hbm>> -> memref<200xi32, #tpu.memory_space<hbm>>
    tpu.enqueue_dma source(%dma_start3A_13 : memref<200xi32, #tpu.memory_space<hbm>>) target(%dma_start3A_12 : memref<200xi32, #tpu.memory_space<vmem>>) target_semaphore(%arg17 : memref<!tpu.dma_semaphore, #tpu.memory_space<semaphore_mem>>)
    %add3A_14 = arith.constant 1 : i32
    %add3A_15 = arith.addi %mul3A_0, %add3A_14 : i32
    %mul3A_16 = arith.constant 200 : i32
    %mul3A_17 = arith.muli %add3A_15, %mul3A_16 : i32
    %dma_start3A_18 = arith.constant 208 : i32
    %dma_start3A_19 = tpu.memref_slice %arg6[%dma_start3A_18] : memref<1664xi32, #tpu.memory_space<vmem>> -> memref<200xi32, #tpu.memory_space<vmem>>
    %dma_start3A_20 = tpu.memref_slice %arg2[%mul3A_17] : memref<25600xi32, #tpu.memory_space<hbm>> -> memref<200xi32, #tpu.memory_space<hbm>>
    %dma_start3A_21 = arith.constant 208 : i32
    %dma_start3A_22 = tpu.memref_slice %arg6[%dma_start3A_21] : memref<1664xi32, #tpu.memory_space<vmem>> -> memref<200xi32, #tpu.memory_space<vmem>>
    %dma_start3A_23 = tpu.memref_slice %arg2[%mul3A_17] : memref<25600xi32, #tpu.memory_space<hbm>> -> memref<200xi32, #tpu.memory_space<hbm>>
    tpu.enqueue_dma source(%dma_start3A_23 : memref<200xi32, #tpu.memory_space<hbm>>) target(%dma_start3A_22 : memref<200xi32, #tpu.memory_space<vmem>>) target_semaphore(%arg17 : memref<!tpu.dma_semaphore, #tpu.memory_space<semaphore_mem>>)
    %add3A_24 = arith.constant 2 : i32
    %add3A_25 = arith.addi %mul3A_0, %add3A_24 : i32
    %mul3A_26 = arith.constant 200 : i32
    %mul3A_27 = arith.muli %add3A_25, %mul3A_26 : i32
    %dma_start3A_28 = arith.constant 416 : i32
    %dma_start3A_29 = tpu.memref_slice %arg6[%dma_start3A_28] : memref<1664xi32, #tpu.memory_space<vmem>> -> memref<200xi32, #tpu.memory_space<vmem>>
    %dma_start3A_30 = tpu.memref_slice %arg2[%mul3A_27] : memref<25600xi32, #tpu.memory_space<hbm>> -> memref<200xi32, #tpu.memory_space<hbm>>
    %dma_start3A_31 = arith.constant 416 : i32
    %dma_start3A_32 = tpu.memref_slice %arg6[%dma_start3A_31] : memref<1664xi32, #tpu.memory_space<vmem>> -> memref<200xi32, #tpu.memory_space<vmem>>
    %dma_start3A_33 = tpu.memref_slice %arg2[%mul3A_27] : memref<25600xi32, #tpu.memory_space<hbm>> -> memref<200xi32, #tpu.memory_space<hbm>>
    tpu.enqueue_dma source(%dma_start3A_33 : memref<200xi32, #tpu.memory_space<hbm>>) target(%dma_start3A_32 : memref<200xi32, #tpu.memory_space<vmem>>) target_semaphore(%arg17 : memref<!tpu.dma_semaphore, #tpu.memory_space<semaphore_mem>>)
    %add3A_34 = arith.constant 3 : i32
    %add3A_35 = arith.addi %mul3A_0, %add3A_34 : i32
    %mul3A_36 = arith.constant 200 : i32
    %mul3A_37 = arith.muli %add3A_35, %mul3A_36 : i32
    %dma_start3A_38 = arith.constant 624 : i32
    %dma_start3A_39 = tpu.memref_slice %arg6[%dma_start3A_38] : memref<1664xi32, #tpu.memory_space<vmem>> -> memref<200xi32, #tpu.memory_space<vmem>>
    %dma_start3A_40 = tpu.memref_slice %arg2[%mul3A_37] : memref<25600xi32, #tpu.memory_space<hbm>> -> memref<200xi32, #tpu.memory_space<hbm>>
    %dma_start3A_41 = arith.constant 624 : i32
    %dma_start3A_42 = tpu.memref_slice %arg6[%dma_start3A_41] : memref<1664xi32, #tpu.memory_space<vmem>> -> memref<200xi32, #tpu.memory_space<vmem>>
    %dma_start3A_43 = tpu.memref_slice %arg2[%mul3A_37] : memref<25600xi32, #tpu.memory_space<hbm>> -> memref<200xi32, #tpu.memory_space<hbm>>
    tpu.enqueue_dma source(%dma_start3A_43 : memref<200xi32, #tpu.memory_space<hbm>>) target(%dma_start3A_42 : memref<200xi32, #tpu.memory_space<vmem>>) target_semaphore(%arg17 : memref<!tpu.dma_semaphore, #tpu.memory_space<semaphore_mem>>)
    %add3A_44 = arith.constant 4 : i32
    %add3A_45 = arith.addi %mul3A_0, %add3A_44 : i32
    %mul3A_46 = arith.constant 200 : i32
    %mul3A_47 = arith.muli %add3A_45, %mul3A_46 : i32
    %dma_start3A_48 = arith.constant 832 : i32
    %dma_start3A_49 = tpu.memref_slice %arg6[%dma_start3A_48] : memref<1664xi32, #tpu.memory_space<vmem>> -> memref<200xi32, #tpu.memory_space<vmem>>
    %dma_start3A_50 = tpu.memref_slice %arg2[%mul3A_47] : memref<25600xi32, #tpu.memory_space<hbm>> -> memref<200xi32, #tpu.memory_space<hbm>>
    %dma_start3A_51 = arith.constant 832 : i32
    %dma_start3A_52 = tpu.memref_slice %arg6[%dma_start3A_51] : memref<1664xi32, #tpu.memory_space<vmem>> -> memref<200xi32, #tpu.memory_space<vmem>>
    %dma_start3A_53 = tpu.memref_slice %arg2[%mul3A_47] : memref<25600xi32, #tpu.memory_space<hbm>> -> memref<200xi32, #tpu.memory_space<hbm>>
    tpu.enqueue_dma source(%dma_start3A_53 : memref<200xi32, #tpu.memory_space<hbm>>) target(%dma_start3A_52 : memref<200xi32, #tpu.memory_space<vmem>>) target_semaphore(%arg17 : memref<!tpu.dma_semaphore, #tpu.memory_space<semaphore_mem>>)
    %add3A_54 = arith.constant 5 : i32
    %add3A_55 = arith.addi %mul3A_0, %add3A_54 : i32
    %mul3A_56 = arith.constant 200 : i32
    %mul3A_57 = arith.muli %add3A_55, %mul3A_56 : i32
    %dma_start3A_58 = arith.constant 1040 : i32
    %dma_start3A_59 = tpu.memref_slice %arg6[%dma_start3A_58] : memref<1664xi32, #tpu.memory_space<vmem>> -> memref<200xi32, #tpu.memory_space<vmem>>
    %dma_start3A_60 = tpu.memref_slice %arg2[%mul3A_57] : memref<25600xi32, #tpu.memory_space<hbm>> -> memref<200xi32, #tpu.memory_space<hbm>>
    %dma_start3A_61 = arith.constant 1040 : i32
    %dma_start3A_62 = tpu.memref_slice %arg6[%dma_start3A_61] : memref<1664xi32, #tpu.memory_space<vmem>> -> memref<200xi32, #tpu.memory_space<vmem>>
    %dma_start3A_63 = tpu.memref_slice %arg2[%mul3A_57] : memref<25600xi32, #tpu.memory_space<hbm>> -> memref<200xi32, #tpu.memory_space<hbm>>
    tpu.enqueue_dma source(%dma_start3A_63 : memref<200xi32, #tpu.memory_space<hbm>>) target(%dma_start3A_62 : memref<200xi32, #tpu.memory_space<vmem>>) target_semaphore(%arg17 : memref<!tpu.dma_semaphore, #tpu.memory_space<semaphore_mem>>)
    %add3A_64 = arith.constant 6 : i32
    %add3A_65 = arith.addi %mul3A_0, %add3A_64 : i32
    %mul3A_66 = arith.constant 200 : i32
    %mul3A_67 = arith.muli %add3A_65, %mul3A_66 : i32
    %dma_start3A_68 = arith.constant 1248 : i32
    %dma_start3A_69 = tpu.memref_slice %arg6[%dma_start3A_68] : memref<1664xi32, #tpu.memory_space<vmem>> -> memref<200xi32, #tpu.memory_space<vmem>>
    %dma_start3A_70 = tpu.memref_slice %arg2[%mul3A_67] : memref<25600xi32, #tpu.memory_space<hbm>> -> memref<200xi32, #tpu.memory_space<hbm>>
    %dma_start3A_71 = arith.constant 1248 : i32
    %dma_start3A_72 = tpu.memref_slice %arg6[%dma_start3A_71] : memref<1664xi32, #tpu.memory_space<vmem>> -> memref<200xi32, #tpu.memory_space<vmem>>
    %dma_start3A_73 = tpu.memref_slice %arg2[%mul3A_67] : memref<25600xi32, #tpu.memory_space<hbm>> -> memref<200xi32, #tpu.memory_space<hbm>>
    tpu.enqueue_dma source(%dma_start3A_73 : memref<200xi32, #tpu.memory_space<hbm>>) target(%dma_start3A_72 : memref<200xi32, #tpu.memory_space<vmem>>) target_semaphore(%arg17 : memref<!tpu.dma_semaphore, #tpu.memory_space<semaphore_mem>>)
    %add3A_74 = arith.constant 7 : i32
    %add3A_75 = arith.addi %mul3A_0, %add3A_74 : i32
    %mul3A_76 = arith.constant 200 : i32
    %mul3A_77 = arith.muli %add3A_75, %mul3A_76 : i32
    %dma_start3A_78 = arith.constant 1456 : i32
    %dma_start3A_79 = tpu.memref_slice %arg6[%dma_start3A_78] : memref<1664xi32, #tpu.memory_space<vmem>> -> memref<200xi32, #tpu.memory_space<vmem>>
    %dma_start3A_80 = tpu.memref_slice %arg2[%mul3A_77] : memref<25600xi32, #tpu.memory_space<hbm>> -> memref<200xi32, #tpu.memory_space<hbm>>
    %dma_start3A_81 = arith.constant 1456 : i32
    %dma_start3A_82 = tpu.memref_slice %arg6[%dma_start3A_81] : memref<1664xi32, #tpu.memory_space<vmem>> -> memref<200xi32, #tpu.memory_space<vmem>>
    %dma_start3A_83 = tpu.memref_slice %arg2[%mul3A_77] : memref<25600xi32, #tpu.memory_space<hbm>> -> memref<200xi32, #tpu.memory_space<hbm>>
    tpu.enqueue_dma source(%dma_start3A_83 : memref<200xi32, #tpu.memory_space<hbm>>) target(%dma_start3A_82 : memref<200xi32, #tpu.memory_space<vmem>>) target_semaphore(%arg17 : memref<!tpu.dma_semaphore, #tpu.memory_space<semaphore_mem>>)
    %mul3A_84 = arith.constant 20 : i32
    %mul3A_85 = arith.muli %mul3A_0, %mul3A_84 : i32
    %dma_start3A_86 = tpu.memref_slice %arg3[%mul3A_85] : memref<2560xi32, #tpu.memory_space<hbm>> -> memref<160xi32, #tpu.memory_space<hbm>>
    %dma_start3A_87 = tpu.memref_slice %arg3[%mul3A_85] : memref<2560xi32, #tpu.memory_space<hbm>> -> memref<160xi32, #tpu.memory_space<hbm>>
    tpu.enqueue_dma source(%dma_start3A_87 : memref<160xi32, #tpu.memory_space<hbm>>) target(%arg9 : memref<160xi32, #tpu.memory_space<vmem>>) target_semaphore(%arg17 : memref<!tpu.dma_semaphore, #tpu.memory_space<semaphore_mem>>)
    %dma_wait3A = arith.constant 0 : i32
    %dma_wait3A_88 = tpu.memref_slice %arg6[%dma_wait3A] : memref<1664xi32, #tpu.memory_space<vmem>> -> memref<200xi32, #tpu.memory_space<vmem>>
    %dma_wait3A_89 = tpu.memref_slice %arg2[%mul3A_8] : memref<25600xi32, #tpu.memory_space<hbm>> -> memref<200xi32, #tpu.memory_space<hbm>>
    %dma_wait3A_90 = arith.constant 0 : i32
    %dma_wait3A_91 = tpu.memref_slice %arg6[%dma_wait3A_90] : memref<1664xi32, #tpu.memory_space<vmem>> -> memref<200xi32, #tpu.memory_space<vmem>>
    %dma_wait3A_92 = tpu.memref_slice %arg2[%mul3A_8] : memref<25600xi32, #tpu.memory_space<hbm>> -> memref<200xi32, #tpu.memory_space<hbm>>
    tpu.wait_dma2 semaphore(%arg17 : memref<!tpu.dma_semaphore, #tpu.memory_space<semaphore_mem>>) src(%dma_wait3A_92 : memref<200xi32, #tpu.memory_space<hbm>>) dst(%dma_wait3A_91 : memref<200xi32, #tpu.memory_space<vmem>>)
    %dma_wait3A_93 = arith.constant 208 : i32
    %dma_wait3A_94 = tpu.memref_slice %arg6[%dma_wait3A_93] : memref<1664xi32, #tpu.memory_space<vmem>> -> memref<200xi32, #tpu.memory_space<vmem>>
    %dma_wait3A_95 = tpu.memref_slice %arg2[%mul3A_17] : memref<25600xi32, #tpu.memory_space<hbm>> -> memref<200xi32, #tpu.memory_space<hbm>>
    %dma_wait3A_96 = arith.constant 208 : i32
    %dma_wait3A_97 = tpu.memref_slice %arg6[%dma_wait3A_96] : memref<1664xi32, #tpu.memory_space<vmem>> -> memref<200xi32, #tpu.memory_space<vmem>>
    %dma_wait3A_98 = tpu.memref_slice %arg2[%mul3A_17] : memref<25600xi32, #tpu.memory_space<hbm>> -> memref<200xi32, #tpu.memory_space<hbm>>
    tpu.wait_dma2 semaphore(%arg17 : memref<!tpu.dma_semaphore, #tpu.memory_space<semaphore_mem>>) src(%dma_wait3A_98 : memref<200xi32, #tpu.memory_space<hbm>>) dst(%dma_wait3A_97 : memref<200xi32, #tpu.memory_space<vmem>>)
    %dma_wait3A_99 = arith.constant 416 : i32
    %dma_wait3A_100 = tpu.memref_slice %arg6[%dma_wait3A_99] : memref<1664xi32, #tpu.memory_space<vmem>> -> memref<200xi32, #tpu.memory_space<vmem>>
    %dma_wait3A_101 = tpu.memref_slice %arg2[%mul3A_27] : memref<25600xi32, #tpu.memory_space<hbm>> -> memref<200xi32, #tpu.memory_space<hbm>>
    %dma_wait3A_102 = arith.constant 416 : i32
    %dma_wait3A_103 = tpu.memref_slice %arg6[%dma_wait3A_102] : memref<1664xi32, #tpu.memory_space<vmem>> -> memref<200xi32, #tpu.memory_space<vmem>>
    %dma_wait3A_104 = tpu.memref_slice %arg2[%mul3A_27] : memref<25600xi32, #tpu.memory_space<hbm>> -> memref<200xi32, #tpu.memory_space<hbm>>
    tpu.wait_dma2 semaphore(%arg17 : memref<!tpu.dma_semaphore, #tpu.memory_space<semaphore_mem>>) src(%dma_wait3A_104 : memref<200xi32, #tpu.memory_space<hbm>>) dst(%dma_wait3A_103 : memref<200xi32, #tpu.memory_space<vmem>>)
    %dma_wait3A_105 = arith.constant 624 : i32
    %dma_wait3A_106 = tpu.memref_slice %arg6[%dma_wait3A_105] : memref<1664xi32, #tpu.memory_space<vmem>> -> memref<200xi32, #tpu.memory_space<vmem>>
    %dma_wait3A_107 = tpu.memref_slice %arg2[%mul3A_37] : memref<25600xi32, #tpu.memory_space<hbm>> -> memref<200xi32, #tpu.memory_space<hbm>>
    %dma_wait3A_108 = arith.constant 624 : i32
    %dma_wait3A_109 = tpu.memref_slice %arg6[%dma_wait3A_108] : memref<1664xi32, #tpu.memory_space<vmem>> -> memref<200xi32, #tpu.memory_space<vmem>>
    %dma_wait3A_110 = tpu.memref_slice %arg2[%mul3A_37] : memref<25600xi32, #tpu.memory_space<hbm>> -> memref<200xi32, #tpu.memory_space<hbm>>
    tpu.wait_dma2 semaphore(%arg17 : memref<!tpu.dma_semaphore, #tpu.memory_space<semaphore_mem>>) src(%dma_wait3A_110 : memref<200xi32, #tpu.memory_space<hbm>>) dst(%dma_wait3A_109 : memref<200xi32, #tpu.memory_space<vmem>>)
    %dma_wait3A_111 = arith.constant 832 : i32
    %dma_wait3A_112 = tpu.memref_slice %arg6[%dma_wait3A_111] : memref<1664xi32, #tpu.memory_space<vmem>> -> memref<200xi32, #tpu.memory_space<vmem>>
    %dma_wait3A_113 = tpu.memref_slice %arg2[%mul3A_47] : memref<25600xi32, #tpu.memory_space<hbm>> -> memref<200xi32, #tpu.memory_space<hbm>>
    %dma_wait3A_114 = arith.constant 832 : i32
    %dma_wait3A_115 = tpu.memref_slice %arg6[%dma_wait3A_114] : memref<1664xi32, #tpu.memory_space<vmem>> -> memref<200xi32, #tpu.memory_space<vmem>>
    %dma_wait3A_116 = tpu.memref_slice %arg2[%mul3A_47] : memref<25600xi32, #tpu.memory_space<hbm>> -> memref<200xi32, #tpu.memory_space<hbm>>
    tpu.wait_dma2 semaphore(%arg17 : memref<!tpu.dma_semaphore, #tpu.memory_space<semaphore_mem>>) src(%dma_wait3A_116 : memref<200xi32, #tpu.memory_space<hbm>>) dst(%dma_wait3A_115 : memref<200xi32, #tpu.memory_space<vmem>>)
    %dma_wait3A_117 = arith.constant 1040 : i32
    %dma_wait3A_118 = tpu.memref_slice %arg6[%dma_wait3A_117] : memref<1664xi32, #tpu.memory_space<vmem>> -> memref<200xi32, #tpu.memory_space<vmem>>
    %dma_wait3A_119 = tpu.memref_slice %arg2[%mul3A_57] : memref<25600xi32, #tpu.memory_space<hbm>> -> memref<200xi32, #tpu.memory_space<hbm>>
    %dma_wait3A_120 = arith.constant 1040 : i32
    %dma_wait3A_121 = tpu.memref_slice %arg6[%dma_wait3A_120] : memref<1664xi32, #tpu.memory_space<vmem>> -> memref<200xi32, #tpu.memory_space<vmem>>
    %dma_wait3A_122 = tpu.memref_slice %arg2[%mul3A_57] : memref<25600xi32, #tpu.memory_space<hbm>> -> memref<200xi32, #tpu.memory_space<hbm>>
    tpu.wait_dma2 semaphore(%arg17 : memref<!tpu.dma_semaphore, #tpu.memory_space<semaphore_mem>>) src(%dma_wait3A_122 : memref<200xi32, #tpu.memory_space<hbm>>) dst(%dma_wait3A_121 : memref<200xi32, #tpu.memory_space<vmem>>)
    %dma_wait3A_123 = arith.constant 1248 : i32
    %dma_wait3A_124 = tpu.memref_slice %arg6[%dma_wait3A_123] : memref<1664xi32, #tpu.memory_space<vmem>> -> memref<200xi32, #tpu.memory_space<vmem>>
    %dma_wait3A_125 = tpu.memref_slice %arg2[%mul3A_67] : memref<25600xi32, #tpu.memory_space<hbm>> -> memref<200xi32, #tpu.memory_space<hbm>>
    %dma_wait3A_126 = arith.constant 1248 : i32
    %dma_wait3A_127 = tpu.memref_slice %arg6[%dma_wait3A_126] : memref<1664xi32, #tpu.memory_space<vmem>> -> memref<200xi32, #tpu.memory_space<vmem>>
    %dma_wait3A_128 = tpu.memref_slice %arg2[%mul3A_67] : memref<25600xi32, #tpu.memory_space<hbm>> -> memref<200xi32, #tpu.memory_space<hbm>>
    tpu.wait_dma2 semaphore(%arg17 : memref<!tpu.dma_semaphore, #tpu.memory_space<semaphore_mem>>) src(%dma_wait3A_128 : memref<200xi32, #tpu.memory_space<hbm>>) dst(%dma_wait3A_127 : memref<200xi32, #tpu.memory_space<vmem>>)
    %dma_wait3A_129 = arith.constant 1456 : i32
    %dma_wait3A_130 = tpu.memref_slice %arg6[%dma_wait3A_129] : memref<1664xi32, #tpu.memory_space<vmem>> -> memref<200xi32, #tpu.memory_space<vmem>>
    %dma_wait3A_131 = tpu.memref_slice %arg2[%mul3A_77] : memref<25600xi32, #tpu.memory_space<hbm>> -> memref<200xi32, #tpu.memory_space<hbm>>
    %dma_wait3A_132 = arith.constant 1456 : i32
    %dma_wait3A_133 = tpu.memref_slice %arg6[%dma_wait3A_132] : memref<1664xi32, #tpu.memory_space<vmem>> -> memref<200xi32, #tpu.memory_space<vmem>>
    %dma_wait3A_134 = tpu.memref_slice %arg2[%mul3A_77] : memref<25600xi32, #tpu.memory_space<hbm>> -> memref<200xi32, #tpu.memory_space<hbm>>
    tpu.wait_dma2 semaphore(%arg17 : memref<!tpu.dma_semaphore, #tpu.memory_space<semaphore_mem>>) src(%dma_wait3A_134 : memref<200xi32, #tpu.memory_space<hbm>>) dst(%dma_wait3A_133 : memref<200xi32, #tpu.memory_space<vmem>>)
    %dma_wait3A_135 = tpu.memref_slice %arg3[%mul3A_85] : memref<2560xi32, #tpu.memory_space<hbm>> -> memref<160xi32, #tpu.memory_space<hbm>>
    %dma_wait3A_136 = tpu.memref_slice %arg3[%mul3A_85] : memref<2560xi32, #tpu.memory_space<hbm>> -> memref<160xi32, #tpu.memory_space<hbm>>
    tpu.wait_dma2 semaphore(%arg17 : memref<!tpu.dma_semaphore, #tpu.memory_space<semaphore_mem>>) src(%dma_wait3A_136 : memref<160xi32, #tpu.memory_space<hbm>>) dst(%arg9 : memref<160xi32, #tpu.memory_space<vmem>>)
    %add3A_137 = arith.constant 0 : i32
    %add3A_138 = arith.addi %mul3A_0, %add3A_137 : i32
    %mul3A_139 = arith.constant 100000 : i32
    %mul3A_140 = arith.muli %add3A_138, %mul3A_139 : i32
    %broadcast_in_dim3A_141 = vector.broadcast %mul3A_140 : i32 to vector<16xi32>
    %get3A = arith.constant 0 : index
    %get3A_142 = tpu.vector_load %arg6[%get3A] {strides = array<i32>} : memref<1664xi32, #tpu.memory_space<vmem>>, vector<16xi32>,
    %add3A_143 = arith.addi %get3A_142, %broadcast_in_dim3A_141 : vector<16xi32>
    %swap3A = arith.constant 0 : index
    %swap3A_144 = tpu.vector_load %arg7[%swap3A] {strides = array<i32>} : memref<1664xi32, #tpu.memory_space<vmem>>, vector<16xi32>,
    tpu.vector_store %arg7[%swap3A], %add3A_143 {strides = array<i32>} : memref<1664xi32, #tpu.memory_space<vmem>>, vector<16xi32>,
    %get3A_145 = arith.constant 16 : index
    %get3A_146 = tpu.vector_load %arg6[%get3A_145] {strides = array<i32>} : memref<1664xi32, #tpu.memory_space<vmem>>, vector<16xi32>,
    %add3A_147 = arith.addi %get3A_146, %broadcast_in_dim3A_141 : vector<16xi32>
    %swap3A_148 = arith.constant 16 : index
    %swap3A_149 = tpu.vector_load %arg7[%swap3A_148] {strides = array<i32>} : memref<1664xi32, #tpu.memory_space<vmem>>, vector<16xi32>,
    tpu.vector_store %arg7[%swap3A_148], %add3A_147 {strides = array<i32>} : memref<1664xi32, #tpu.memory_space<vmem>>, vector<16xi32>,
    %get3A_150 = arith.constant 32 : index
    %get3A_151 = tpu.vector_load %arg6[%get3A_150] {strides = array<i32>} : memref<1664xi32, #tpu.memory_space<vmem>>, vector<16xi32>,
    %add3A_152 = arith.addi %get3A_151, %broadcast_in_dim3A_141 : vector<16xi32>
    %swap3A_153 = arith.constant 32 : index
    %swap3A_154 = tpu.vector_load %arg7[%swap3A_153] {strides = array<i32>} : memref<1664xi32, #tpu.memory_space<vmem>>, vector<16xi32>,
    tpu.vector_store %arg7[%swap3A_153], %add3A_152 {strides = array<i32>} : memref<1664xi32, #tpu.memory_space<vmem>>, vector<16xi32>,
    %get3A_155 = arith.constant 48 : index
    %get3A_156 = tpu.vector_load %arg6[%get3A_155] {strides = array<i32>} : memref<1664xi32, #tpu.memory_space<vmem>>, vector<16xi32>,
    %add3A_157 = arith.addi %get3A_156, %broadcast_in_dim3A_141 : vector<16xi32>
    %swap3A_158 = arith.constant 48 : index
    %swap3A_159 = tpu.vector_load %arg7[%swap3A_158] {strides = array<i32>} : memref<1664xi32, #tpu.memory_space<vmem>>, vector<16xi32>,
    tpu.vector_store %arg7[%swap3A_158], %add3A_157 {strides = array<i32>} : memref<1664xi32, #tpu.memory_space<vmem>>, vector<16xi32>,
    %get3A_160 = arith.constant 64 : index
    %get3A_161 = tpu.vector_load %arg6[%get3A_160] {strides = array<i32>} : memref<1664xi32, #tpu.memory_space<vmem>>, vector<16xi32>,
    %add3A_162 = arith.addi %get3A_161, %broadcast_in_dim3A_141 : vector<16xi32>
    %swap3A_163 = arith.constant 64 : index
    %swap3A_164 = tpu.vector_load %arg7[%swap3A_163] {strides = array<i32>} : memref<1664xi32, #tpu.memory_space<vmem>>, vector<16xi32>,
    tpu.vector_store %arg7[%swap3A_163], %add3A_162 {strides = array<i32>} : memref<1664xi32, #tpu.memory_space<vmem>>, vector<16xi32>,
    %get3A_165 = arith.constant 80 : index
    %get3A_166 = tpu.vector_load %arg6[%get3A_165] {strides = array<i32>} : memref<1664xi32, #tpu.memory_space<vmem>>, vector<16xi32>,
    %add3A_167 = arith.addi %get3A_166, %broadcast_in_dim3A_141 : vector<16xi32>
    %swap3A_168 = arith.constant 80 : index
    %swap3A_169 = tpu.vector_load %arg7[%swap3A_168] {strides = array<i32>} : memref<1664xi32, #tpu.memory_space<vmem>>, vector<16xi32>,
    tpu.vector_store %arg7[%swap3A_168], %add3A_167 {strides = array<i32>} : memref<1664xi32, #tpu.memory_space<vmem>>, vector<16xi32>,
    %get3A_170 = arith.constant 96 : index
    %get3A_171 = tpu.vector_load %arg6[%get3A_170] {strides = array<i32>} : memref<1664xi32, #tpu.memory_space<vmem>>, vector<16xi32>,
    %add3A_172 = arith.addi %get3A_171, %broadcast_in_dim3A_141 : vector<16xi32>
    %swap3A_173 = arith.constant 96 : index
    %swap3A_174 = tpu.vector_load %arg7[%swap3A_173] {strides = array<i32>} : memref<1664xi32, #tpu.memory_space<vmem>>, vector<16xi32>,
    tpu.vector_store %arg7[%swap3A_173], %add3A_172 {strides = array<i32>} : memref<1664xi32, #tpu.memory_space<vmem>>, vector<16xi32>,
    %get3A_175 = arith.constant 112 : index
    %get3A_176 = tpu.vector_load %arg6[%get3A_175] {strides = array<i32>} : memref<1664xi32, #tpu.memory_space<vmem>>, vector<16xi32>,
    %add3A_177 = arith.addi %get3A_176, %broadcast_in_dim3A_141 : vector<16xi32>
    %swap3A_178 = arith.constant 112 : index
    %swap3A_179 = tpu.vector_load %arg7[%swap3A_178] {strides = array<i32>} : memref<1664xi32, #tpu.memory_space<vmem>>, vector<16xi32>,
    tpu.vector_store %arg7[%swap3A_178], %add3A_177 {strides = array<i32>} : memref<1664xi32, #tpu.memory_space<vmem>>, vector<16xi32>,
    %get3A_180 = arith.constant 128 : index
    %get3A_181 = tpu.vector_load %arg6[%get3A_180] {strides = array<i32>} : memref<1664xi32, #tpu.memory_space<vmem>>, vector<16xi32>,
    %add3A_182 = arith.addi %get3A_181, %broadcast_in_dim3A_141 : vector<16xi32>
    %swap3A_183 = arith.constant 128 : index
    %swap3A_184 = tpu.vector_load %arg7[%swap3A_183] {strides = array<i32>} : memref<1664xi32, #tpu.memory_space<vmem>>, vector<16xi32>,
    tpu.vector_store %arg7[%swap3A_183], %add3A_182 {strides = array<i32>} : memref<1664xi32, #tpu.memory_space<vmem>>, vector<16xi32>,
    %get3A_185 = arith.constant 144 : index
    %get3A_186 = tpu.vector_load %arg6[%get3A_185] {strides = array<i32>} : memref<1664xi32, #tpu.memory_space<vmem>>, vector<16xi32>,
    %add3A_187 = arith.addi %get3A_186, %broadcast_in_dim3A_141 : vector<16xi32>
    %swap3A_188 = arith.constant 144 : index
    %swap3A_189 = tpu.vector_load %arg7[%swap3A_188] {strides = array<i32>} : memref<1664xi32, #tpu.memory_space<vmem>>, vector<16xi32>,
    tpu.vector_store %arg7[%swap3A_188], %add3A_187 {strides = array<i32>} : memref<1664xi32, #tpu.memory_space<vmem>>, vector<16xi32>,
    %get3A_190 = arith.constant 160 : index
    %get3A_191 = tpu.vector_load %arg6[%get3A_190] {strides = array<i32>} : memref<1664xi32, #tpu.memory_space<vmem>>, vector<16xi32>,
    %add3A_192 = arith.addi %get3A_191, %broadcast_in_dim3A_141 : vector<16xi32>
    %swap3A_193 = arith.constant 160 : index
    %swap3A_194 = tpu.vector_load %arg7[%swap3A_193] {strides = array<i32>} : memref<1664xi32, #tpu.memory_space<vmem>>, vector<16xi32>,
    tpu.vector_store %arg7[%swap3A_193], %add3A_192 {strides = array<i32>} : memref<1664xi32, #tpu.memory_space<vmem>>, vector<16xi32>,
    %get3A_195 = arith.constant 176 : index
    %get3A_196 = tpu.vector_load %arg6[%get3A_195] {strides = array<i32>} : memref<1664xi32, #tpu.memory_space<vmem>>, vector<16xi32>,
    %add3A_197 = arith.addi %get3A_196, %broadcast_in_dim3A_141 : vector<16xi32>
    %swap3A_198 = arith.constant 176 : index
    %swap3A_199 = tpu.vector_load %arg7[%swap3A_198] {strides = array<i32>} : memref<1664xi32, #tpu.memory_space<vmem>>, vector<16xi32>,
    tpu.vector_store %arg7[%swap3A_198], %add3A_197 {strides = array<i32>} : memref<1664xi32, #tpu.memory_space<vmem>>, vector<16xi32>,
    %get3A_200 = arith.constant 192 : index
    %get3A_201 = tpu.vector_load %arg6[%get3A_200] {strides = array<i32>} : memref<1664xi32, #tpu.memory_space<vmem>>, vector<16xi32>,
    %add3A_202 = arith.addi %get3A_201, %broadcast_in_dim3A_141 : vector<16xi32>
    %select_n3A = arith.select %lt3A, %add3A_202, %broadcast_in_dim3A_3 : vector<16xi1>, vector<16xi32>
    %swap3A_203 = arith.constant 192 : index
    %swap3A_204 = tpu.vector_load %arg7[%swap3A_203] {strides = array<i32>} : memref<1664xi32, #tpu.memory_space<vmem>>, vector<16xi32>,
    tpu.vector_store %arg7[%swap3A_203], %select_n3A {strides = array<i32>} : memref<1664xi32, #tpu.memory_space<vmem>>, vector<16xi32>,
    %add3A_205 = arith.constant 1 : i32
    %add3A_206 = arith.addi %mul3A_0, %add3A_205 : i32
    %mul3A_207 = arith.constant 100000 : i32
    %mul3A_208 = arith.muli %add3A_206, %mul3A_207 : i32
    %broadcast_in_dim3A_209 = vector.broadcast %mul3A_208 : i32 to vector<16xi32>
    %get3A_210 = arith.constant 208 : index
    %get3A_211 = tpu.vector_load %arg6[%get3A_210] {strides = array<i32>} : memref<1664xi32, #tpu.memory_space<vmem>>, vector<16xi32>,
    %add3A_212 = arith.addi %get3A_211, %broadcast_in_dim3A_209 : vector<16xi32>
    %swap3A_213 = arith.constant 208 : index
    %swap3A_214 = tpu.vector_load %arg7[%swap3A_213] {strides = array<i32>} : memref<1664xi32, #tpu.memory_space<vmem>>, vector<16xi32>,
    tpu.vector_store %arg7[%swap3A_213], %add3A_212 {strides = array<i32>} : memref<1664xi32, #tpu.memory_space<vmem>>, vector<16xi32>,
    %get3A_215 = arith.constant 224 : index
    %get3A_216 = tpu.vector_load %arg6[%get3A_215] {strides = array<i32>} : memref<1664xi32, #tpu.memory_space<vmem>>, vector<16xi32>,
    %add3A_217 = arith.addi %get3A_216, %broadcast_in_dim3A_209 : vector<16xi32>
    %swap3A_218 = arith.constant 224 : index
    %swap3A_219 = tpu.vector_load %arg7[%swap3A_218] {strides = array<i32>} : memref<1664xi32, #tpu.memory_space<vmem>>, vector<16xi32>,
    tpu.vector_store %arg7[%swap3A_218], %add3A_217 {strides = array<i32>} : memref<1664xi32, #tpu.memory_space<vmem>>, vector<16xi32>,
    %get3A_220 = arith.constant 240 : index
    %get3A_221 = tpu.vector_load %arg6[%get3A_220] {strides = array<i32>} : memref<1664xi32, #tpu.memory_space<vmem>>, vector<16xi32>,
    %add3A_222 = arith.addi %get3A_221, %broadcast_in_dim3A_209 : vector<16xi32>
    %swap3A_223 = arith.constant 240 : index
    %swap3A_224 = tpu.vector_load %arg7[%swap3A_223] {strides = array<i32>} : memref<1664xi32, #tpu.memory_space<vmem>>, vector<16xi32>,
    tpu.vector_store %arg7[%swap3A_223], %add3A_222 {strides = array<i32>} : memref<1664xi32, #tpu.memory_space<vmem>>, vector<16xi32>,
    %get3A_225 = arith.constant 256 : index
    %get3A_226 = tpu.vector_load %arg6[%get3A_225] {strides = array<i32>} : memref<1664xi32, #tpu.memory_space<vmem>>, vector<16xi32>,
    %add3A_227 = arith.addi %get3A_226, %broadcast_in_dim3A_209 : vector<16xi32>
    %swap3A_228 = arith.constant 256 : index
    %swap3A_229 = tpu.vector_load %arg7[%swap3A_228] {strides = array<i32>} : memref<1664xi32, #tpu.memory_space<vmem>>, vector<16xi32>,
    tpu.vector_store %arg7[%swap3A_228], %add3A_227 {strides = array<i32>} : memref<1664xi32, #tpu.memory_space<vmem>>, vector<16xi32>,
    %get3A_230 = arith.constant 272 : index
    %get3A_231 = tpu.vector_load %arg6[%get3A_230] {strides = array<i32>} : memref<1664xi32, #tpu.memory_space<vmem>>, vector<16xi32>,
    %add3A_232 = arith.addi %get3A_231, %broadcast_in_dim3A_209 : vector<16xi32>
    %swap3A_233 = arith.constant 272 : index
    %swap3A_234 = tpu.vector_load %arg7[%swap3A_233] {strides = array<i32>} : memref<1664xi32, #tpu.memory_space<vmem>>, vector<16xi32>,
    tpu.vector_store %arg7[%swap3A_233], %add3A_232 {strides = array<i32>} : memref<1664xi32, #tpu.memory_space<vmem>>, vector<16xi32>,
    %get3A_235 = arith.constant 288 : index
    %get3A_236 = tpu.vector_load %arg6[%get3A_235] {strides = array<i32>} : memref<1664xi32, #tpu.memory_space<vmem>>, vector<16xi32>,
    %add3A_237 = arith.addi %get3A_236, %broadcast_in_dim3A_209 : vector<16xi32>
    %swap3A_238 = arith.constant 288 : index
    %swap3A_239 = tpu.vector_load %arg7[%swap3A_238] {strides = array<i32>} : memref<1664xi32, #tpu.memory_space<vmem>>, vector<16xi32>,
    tpu.vector_store %arg7[%swap3A_238], %add3A_237 {strides = array<i32>} : memref<1664xi32, #tpu.memory_space<vmem>>, vector<16xi32>,
    %get3A_240 = arith.constant 304 : index
    %get3A_241 = tpu.vector_load %arg6[%get3A_240] {strides = array<i32>} : memref<1664xi32, #tpu.memory_space<vmem>>, vector<16xi32>,
    %add3A_242 = arith.addi %get3A_241, %broadcast_in_dim3A_209 : vector<16xi32>
    %swap3A_243 = arith.constant 304 : index
    %swap3A_244 = tpu.vector_load %arg7[%swap3A_243] {strides = array<i32>} : memref<1664xi32, #tpu.memory_space<vmem>>, vector<16xi32>,
    tpu.vector_store %arg7[%swap3A_243], %add3A_242 {strides = array<i32>} : memref<1664xi32, #tpu.memory_space<vmem>>, vector<16xi32>,
    %get3A_245 = arith.constant 320 : index
    %get3A_246 = tpu.vector_load %arg6[%get3A_245] {strides = array<i32>} : memref<1664xi32, #tpu.memory_space<vmem>>, vector<16xi32>,
    %add3A_247 = arith.addi %get3A_246, %broadcast_in_dim3A_209 : vector<16xi32>
    %swap3A_248 = arith.constant 320 : index
    %swap3A_249 = tpu.vector_load %arg7[%swap3A_248] {strides = array<i32>} : memref<1664xi32, #tpu.memory_space<vmem>>, vector<16xi32>,
    tpu.vector_store %arg7[%swap3A_248], %add3A_247 {strides = array<i32>} : memref<1664xi32, #tpu.memory_space<vmem>>, vector<16xi32>,
    %get3A_250 = arith.constant 336 : index
    %get3A_251 = tpu.vector_load %arg6[%get3A_250] {strides = array<i32>} : memref<1664xi32, #tpu.memory_space<vmem>>, vector<16xi32>,
    %add3A_252 = arith.addi %get3A_251, %broadcast_in_dim3A_209 : vector<16xi32>
    %swap3A_253 = arith.constant 336 : index
    %swap3A_254 = tpu.vector_load %arg7[%swap3A_253] {strides = array<i32>} : memref<1664xi32, #tpu.memory_space<vmem>>, vector<16xi32>,
    tpu.vector_store %arg7[%swap3A_253], %add3A_252 {strides = array<i32>} : memref<1664xi32, #tpu.memory_space<vmem>>, vector<16xi32>,
    %get3A_255 = arith.constant 352 : index
    %get3A_256 = tpu.vector_load %arg6[%get3A_255] {strides = array<i32>} : memref<1664xi32, #tpu.memory_space<vmem>>, vector<16xi32>,
    %add3A_257 = arith.addi %get3A_256, %broadcast_in_dim3A_209 : vector<16xi32>
    %swap3A_258 = arith.constant 352 : index
    %swap3A_259 = tpu.vector_load %arg7[%swap3A_258] {strides = array<i32>} : memref<1664xi32, #tpu.memory_space<vmem>>, vector<16xi32>,
    tpu.vector_store %arg7[%swap3A_258], %add3A_257 {strides = array<i32>} : memref<1664xi32, #tpu.memory_space<vmem>>, vector<16xi32>,
    %get3A_260 = arith.constant 368 : index
    %get3A_261 = tpu.vector_load %arg6[%get3A_260] {strides = array<i32>} : memref<1664xi32, #tpu.memory_space<vmem>>, vector<16xi32>,
    %add3A_262 = arith.addi %get3A_261, %broadcast_in_dim3A_209 : vector<16xi32>
    %swap3A_263 = arith.constant 368 : index
    %swap3A_264 = tpu.vector_load %arg7[%swap3A_263] {strides = array<i32>} : memref<1664xi32, #tpu.memory_space<vmem>>, vector<16xi32>,
    tpu.vector_store %arg7[%swap3A_263], %add3A_262 {strides = array<i32>} : memref<1664xi32, #tpu.memory_space<vmem>>, vector<16xi32>,
    %get3A_265 = arith.constant 384 : index
    %get3A_266 = tpu.vector_load %arg6[%get3A_265] {strides = array<i32>} : memref<1664xi32, #tpu.memory_space<vmem>>, vector<16xi32>,
    %add3A_267 = arith.addi %get3A_266, %broadcast_in_dim3A_209 : vector<16xi32>
    %swap3A_268 = arith.constant 384 : index
    %swap3A_269 = tpu.vector_load %arg7[%swap3A_268] {strides = array<i32>} : memref<1664xi32, #tpu.memory_space<vmem>>, vector<16xi32>,
    tpu.vector_store %arg7[%swap3A_268], %add3A_267 {strides = array<i32>} : memref<1664xi32, #tpu.memory_space<vmem>>, vector<16xi32>,
    %get3A_270 = arith.constant 400 : index
    %get3A_271 = tpu.vector_load %arg6[%get3A_270] {strides = array<i32>} : memref<1664xi32, #tpu.memory_space<vmem>>, vector<16xi32>,
    %add3A_272 = arith.addi %get3A_271, %broadcast_in_dim3A_209 : vector<16xi32>
    %select_n3A_273 = arith.select %lt3A, %add3A_272, %broadcast_in_dim3A_3 : vector<16xi1>, vector<16xi32>
    %swap3A_274 = arith.constant 400 : index
    %swap3A_275 = tpu.vector_load %arg7[%swap3A_274] {strides = array<i32>} : memref<1664xi32, #tpu.memory_space<vmem>>, vector<16xi32>,
    tpu.vector_store %arg7[%swap3A_274], %select_n3A_273 {strides = array<i32>} : memref<1664xi32, #tpu.memory_space<vmem>>, vector<16xi32>,
    %add3A_276 = arith.constant 2 : i32
    %add3A_277 = arith.addi %mul3A_0, %add3A_276 : i32
    %mul3A_278 = arith.constant 100000 : i32
    %mul3A_279 = arith.muli %add3A_277, %mul3A_278 : i32
    %broadcast_in_dim3A_280 = vector.broadcast %mul3A_279 : i32 to vector<16xi32>
    %get3A_281 = arith.constant 416 : index
    %get3A_282 = tpu.vector_load %arg6[%get3A_281] {strides = array<i32>} : memref<1664xi32, #tpu.memory_space<vmem>>, vector<16xi32>,
    %add3A_283 = arith.addi %get3A_282, %broadcast_in_dim3A_280 : vector<16xi32>
    %swap3A_284 = arith.constant 416 : index
    %swap3A_285 = tpu.vector_load %arg7[%swap3A_284] {strides = array<i32>} : memref<1664xi32, #tpu.memory_space<vmem>>, vector<16xi32>,
    tpu.vector_store %arg7[%swap3A_284], %add3A_283 {strides = array<i32>} : memref<1664xi32, #tpu.memory_space<vmem>>, vector<16xi32>,
    %get3A_286 = arith.constant 432 : index
    %get3A_287 = tpu.vector_load %arg6[%get3A_286] {strides = array<i32>} : memref<1664xi32, #tpu.memory_space<vmem>>, vector<16xi32>,
    %add3A_288 = arith.addi %get3A_287, %broadcast_in_dim3A_280 : vector<16xi32>
    %swap3A_289 = arith.constant 432 : index
    %swap3A_290 = tpu.vector_load %arg7[%swap3A_289] {strides = array<i32>} : memref<1664xi32, #tpu.memory_space<vmem>>, vector<16xi32>,
    tpu.vector_store %arg7[%swap3A_289], %add3A_288 {strides = array<i32>} : memref<1664xi32, #tpu.memory_space<vmem>>, vector<16xi32>,
    %get3A_291 = arith.constant 448 : index
    %get3A_292 = tpu.vector_load %arg6[%get3A_291] {strides = array<i32>} : memref<1664xi32, #tpu.memory_space<vmem>>, vector<16xi32>,
    %add3A_293 = arith.addi %get3A_292, %broadcast_in_dim3A_280 : vector<16xi32>
    %swap3A_294 = arith.constant 448 : index
    %swap3A_295 = tpu.vector_load %arg7[%swap3A_294] {strides = array<i32>} : memref<1664xi32, #tpu.memory_space<vmem>>, vector<16xi32>,
    tpu.vector_store %arg7[%swap3A_294], %add3A_293 {strides = array<i32>} : memref<1664xi32, #tpu.memory_space<vmem>>, vector<16xi32>,
    %get3A_296 = arith.constant 464 : index
    %get3A_297 = tpu.vector_load %arg6[%get3A_296] {strides = array<i32>} : memref<1664xi32, #tpu.memory_space<vmem>>, vector<16xi32>,
    %add3A_298 = arith.addi %get3A_297, %broadcast_in_dim3A_280 : vector<16xi32>
    %swap3A_299 = arith.constant 464 : index
    %swap3A_300 = tpu.vector_load %arg7[%swap3A_299] {strides = array<i32>} : memref<1664xi32, #tpu.memory_space<vmem>>, vector<16xi32>,
    tpu.vector_store %arg7[%swap3A_299], %add3A_298 {strides = array<i32>} : memref<1664xi32, #tpu.memory_space<vmem>>, vector<16xi32>,
    %get3A_301 = arith.constant 480 : index
    %get3A_302 = tpu.vector_load %arg6[%get3A_301] {strides = array<i32>} : memref<1664xi32, #tpu.memory_space<vmem>>, vector<16xi32>,
    %add3A_303 = arith.addi %get3A_302, %broadcast_in_dim3A_280 : vector<16xi32>
    %swap3A_304 = arith.constant 480 : index
    %swap3A_305 = tpu.vector_load %arg7[%swap3A_304] {strides = array<i32>} : memref<1664xi32, #tpu.memory_space<vmem>>, vector<16xi32>,
    tpu.vector_store %arg7[%swap3A_304], %add3A_303 {strides = array<i32>} : memref<1664xi32, #tpu.memory_space<vmem>>, vector<16xi32>,
    %get3A_306 = arith.constant 496 : index
    %get3A_307 = tpu.vector_load %arg6[%get3A_306] {strides = array<i32>} : memref<1664xi32, #tpu.memory_space<vmem>>, vector<16xi32>,
    %add3A_308 = arith.addi %get3A_307, %broadcast_in_dim3A_280 : vector<16xi32>
    %swap3A_309 = arith.constant 496 : index
    %swap3A_310 = tpu.vector_load %arg7[%swap3A_309] {strides = array<i32>} : memref<1664xi32, #tpu.memory_space<vmem>>, vector<16xi32>,
    tpu.vector_store %arg7[%swap3A_309], %add3A_308 {strides = array<i32>} : memref<1664xi32, #tpu.memory_space<vmem>>, vector<16xi32>,
    %get3A_311 = arith.constant 512 : index
    %get3A_312 = tpu.vector_load %arg6[%get3A_311] {strides = array<i32>} : memref<1664xi32, #tpu.memory_space<vmem>>, vector<16xi32>,
    %add3A_313 = arith.addi %get3A_312, %broadcast_in_dim3A_280 : vector<16xi32>
    %swap3A_314 = arith.constant 512 : index
    %swap3A_315 = tpu.vector_load %arg7[%swap3A_314] {strides = array<i32>} : memref<1664xi32, #tpu.memory_space<vmem>>, vector<16xi32>,
    tpu.vector_store %arg7[%swap3A_314], %add3A_313 {strides = array<i32>} : memref<1664xi32, #tpu.memory_space<vmem>>, vector<16xi32>,
    %get3A_316 = arith.constant 528 : index
    %get3A_317 = tpu.vector_load %arg6[%get3A_316] {strides = array<i32>} : memref<1664xi32, #tpu.memory_space<vmem>>, vector<16xi32>,
    %add3A_318 = arith.addi %get3A_317, %broadcast_in_dim3A_280 : vector<16xi32>
    %swap3A_319 = arith.constant 528 : index
    %swap3A_320 = tpu.vector_load %arg7[%swap3A_319] {strides = array<i32>} : memref<1664xi32, #tpu.memory_space<vmem>>, vector<16xi32>,
    tpu.vector_store %arg7[%swap3A_319], %add3A_318 {strides = array<i32>} : memref<1664xi32, #tpu.memory_space<vmem>>, vector<16xi32>,
    %get3A_321 = arith.constant 544 : index
    %get3A_322 = tpu.vector_load %arg6[%get3A_321] {strides = array<i32>} : memref<1664xi32, #tpu.memory_space<vmem>>, vector<16xi32>,
    %add3A_323 = arith.addi %get3A_322, %broadcast_in_dim3A_280 : vector<16xi32>
    %swap3A_324 = arith.constant 544 : index
    %swap3A_325 = tpu.vector_load %arg7[%swap3A_324] {strides = array<i32>} : memref<1664xi32, #tpu.memory_space<vmem>>, vector<16xi32>,
    tpu.vector_store %arg7[%swap3A_324], %add3A_323 {strides = array<i32>} : memref<1664xi32, #tpu.memory_space<vmem>>, vector<16xi32>,
    %get3A_326 = arith.constant 560 : index
    %get3A_327 = tpu.vector_load %arg6[%get3A_326] {strides = array<i32>} : memref<1664xi32, #tpu.memory_space<vmem>>, vector<16xi32>,
    %add3A_328 = arith.addi %get3A_327, %broadcast_in_dim3A_280 : vector<16xi32>
    %swap3A_329 = arith.constant 560 : index
    %swap3A_330 = tpu.vector_load %arg7[%swap3A_329] {strides = array<i32>} : memref<1664xi32, #tpu.memory_space<vmem>>, vector<16xi32>,
    tpu.vector_store %arg7[%swap3A_329], %add3A_328 {strides = array<i32>} : memref<1664xi32, #tpu.memory_space<vmem>>, vector<16xi32>,
    %get3A_331 = arith.constant 576 : index
    %get3A_332 = tpu.vector_load %arg6[%get3A_331] {strides = array<i32>} : memref<1664xi32, #tpu.memory_space<vmem>>, vector<16xi32>,
    %add3A_333 = arith.addi %get3A_332, %broadcast_in_dim3A_280 : vector<16xi32>
    %swap3A_334 = arith.constant 576 : index
    %swap3A_335 = tpu.vector_load %arg7[%swap3A_334] {strides = array<i32>} : memref<1664xi32, #tpu.memory_space<vmem>>, vector<16xi32>,
    tpu.vector_store %arg7[%swap3A_334], %add3A_333 {strides = array<i32>} : memref<1664xi32, #tpu.memory_space<vmem>>, vector<16xi32>,
    %get3A_336 = arith.constant 592 : index
    %get3A_337 = tpu.vector_load %arg6[%get3A_336] {strides = array<i32>} : memref<1664xi32, #tpu.memory_space<vmem>>, vector<16xi32>,
    %add3A_338 = arith.addi %get3A_337, %broadcast_in_dim3A_280 : vector<16xi32>
    %swap3A_339 = arith.constant 592 : index
    %swap3A_340 = tpu.vector_load %arg7[%swap3A_339] {strides = array<i32>} : memref<1664xi32, #tpu.memory_space<vmem>>, vector<16xi32>,
    tpu.vector_store %arg7[%swap3A_339], %add3A_338 {strides = array<i32>} : memref<1664xi32, #tpu.memory_space<vmem>>, vector<16xi32>,
    %get3A_341 = arith.constant 608 : index
    %get3A_342 = tpu.vector_load %arg6[%get3A_341] {strides = array<i32>} : memref<1664xi32, #tpu.memory_space<vmem>>, vector<16xi32>,
    %add3A_343 = arith.addi %get3A_342, %broadcast_in_dim3A_280 : vector<16xi32>
    %select_n3A_344 = arith.select %lt3A, %add3A_343, %broadcast_in_dim3A_3 : vector<16xi1>, vector<16xi32>
    %swap3A_345 = arith.constant 608 : index
    %swap3A_346 = tpu.vector_load %arg7[%swap3A_345] {strides = array<i32>} : memref<1664xi32, #tpu.memory_space<vmem>>, vector<16xi32>,
    tpu.vector_store %arg7[%swap3A_345], %select_n3A_344 {strides = array<i32>} : memref<1664xi32, #tpu.memory_space<vmem>>, vector<16xi32>,
    %add3A_347 = arith.constant 3 : i32
    %add3A_348 = arith.addi %mul3A_0, %add3A_347 : i32
    %mul3A_349 = arith.constant 100000 : i32
    %mul3A_350 = arith.muli %add3A_348, %mul3A_349 : i32
    %broadcast_in_dim3A_351 = vector.broadcast %mul3A_350 : i32 to vector<16xi32>
    %get3A_352 = arith.constant 624 : index
    %get3A_353 = tpu.vector_load %arg6[%get3A_352] {strides = array<i32>} : memref<1664xi32, #tpu.memory_space<vmem>>, vector<16xi32>,
    %add3A_354 = arith.addi %get3A_353, %broadcast_in_dim3A_351 : vector<16xi32>
    %swap3A_355 = arith.constant 624 : index
    %swap3A_356 = tpu.vector_load %arg7[%swap3A_355] {strides = array<i32>} : memref<1664xi32, #tpu.memory_space<vmem>>, vector<16xi32>,
    tpu.vector_store %arg7[%swap3A_355], %add3A_354 {strides = array<i32>} : memref<1664xi32, #tpu.memory_space<vmem>>, vector<16xi32>,
    %get3A_357 = arith.constant 640 : index
    %get3A_358 = tpu.vector_load %arg6[%get3A_357] {strides = array<i32>} : memref<1664xi32, #tpu.memory_space<vmem>>, vector<16xi32>,
    %add3A_359 = arith.addi %get3A_358, %broadcast_in_dim3A_351 : vector<16xi32>
    %swap3A_360 = arith.constant 640 : index
    %swap3A_361 = tpu.vector_load %arg7[%swap3A_360] {strides = array<i32>} : memref<1664xi32, #tpu.memory_space<vmem>>, vector<16xi32>,
    tpu.vector_store %arg7[%swap3A_360], %add3A_359 {strides = array<i32>} : memref<1664xi32, #tpu.memory_space<vmem>>, vector<16xi32>,
    %get3A_362 = arith.constant 656 : index
    %get3A_363 = tpu.vector_load %arg6[%get3A_362] {strides = array<i32>} : memref<1664xi32, #tpu.memory_space<vmem>>, vector<16xi32>,
    %add3A_364 = arith.addi %get3A_363, %broadcast_in_dim3A_351 : vector<16xi32>
    %swap3A_365 = arith.constant 656 : index
    %swap3A_366 = tpu.vector_load %arg7[%swap3A_365] {strides = array<i32>} : memref<1664xi32, #tpu.memory_space<vmem>>, vector<16xi32>,
    tpu.vector_store %arg7[%swap3A_365], %add3A_364 {strides = array<i32>} : memref<1664xi32, #tpu.memory_space<vmem>>, vector<16xi32>,
    %get3A_367 = arith.constant 672 : index
    %get3A_368 = tpu.vector_load %arg6[%get3A_367] {strides = array<i32>} : memref<1664xi32, #tpu.memory_space<vmem>>, vector<16xi32>,
    %add3A_369 = arith.addi %get3A_368, %broadcast_in_dim3A_351 : vector<16xi32>
    %swap3A_370 = arith.constant 672 : index
    %swap3A_371 = tpu.vector_load %arg7[%swap3A_370] {strides = array<i32>} : memref<1664xi32, #tpu.memory_space<vmem>>, vector<16xi32>,
    tpu.vector_store %arg7[%swap3A_370], %add3A_369 {strides = array<i32>} : memref<1664xi32, #tpu.memory_space<vmem>>, vector<16xi32>,
    %get3A_372 = arith.constant 688 : index
    %get3A_373 = tpu.vector_load %arg6[%get3A_372] {strides = array<i32>} : memref<1664xi32, #tpu.memory_space<vmem>>, vector<16xi32>,
    %add3A_374 = arith.addi %get3A_373, %broadcast_in_dim3A_351 : vector<16xi32>
    %swap3A_375 = arith.constant 688 : index
    %swap3A_376 = tpu.vector_load %arg7[%swap3A_375] {strides = array<i32>} : memref<1664xi32, #tpu.memory_space<vmem>>, vector<16xi32>,
    tpu.vector_store %arg7[%swap3A_375], %add3A_374 {strides = array<i32>} : memref<1664xi32, #tpu.memory_space<vmem>>, vector<16xi32>,
    %get3A_377 = arith.constant 704 : index
    %get3A_378 = tpu.vector_load %arg6[%get3A_377] {strides = array<i32>} : memref<1664xi32, #tpu.memory_space<vmem>>, vector<16xi32>,
    %add3A_379 = arith.addi %get3A_378, %broadcast_in_dim3A_351 : vector<16xi32>
    %swap3A_380 = arith.constant 704 : index
    %swap3A_381 = tpu.vector_load %arg7[%swap3A_380] {strides = array<i32>} : memref<1664xi32, #tpu.memory_space<vmem>>, vector<16xi32>,
    tpu.vector_store %arg7[%swap3A_380], %add3A_379 {strides = array<i32>} : memref<1664xi32, #tpu.memory_space<vmem>>, vector<16xi32>,
    %get3A_382 = arith.constant 720 : index
    %get3A_383 = tpu.vector_load %arg6[%get3A_382] {strides = array<i32>} : memref<1664xi32, #tpu.memory_space<vmem>>, vector<16xi32>,
    %add3A_384 = arith.addi %get3A_383, %broadcast_in_dim3A_351 : vector<16xi32>
    %swap3A_385 = arith.constant 720 : index
    %swap3A_386 = tpu.vector_load %arg7[%swap3A_385] {strides = array<i32>} : memref<1664xi32, #tpu.memory_space<vmem>>, vector<16xi32>,
    tpu.vector_store %arg7[%swap3A_385], %add3A_384 {strides = array<i32>} : memref<1664xi32, #tpu.memory_space<vmem>>, vector<16xi32>,
    %get3A_387 = arith.constant 736 : index
    %get3A_388 = tpu.vector_load %arg6[%get3A_387] {strides = array<i32>} : memref<1664xi32, #tpu.memory_space<vmem>>, vector<16xi32>,
    %add3A_389 = arith.addi %get3A_388, %broadcast_in_dim3A_351 : vector<16xi32>
    %swap3A_390 = arith.constant 736 : index
    %swap3A_391 = tpu.vector_load %arg7[%swap3A_390] {strides = array<i32>} : memref<1664xi32, #tpu.memory_space<vmem>>, vector<16xi32>,
    tpu.vector_store %arg7[%swap3A_390], %add3A_389 {strides = array<i32>} : memref<1664xi32, #tpu.memory_space<vmem>>, vector<16xi32>,
    %get3A_392 = arith.constant 752 : index
    %get3A_393 = tpu.vector_load %arg6[%get3A_392] {strides = array<i32>} : memref<1664xi32, #tpu.memory_space<vmem>>, vector<16xi32>,
    %add3A_394 = arith.addi %get3A_393, %broadcast_in_dim3A_351 : vector<16xi32>
    %swap3A_395 = arith.constant 752 : index
    %swap3A_396 = tpu.vector_load %arg7[%swap3A_395] {strides = array<i32>} : memref<1664xi32, #tpu.memory_space<vmem>>, vector<16xi32>,
    tpu.vector_store %arg7[%swap3A_395], %add3A_394 {strides = array<i32>} : memref<1664xi32, #tpu.memory_space<vmem>>, vector<16xi32>,
    %get3A_397 = arith.constant 768 : index
    %get3A_398 = tpu.vector_load %arg6[%get3A_397] {strides = array<i32>} : memref<1664xi32, #tpu.memory_space<vmem>>, vector<16xi32>,
    %add3A_399 = arith.addi %get3A_398, %broadcast_in_dim3A_351 : vector<16xi32>
    %swap3A_400 = arith.constant 768 : index
    %swap3A_401 = tpu.vector_load %arg7[%swap3A_400] {strides = array<i32>} : memref<1664xi32, #tpu.memory_space<vmem>>, vector<16xi32>,
    tpu.vector_store %arg7[%swap3A_400], %add3A_399 {strides = array<i32>} : memref<1664xi32, #tpu.memory_space<vmem>>, vector<16xi32>,
    %get3A_402 = arith.constant 784 : index
    %get3A_403 = tpu.vector_load %arg6[%get3A_402] {strides = array<i32>} : memref<1664xi32, #tpu.memory_space<vmem>>, vector<16xi32>,
    %add3A_404 = arith.addi %get3A_403, %broadcast_in_dim3A_351 : vector<16xi32>
    %swap3A_405 = arith.constant 784 : index
    %swap3A_406 = tpu.vector_load %arg7[%swap3A_405] {strides = array<i32>} : memref<1664xi32, #tpu.memory_space<vmem>>, vector<16xi32>,
    tpu.vector_store %arg7[%swap3A_405], %add3A_404 {strides = array<i32>} : memref<1664xi32, #tpu.memory_space<vmem>>, vector<16xi32>,
    %get3A_407 = arith.constant 800 : index
    %get3A_408 = tpu.vector_load %arg6[%get3A_407] {strides = array<i32>} : memref<1664xi32, #tpu.memory_space<vmem>>, vector<16xi32>,
    %add3A_409 = arith.addi %get3A_408, %broadcast_in_dim3A_351 : vector<16xi32>
    %swap3A_410 = arith.constant 800 : index
    %swap3A_411 = tpu.vector_load %arg7[%swap3A_410] {strides = array<i32>} : memref<1664xi32, #tpu.memory_space<vmem>>, vector<16xi32>,
    tpu.vector_store %arg7[%swap3A_410], %add3A_409 {strides = array<i32>} : memref<1664xi32, #tpu.memory_space<vmem>>, vector<16xi32>,
    %get3A_412 = arith.constant 816 : index
    %get3A_413 = tpu.vector_load %arg6[%get3A_412] {strides = array<i32>} : memref<1664xi32, #tpu.memory_space<vmem>>, vector<16xi32>,
    %add3A_414 = arith.addi %get3A_413, %broadcast_in_dim3A_351 : vector<16xi32>
    %select_n3A_415 = arith.select %lt3A, %add3A_414, %broadcast_in_dim3A_3 : vector<16xi1>, vector<16xi32>
    %swap3A_416 = arith.constant 816 : index
    %swap3A_417 = tpu.vector_load %arg7[%swap3A_416] {strides = array<i32>} : memref<1664xi32, #tpu.memory_space<vmem>>, vector<16xi32>,
    tpu.vector_store %arg7[%swap3A_416], %select_n3A_415 {strides = array<i32>} : memref<1664xi32, #tpu.memory_space<vmem>>, vector<16xi32>,
    %add3A_418 = arith.constant 4 : i32
    %add3A_419 = arith.addi %mul3A_0, %add3A_418 : i32
    %mul3A_420 = arith.constant 100000 : i32
    %mul3A_421 = arith.muli %add3A_419, %mul3A_420 : i32
    %broadcast_in_dim3A_422 = vector.broadcast %mul3A_421 : i32 to vector<16xi32>
    %get3A_423 = arith.constant 832 : index
    %get3A_424 = tpu.vector_load %arg6[%get3A_423] {strides = array<i32>} : memref<1664xi32, #tpu.memory_space<vmem>>, vector<16xi32>,
    %add3A_425 = arith.addi %get3A_424, %broadcast_in_dim3A_422 : vector<16xi32>
    %swap3A_426 = arith.constant 832 : index
    %swap3A_427 = tpu.vector_load %arg7[%swap3A_426] {strides = array<i32>} : memref<1664xi32, #tpu.memory_space<vmem>>, vector<16xi32>,
    tpu.vector_store %arg7[%swap3A_426], %add3A_425 {strides = array<i32>} : memref<1664xi32, #tpu.memory_space<vmem>>, vector<16xi32>,
    %get3A_428 = arith.constant 848 : index
    %get3A_429 = tpu.vector_load %arg6[%get3A_428] {strides = array<i32>} : memref<1664xi32, #tpu.memory_space<vmem>>, vector<16xi32>,
    %add3A_430 = arith.addi %get3A_429, %broadcast_in_dim3A_422 : vector<16xi32>
    %swap3A_431 = arith.constant 848 : index
    %swap3A_432 = tpu.vector_load %arg7[%swap3A_431] {strides = array<i32>} : memref<1664xi32, #tpu.memory_space<vmem>>, vector<16xi32>,
    tpu.vector_store %arg7[%swap3A_431], %add3A_430 {strides = array<i32>} : memref<1664xi32, #tpu.memory_space<vmem>>, vector<16xi32>,
    %get3A_433 = arith.constant 864 : index
    %get3A_434 = tpu.vector_load %arg6[%get3A_433] {strides = array<i32>} : memref<1664xi32, #tpu.memory_space<vmem>>, vector<16xi32>,
    %add3A_435 = arith.addi %get3A_434, %broadcast_in_dim3A_422 : vector<16xi32>
    %swap3A_436 = arith.constant 864 : index
    %swap3A_437 = tpu.vector_load %arg7[%swap3A_436] {strides = array<i32>} : memref<1664xi32, #tpu.memory_space<vmem>>, vector<16xi32>,
    tpu.vector_store %arg7[%swap3A_436], %add3A_435 {strides = array<i32>} : memref<1664xi32, #tpu.memory_space<vmem>>, vector<16xi32>,
    %get3A_438 = arith.constant 880 : index
    %get3A_439 = tpu.vector_load %arg6[%get3A_438] {strides = array<i32>} : memref<1664xi32, #tpu.memory_space<vmem>>, vector<16xi32>,
    %add3A_440 = arith.addi %get3A_439, %broadcast_in_dim3A_422 : vector<16xi32>
    %swap3A_441 = arith.constant 880 : index
    %swap3A_442 = tpu.vector_load %arg7[%swap3A_441] {strides = array<i32>} : memref<1664xi32, #tpu.memory_space<vmem>>, vector<16xi32>,
    tpu.vector_store %arg7[%swap3A_441], %add3A_440 {strides = array<i32>} : memref<1664xi32, #tpu.memory_space<vmem>>, vector<16xi32>,
    %get3A_443 = arith.constant 896 : index
    %get3A_444 = tpu.vector_load %arg6[%get3A_443] {strides = array<i32>} : memref<1664xi32, #tpu.memory_space<vmem>>, vector<16xi32>,
    %add3A_445 = arith.addi %get3A_444, %broadcast_in_dim3A_422 : vector<16xi32>
    %swap3A_446 = arith.constant 896 : index
    %swap3A_447 = tpu.vector_load %arg7[%swap3A_446] {strides = array<i32>} : memref<1664xi32, #tpu.memory_space<vmem>>, vector<16xi32>,
    tpu.vector_store %arg7[%swap3A_446], %add3A_445 {strides = array<i32>} : memref<1664xi32, #tpu.memory_space<vmem>>, vector<16xi32>,
    %get3A_448 = arith.constant 912 : index
    %get3A_449 = tpu.vector_load %arg6[%get3A_448] {strides = array<i32>} : memref<1664xi32, #tpu.memory_space<vmem>>, vector<16xi32>,
    %add3A_450 = arith.addi %get3A_449, %broadcast_in_dim3A_422 : vector<16xi32>
    %swap3A_451 = arith.constant 912 : index
    %swap3A_452 = tpu.vector_load %arg7[%swap3A_451] {strides = array<i32>} : memref<1664xi32, #tpu.memory_space<vmem>>, vector<16xi32>,
    tpu.vector_store %arg7[%swap3A_451], %add3A_450 {strides = array<i32>} : memref<1664xi32, #tpu.memory_space<vmem>>, vector<16xi32>,
    %get3A_453 = arith.constant 928 : index
    %get3A_454 = tpu.vector_load %arg6[%get3A_453] {strides = array<i32>} : memref<1664xi32, #tpu.memory_space<vmem>>, vector<16xi32>,
    %add3A_455 = arith.addi %get3A_454, %broadcast_in_dim3A_422 : vector<16xi32>
    %swap3A_456 = arith.constant 928 : index
    %swap3A_457 = tpu.vector_load %arg7[%swap3A_456] {strides = array<i32>} : memref<1664xi32, #tpu.memory_space<vmem>>, vector<16xi32>,
    tpu.vector_store %arg7[%swap3A_456], %add3A_455 {strides = array<i32>} : memref<1664xi32, #tpu.memory_space<vmem>>, vector<16xi32>,
    %get3A_458 = arith.constant 944 : index
    %get3A_459 = tpu.vector_load %arg6[%get3A_458] {strides = array<i32>} : memref<1664xi32, #tpu.memory_space<vmem>>, vector<16xi32>,
    %add3A_460 = arith.addi %get3A_459, %broadcast_in_dim3A_422 : vector<16xi32>
    %swap3A_461 = arith.constant 944 : index
    %swap3A_462 = tpu.vector_load %arg7[%swap3A_461] {strides = array<i32>} : memref<1664xi32, #tpu.memory_space<vmem>>, vector<16xi32>,
    tpu.vector_store %arg7[%swap3A_461], %add3A_460 {strides = array<i32>} : memref<1664xi32, #tpu.memory_space<vmem>>, vector<16xi32>,
    %get3A_463 = arith.constant 960 : index
    %get3A_464 = tpu.vector_load %arg6[%get3A_463] {strides = array<i32>} : memref<1664xi32, #tpu.memory_space<vmem>>, vector<16xi32>,
    %add3A_465 = arith.addi %get3A_464, %broadcast_in_dim3A_422 : vector<16xi32>
    %swap3A_466 = arith.constant 960 : index
    %swap3A_467 = tpu.vector_load %arg7[%swap3A_466] {strides = array<i32>} : memref<1664xi32, #tpu.memory_space<vmem>>, vector<16xi32>,
    tpu.vector_store %arg7[%swap3A_466], %add3A_465 {strides = array<i32>} : memref<1664xi32, #tpu.memory_space<vmem>>, vector<16xi32>,
    %get3A_468 = arith.constant 976 : index
    %get3A_469 = tpu.vector_load %arg6[%get3A_468] {strides = array<i32>} : memref<1664xi32, #tpu.memory_space<vmem>>, vector<16xi32>,
    %add3A_470 = arith.addi %get3A_469, %broadcast_in_dim3A_422 : vector<16xi32>
    %swap3A_471 = arith.constant 976 : index
    %swap3A_472 = tpu.vector_load %arg7[%swap3A_471] {strides = array<i32>} : memref<1664xi32, #tpu.memory_space<vmem>>, vector<16xi32>,
    tpu.vector_store %arg7[%swap3A_471], %add3A_470 {strides = array<i32>} : memref<1664xi32, #tpu.memory_space<vmem>>, vector<16xi32>,
    %get3A_473 = arith.constant 992 : index
    %get3A_474 = tpu.vector_load %arg6[%get3A_473] {strides = array<i32>} : memref<1664xi32, #tpu.memory_space<vmem>>, vector<16xi32>,
    %add3A_475 = arith.addi %get3A_474, %broadcast_in_dim3A_422 : vector<16xi32>
    %swap3A_476 = arith.constant 992 : index
    %swap3A_477 = tpu.vector_load %arg7[%swap3A_476] {strides = array<i32>} : memref<1664xi32, #tpu.memory_space<vmem>>, vector<16xi32>,
    tpu.vector_store %arg7[%swap3A_476], %add3A_475 {strides = array<i32>} : memref<1664xi32, #tpu.memory_space<vmem>>, vector<16xi32>,
    %get3A_478 = arith.constant 1008 : index
    %get3A_479 = tpu.vector_load %arg6[%get3A_478] {strides = array<i32>} : memref<1664xi32, #tpu.memory_space<vmem>>, vector<16xi32>,
    %add3A_480 = arith.addi %get3A_479, %broadcast_in_dim3A_422 : vector<16xi32>
    %swap3A_481 = arith.constant 1008 : index
    %swap3A_482 = tpu.vector_load %arg7[%swap3A_481] {strides = array<i32>} : memref<1664xi32, #tpu.memory_space<vmem>>, vector<16xi32>,
    tpu.vector_store %arg7[%swap3A_481], %add3A_480 {strides = array<i32>} : memref<1664xi32, #tpu.memory_space<vmem>>, vector<16xi32>,
    %get3A_483 = arith.constant 1024 : index
    %get3A_484 = tpu.vector_load %arg6[%get3A_483] {strides = array<i32>} : memref<1664xi32, #tpu.memory_space<vmem>>, vector<16xi32>,
    %add3A_485 = arith.addi %get3A_484, %broadcast_in_dim3A_422 : vector<16xi32>
    %select_n3A_486 = arith.select %lt3A, %add3A_485, %broadcast_in_dim3A_3 : vector<16xi1>, vector<16xi32>
    %swap3A_487 = arith.constant 1024 : index
    %swap3A_488 = tpu.vector_load %arg7[%swap3A_487] {strides = array<i32>} : memref<1664xi32, #tpu.memory_space<vmem>>, vector<16xi32>,
    tpu.vector_store %arg7[%swap3A_487], %select_n3A_486 {strides = array<i32>} : memref<1664xi32, #tpu.memory_space<vmem>>, vector<16xi32>,
    %add3A_489 = arith.constant 5 : i32
    %add3A_490 = arith.addi %mul3A_0, %add3A_489 : i32
    %mul3A_491 = arith.constant 100000 : i32
    %mul3A_492 = arith.muli %add3A_490, %mul3A_491 : i32
    %broadcast_in_dim3A_493 = vector.broadcast %mul3A_492 : i32 to vector<16xi32>
    %get3A_494 = arith.constant 1040 : index
    %get3A_495 = tpu.vector_load %arg6[%get3A_494] {strides = array<i32>} : memref<1664xi32, #tpu.memory_space<vmem>>, vector<16xi32>,
    %add3A_496 = arith.addi %get3A_495, %broadcast_in_dim3A_493 : vector<16xi32>
    %swap3A_497 = arith.constant 1040 : index
    %swap3A_498 = tpu.vector_load %arg7[%swap3A_497] {strides = array<i32>} : memref<1664xi32, #tpu.memory_space<vmem>>, vector<16xi32>,
    tpu.vector_store %arg7[%swap3A_497], %add3A_496 {strides = array<i32>} : memref<1664xi32, #tpu.memory_space<vmem>>, vector<16xi32>,
    %get3A_499 = arith.constant 1056 : index
    %get3A_500 = tpu.vector_load %arg6[%get3A_499] {strides = array<i32>} : memref<1664xi32, #tpu.memory_space<vmem>>, vector<16xi32>,
    %add3A_501 = arith.addi %get3A_500, %broadcast_in_dim3A_493 : vector<16xi32>
    %swap3A_502 = arith.constant 1056 : index
    %swap3A_503 = tpu.vector_load %arg7[%swap3A_502] {strides = array<i32>} : memref<1664xi32, #tpu.memory_space<vmem>>, vector<16xi32>,
    tpu.vector_store %arg7[%swap3A_502], %add3A_501 {strides = array<i32>} : memref<1664xi32, #tpu.memory_space<vmem>>, vector<16xi32>,
    %get3A_504 = arith.constant 1072 : index
    %get3A_505 = tpu.vector_load %arg6[%get3A_504] {strides = array<i32>} : memref<1664xi32, #tpu.memory_space<vmem>>, vector<16xi32>,
    %add3A_506 = arith.addi %get3A_505, %broadcast_in_dim3A_493 : vector<16xi32>
    %swap3A_507 = arith.constant 1072 : index
    %swap3A_508 = tpu.vector_load %arg7[%swap3A_507] {strides = array<i32>} : memref<1664xi32, #tpu.memory_space<vmem>>, vector<16xi32>,
    tpu.vector_store %arg7[%swap3A_507], %add3A_506 {strides = array<i32>} : memref<1664xi32, #tpu.memory_space<vmem>>, vector<16xi32>,
    %get3A_509 = arith.constant 1088 : index
    %get3A_510 = tpu.vector_load %arg6[%get3A_509] {strides = array<i32>} : memref<1664xi32, #tpu.memory_space<vmem>>, vector<16xi32>,
    %add3A_511 = arith.addi %get3A_510, %broadcast_in_dim3A_493 : vector<16xi32>
    %swap3A_512 = arith.constant 1088 : index
    %swap3A_513 = tpu.vector_load %arg7[%swap3A_512] {strides = array<i32>} : memref<1664xi32, #tpu.memory_space<vmem>>, vector<16xi32>,
    tpu.vector_store %arg7[%swap3A_512], %add3A_511 {strides = array<i32>} : memref<1664xi32, #tpu.memory_space<vmem>>, vector<16xi32>,
    %get3A_514 = arith.constant 1104 : index
    %get3A_515 = tpu.vector_load %arg6[%get3A_514] {strides = array<i32>} : memref<1664xi32, #tpu.memory_space<vmem>>, vector<16xi32>,
    %add3A_516 = arith.addi %get3A_515, %broadcast_in_dim3A_493 : vector<16xi32>
    %swap3A_517 = arith.constant 1104 : index
    %swap3A_518 = tpu.vector_load %arg7[%swap3A_517] {strides = array<i32>} : memref<1664xi32, #tpu.memory_space<vmem>>, vector<16xi32>,
    tpu.vector_store %arg7[%swap3A_517], %add3A_516 {strides = array<i32>} : memref<1664xi32, #tpu.memory_space<vmem>>, vector<16xi32>,
    %get3A_519 = arith.constant 1120 : index
    %get3A_520 = tpu.vector_load %arg6[%get3A_519] {strides = array<i32>} : memref<1664xi32, #tpu.memory_space<vmem>>, vector<16xi32>,
    %add3A_521 = arith.addi %get3A_520, %broadcast_in_dim3A_493 : vector<16xi32>
    %swap3A_522 = arith.constant 1120 : index
    %swap3A_523 = tpu.vector_load %arg7[%swap3A_522] {strides = array<i32>} : memref<1664xi32, #tpu.memory_space<vmem>>, vector<16xi32>,
    tpu.vector_store %arg7[%swap3A_522], %add3A_521 {strides = array<i32>} : memref<1664xi32, #tpu.memory_space<vmem>>, vector<16xi32>,
    %get3A_524 = arith.constant 1136 : index
    %get3A_525 = tpu.vector_load %arg6[%get3A_524] {strides = array<i32>} : memref<1664xi32, #tpu.memory_space<vmem>>, vector<16xi32>,
    %add3A_526 = arith.addi %get3A_525, %broadcast_in_dim3A_493 : vector<16xi32>
    %swap3A_527 = arith.constant 1136 : index
    %swap3A_528 = tpu.vector_load %arg7[%swap3A_527] {strides = array<i32>} : memref<1664xi32, #tpu.memory_space<vmem>>, vector<16xi32>,
    tpu.vector_store %arg7[%swap3A_527], %add3A_526 {strides = array<i32>} : memref<1664xi32, #tpu.memory_space<vmem>>, vector<16xi32>,
    %get3A_529 = arith.constant 1152 : index
    %get3A_530 = tpu.vector_load %arg6[%get3A_529] {strides = array<i32>} : memref<1664xi32, #tpu.memory_space<vmem>>, vector<16xi32>,
    %add3A_531 = arith.addi %get3A_530, %broadcast_in_dim3A_493 : vector<16xi32>
    %swap3A_532 = arith.constant 1152 : index
    %swap3A_533 = tpu.vector_load %arg7[%swap3A_532] {strides = array<i32>} : memref<1664xi32, #tpu.memory_space<vmem>>, vector<16xi32>,
    tpu.vector_store %arg7[%swap3A_532], %add3A_531 {strides = array<i32>} : memref<1664xi32, #tpu.memory_space<vmem>>, vector<16xi32>,
    %get3A_534 = arith.constant 1168 : index
    %get3A_535 = tpu.vector_load %arg6[%get3A_534] {strides = array<i32>} : memref<1664xi32, #tpu.memory_space<vmem>>, vector<16xi32>,
    %add3A_536 = arith.addi %get3A_535, %broadcast_in_dim3A_493 : vector<16xi32>
    %swap3A_537 = arith.constant 1168 : index
    %swap3A_538 = tpu.vector_load %arg7[%swap3A_537] {strides = array<i32>} : memref<1664xi32, #tpu.memory_space<vmem>>, vector<16xi32>,
    tpu.vector_store %arg7[%swap3A_537], %add3A_536 {strides = array<i32>} : memref<1664xi32, #tpu.memory_space<vmem>>, vector<16xi32>,
    %get3A_539 = arith.constant 1184 : index
    %get3A_540 = tpu.vector_load %arg6[%get3A_539] {strides = array<i32>} : memref<1664xi32, #tpu.memory_space<vmem>>, vector<16xi32>,
    %add3A_541 = arith.addi %get3A_540, %broadcast_in_dim3A_493 : vector<16xi32>
    %swap3A_542 = arith.constant 1184 : index
    %swap3A_543 = tpu.vector_load %arg7[%swap3A_542] {strides = array<i32>} : memref<1664xi32, #tpu.memory_space<vmem>>, vector<16xi32>,
    tpu.vector_store %arg7[%swap3A_542], %add3A_541 {strides = array<i32>} : memref<1664xi32, #tpu.memory_space<vmem>>, vector<16xi32>,
    %get3A_544 = arith.constant 1200 : index
    %get3A_545 = tpu.vector_load %arg6[%get3A_544] {strides = array<i32>} : memref<1664xi32, #tpu.memory_space<vmem>>, vector<16xi32>,
    %add3A_546 = arith.addi %get3A_545, %broadcast_in_dim3A_493 : vector<16xi32>
    %swap3A_547 = arith.constant 1200 : index
    %swap3A_548 = tpu.vector_load %arg7[%swap3A_547] {strides = array<i32>} : memref<1664xi32, #tpu.memory_space<vmem>>, vector<16xi32>,
    tpu.vector_store %arg7[%swap3A_547], %add3A_546 {strides = array<i32>} : memref<1664xi32, #tpu.memory_space<vmem>>, vector<16xi32>,
    %get3A_549 = arith.constant 1216 : index
    %get3A_550 = tpu.vector_load %arg6[%get3A_549] {strides = array<i32>} : memref<1664xi32, #tpu.memory_space<vmem>>, vector<16xi32>,
    %add3A_551 = arith.addi %get3A_550, %broadcast_in_dim3A_493 : vector<16xi32>
    %swap3A_552 = arith.constant 1216 : index
    %swap3A_553 = tpu.vector_load %arg7[%swap3A_552] {strides = array<i32>} : memref<1664xi32, #tpu.memory_space<vmem>>, vector<16xi32>,
    tpu.vector_store %arg7[%swap3A_552], %add3A_551 {strides = array<i32>} : memref<1664xi32, #tpu.memory_space<vmem>>, vector<16xi32>,
    %get3A_554 = arith.constant 1232 : index
    %get3A_555 = tpu.vector_load %arg6[%get3A_554] {strides = array<i32>} : memref<1664xi32, #tpu.memory_space<vmem>>, vector<16xi32>,
    %add3A_556 = arith.addi %get3A_555, %broadcast_in_dim3A_493 : vector<16xi32>
    %select_n3A_557 = arith.select %lt3A, %add3A_556, %broadcast_in_dim3A_3 : vector<16xi1>, vector<16xi32>
    %swap3A_558 = arith.constant 1232 : index
    %swap3A_559 = tpu.vector_load %arg7[%swap3A_558] {strides = array<i32>} : memref<1664xi32, #tpu.memory_space<vmem>>, vector<16xi32>,
    tpu.vector_store %arg7[%swap3A_558], %select_n3A_557 {strides = array<i32>} : memref<1664xi32, #tpu.memory_space<vmem>>, vector<16xi32>,
    %add3A_560 = arith.constant 6 : i32
    %add3A_561 = arith.addi %mul3A_0, %add3A_560 : i32
    %mul3A_562 = arith.constant 100000 : i32
    %mul3A_563 = arith.muli %add3A_561, %mul3A_562 : i32
    %broadcast_in_dim3A_564 = vector.broadcast %mul3A_563 : i32 to vector<16xi32>
    %get3A_565 = arith.constant 1248 : index
    %get3A_566 = tpu.vector_load %arg6[%get3A_565] {strides = array<i32>} : memref<1664xi32, #tpu.memory_space<vmem>>, vector<16xi32>,
    %add3A_567 = arith.addi %get3A_566, %broadcast_in_dim3A_564 : vector<16xi32>
    %swap3A_568 = arith.constant 1248 : index
    %swap3A_569 = tpu.vector_load %arg7[%swap3A_568] {strides = array<i32>} : memref<1664xi32, #tpu.memory_space<vmem>>, vector<16xi32>,
    tpu.vector_store %arg7[%swap3A_568], %add3A_567 {strides = array<i32>} : memref<1664xi32, #tpu.memory_space<vmem>>, vector<16xi32>,
    %get3A_570 = arith.constant 1264 : index
    %get3A_571 = tpu.vector_load %arg6[%get3A_570] {strides = array<i32>} : memref<1664xi32, #tpu.memory_space<vmem>>, vector<16xi32>,
    %add3A_572 = arith.addi %get3A_571, %broadcast_in_dim3A_564 : vector<16xi32>
    %swap3A_573 = arith.constant 1264 : index
    %swap3A_574 = tpu.vector_load %arg7[%swap3A_573] {strides = array<i32>} : memref<1664xi32, #tpu.memory_space<vmem>>, vector<16xi32>,
    tpu.vector_store %arg7[%swap3A_573], %add3A_572 {strides = array<i32>} : memref<1664xi32, #tpu.memory_space<vmem>>, vector<16xi32>,
    %get3A_575 = arith.constant 1280 : index
    %get3A_576 = tpu.vector_load %arg6[%get3A_575] {strides = array<i32>} : memref<1664xi32, #tpu.memory_space<vmem>>, vector<16xi32>,
    %add3A_577 = arith.addi %get3A_576, %broadcast_in_dim3A_564 : vector<16xi32>
    %swap3A_578 = arith.constant 1280 : index
    %swap3A_579 = tpu.vector_load %arg7[%swap3A_578] {strides = array<i32>} : memref<1664xi32, #tpu.memory_space<vmem>>, vector<16xi32>,
    tpu.vector_store %arg7[%swap3A_578], %add3A_577 {strides = array<i32>} : memref<1664xi32, #tpu.memory_space<vmem>>, vector<16xi32>,
    %get3A_580 = arith.constant 1296 : index
    %get3A_581 = tpu.vector_load %arg6[%get3A_580] {strides = array<i32>} : memref<1664xi32, #tpu.memory_space<vmem>>, vector<16xi32>,
    %add3A_582 = arith.addi %get3A_581, %broadcast_in_dim3A_564 : vector<16xi32>
    %swap3A_583 = arith.constant 1296 : index
    %swap3A_584 = tpu.vector_load %arg7[%swap3A_583] {strides = array<i32>} : memref<1664xi32, #tpu.memory_space<vmem>>, vector<16xi32>,
    tpu.vector_store %arg7[%swap3A_583], %add3A_582 {strides = array<i32>} : memref<1664xi32, #tpu.memory_space<vmem>>, vector<16xi32>,
    %get3A_585 = arith.constant 1312 : index
    %get3A_586 = tpu.vector_load %arg6[%get3A_585] {strides = array<i32>} : memref<1664xi32, #tpu.memory_space<vmem>>, vector<16xi32>,
    %add3A_587 = arith.addi %get3A_586, %broadcast_in_dim3A_564 : vector<16xi32>
    %swap3A_588 = arith.constant 1312 : index
    %swap3A_589 = tpu.vector_load %arg7[%swap3A_588] {strides = array<i32>} : memref<1664xi32, #tpu.memory_space<vmem>>, vector<16xi32>,
    tpu.vector_store %arg7[%swap3A_588], %add3A_587 {strides = array<i32>} : memref<1664xi32, #tpu.memory_space<vmem>>, vector<16xi32>,
    %get3A_590 = arith.constant 1328 : index
    %get3A_591 = tpu.vector_load %arg6[%get3A_590] {strides = array<i32>} : memref<1664xi32, #tpu.memory_space<vmem>>, vector<16xi32>,
    %add3A_592 = arith.addi %get3A_591, %broadcast_in_dim3A_564 : vector<16xi32>
    %swap3A_593 = arith.constant 1328 : index
    %swap3A_594 = tpu.vector_load %arg7[%swap3A_593] {strides = array<i32>} : memref<1664xi32, #tpu.memory_space<vmem>>, vector<16xi32>,
    tpu.vector_store %arg7[%swap3A_593], %add3A_592 {strides = array<i32>} : memref<1664xi32, #tpu.memory_space<vmem>>, vector<16xi32>,
    %get3A_595 = arith.constant 1344 : index
    %get3A_596 = tpu.vector_load %arg6[%get3A_595] {strides = array<i32>} : memref<1664xi32, #tpu.memory_space<vmem>>, vector<16xi32>,
    %add3A_597 = arith.addi %get3A_596, %broadcast_in_dim3A_564 : vector<16xi32>
    %swap3A_598 = arith.constant 1344 : index
    %swap3A_599 = tpu.vector_load %arg7[%swap3A_598] {strides = array<i32>} : memref<1664xi32, #tpu.memory_space<vmem>>, vector<16xi32>,
    tpu.vector_store %arg7[%swap3A_598], %add3A_597 {strides = array<i32>} : memref<1664xi32, #tpu.memory_space<vmem>>, vector<16xi32>,
    %get3A_600 = arith.constant 1360 : index
    %get3A_601 = tpu.vector_load %arg6[%get3A_600] {strides = array<i32>} : memref<1664xi32, #tpu.memory_space<vmem>>, vector<16xi32>,
    %add3A_602 = arith.addi %get3A_601, %broadcast_in_dim3A_564 : vector<16xi32>
    %swap3A_603 = arith.constant 1360 : index
    %swap3A_604 = tpu.vector_load %arg7[%swap3A_603] {strides = array<i32>} : memref<1664xi32, #tpu.memory_space<vmem>>, vector<16xi32>,
    tpu.vector_store %arg7[%swap3A_603], %add3A_602 {strides = array<i32>} : memref<1664xi32, #tpu.memory_space<vmem>>, vector<16xi32>,
    %get3A_605 = arith.constant 1376 : index
    %get3A_606 = tpu.vector_load %arg6[%get3A_605] {strides = array<i32>} : memref<1664xi32, #tpu.memory_space<vmem>>, vector<16xi32>,
    %add3A_607 = arith.addi %get3A_606, %broadcast_in_dim3A_564 : vector<16xi32>
    %swap3A_608 = arith.constant 1376 : index
    %swap3A_609 = tpu.vector_load %arg7[%swap3A_608] {strides = array<i32>} : memref<1664xi32, #tpu.memory_space<vmem>>, vector<16xi32>,
    tpu.vector_store %arg7[%swap3A_608], %add3A_607 {strides = array<i32>} : memref<1664xi32, #tpu.memory_space<vmem>>, vector<16xi32>,
    %get3A_610 = arith.constant 1392 : index
    %get3A_611 = tpu.vector_load %arg6[%get3A_610] {strides = array<i32>} : memref<1664xi32, #tpu.memory_space<vmem>>, vector<16xi32>,
    %add3A_612 = arith.addi %get3A_611, %broadcast_in_dim3A_564 : vector<16xi32>
    %swap3A_613 = arith.constant 1392 : index
    %swap3A_614 = tpu.vector_load %arg7[%swap3A_613] {strides = array<i32>} : memref<1664xi32, #tpu.memory_space<vmem>>, vector<16xi32>,
    tpu.vector_store %arg7[%swap3A_613], %add3A_612 {strides = array<i32>} : memref<1664xi32, #tpu.memory_space<vmem>>, vector<16xi32>,
    %get3A_615 = arith.constant 1408 : index
    %get3A_616 = tpu.vector_load %arg6[%get3A_615] {strides = array<i32>} : memref<1664xi32, #tpu.memory_space<vmem>>, vector<16xi32>,
    %add3A_617 = arith.addi %get3A_616, %broadcast_in_dim3A_564 : vector<16xi32>
    %swap3A_618 = arith.constant 1408 : index
    %swap3A_619 = tpu.vector_load %arg7[%swap3A_618] {strides = array<i32>} : memref<1664xi32, #tpu.memory_space<vmem>>, vector<16xi32>,
    tpu.vector_store %arg7[%swap3A_618], %add3A_617 {strides = array<i32>} : memref<1664xi32, #tpu.memory_space<vmem>>, vector<16xi32>,
    %get3A_620 = arith.constant 1424 : index
    %get3A_621 = tpu.vector_load %arg6[%get3A_620] {strides = array<i32>} : memref<1664xi32, #tpu.memory_space<vmem>>, vector<16xi32>,
    %add3A_622 = arith.addi %get3A_621, %broadcast_in_dim3A_564 : vector<16xi32>
    %swap3A_623 = arith.constant 1424 : index
    %swap3A_624 = tpu.vector_load %arg7[%swap3A_623] {strides = array<i32>} : memref<1664xi32, #tpu.memory_space<vmem>>, vector<16xi32>,
    tpu.vector_store %arg7[%swap3A_623], %add3A_622 {strides = array<i32>} : memref<1664xi32, #tpu.memory_space<vmem>>, vector<16xi32>,
    %get3A_625 = arith.constant 1440 : index
    %get3A_626 = tpu.vector_load %arg6[%get3A_625] {strides = array<i32>} : memref<1664xi32, #tpu.memory_space<vmem>>, vector<16xi32>,
    %add3A_627 = arith.addi %get3A_626, %broadcast_in_dim3A_564 : vector<16xi32>
    %select_n3A_628 = arith.select %lt3A, %add3A_627, %broadcast_in_dim3A_3 : vector<16xi1>, vector<16xi32>
    %swap3A_629 = arith.constant 1440 : index
    %swap3A_630 = tpu.vector_load %arg7[%swap3A_629] {strides = array<i32>} : memref<1664xi32, #tpu.memory_space<vmem>>, vector<16xi32>,
    tpu.vector_store %arg7[%swap3A_629], %select_n3A_628 {strides = array<i32>} : memref<1664xi32, #tpu.memory_space<vmem>>, vector<16xi32>,
    %add3A_631 = arith.constant 7 : i32
    %add3A_632 = arith.addi %mul3A_0, %add3A_631 : i32
    %mul3A_633 = arith.constant 100000 : i32
    %mul3A_634 = arith.muli %add3A_632, %mul3A_633 : i32
    %broadcast_in_dim3A_635 = vector.broadcast %mul3A_634 : i32 to vector<16xi32>
    %get3A_636 = arith.constant 1456 : index
    %get3A_637 = tpu.vector_load %arg6[%get3A_636] {strides = array<i32>} : memref<1664xi32, #tpu.memory_space<vmem>>, vector<16xi32>,
    %add3A_638 = arith.addi %get3A_637, %broadcast_in_dim3A_635 : vector<16xi32>
    %swap3A_639 = arith.constant 1456 : index
    %swap3A_640 = tpu.vector_load %arg7[%swap3A_639] {strides = array<i32>} : memref<1664xi32, #tpu.memory_space<vmem>>, vector<16xi32>,
    tpu.vector_store %arg7[%swap3A_639], %add3A_638 {strides = array<i32>} : memref<1664xi32, #tpu.memory_space<vmem>>, vector<16xi32>,
    %get3A_641 = arith.constant 1472 : index
    %get3A_642 = tpu.vector_load %arg6[%get3A_641] {strides = array<i32>} : memref<1664xi32, #tpu.memory_space<vmem>>, vector<16xi32>,
    %add3A_643 = arith.addi %get3A_642, %broadcast_in_dim3A_635 : vector<16xi32>
    %swap3A_644 = arith.constant 1472 : index
    %swap3A_645 = tpu.vector_load %arg7[%swap3A_644] {strides = array<i32>} : memref<1664xi32, #tpu.memory_space<vmem>>, vector<16xi32>,
    tpu.vector_store %arg7[%swap3A_644], %add3A_643 {strides = array<i32>} : memref<1664xi32, #tpu.memory_space<vmem>>, vector<16xi32>,
    %get3A_646 = arith.constant 1488 : index
    %get3A_647 = tpu.vector_load %arg6[%get3A_646] {strides = array<i32>} : memref<1664xi32, #tpu.memory_space<vmem>>, vector<16xi32>,
    %add3A_648 = arith.addi %get3A_647, %broadcast_in_dim3A_635 : vector<16xi32>
    %swap3A_649 = arith.constant 1488 : index
    %swap3A_650 = tpu.vector_load %arg7[%swap3A_649] {strides = array<i32>} : memref<1664xi32, #tpu.memory_space<vmem>>, vector<16xi32>,
    tpu.vector_store %arg7[%swap3A_649], %add3A_648 {strides = array<i32>} : memref<1664xi32, #tpu.memory_space<vmem>>, vector<16xi32>,
    %get3A_651 = arith.constant 1504 : index
    %get3A_652 = tpu.vector_load %arg6[%get3A_651] {strides = array<i32>} : memref<1664xi32, #tpu.memory_space<vmem>>, vector<16xi32>,
    %add3A_653 = arith.addi %get3A_652, %broadcast_in_dim3A_635 : vector<16xi32>
    %swap3A_654 = arith.constant 1504 : index
    %swap3A_655 = tpu.vector_load %arg7[%swap3A_654] {strides = array<i32>} : memref<1664xi32, #tpu.memory_space<vmem>>, vector<16xi32>,
    tpu.vector_store %arg7[%swap3A_654], %add3A_653 {strides = array<i32>} : memref<1664xi32, #tpu.memory_space<vmem>>, vector<16xi32>,
    %get3A_656 = arith.constant 1520 : index
    %get3A_657 = tpu.vector_load %arg6[%get3A_656] {strides = array<i32>} : memref<1664xi32, #tpu.memory_space<vmem>>, vector<16xi32>,
    %add3A_658 = arith.addi %get3A_657, %broadcast_in_dim3A_635 : vector<16xi32>
    %swap3A_659 = arith.constant 1520 : index
    %swap3A_660 = tpu.vector_load %arg7[%swap3A_659] {strides = array<i32>} : memref<1664xi32, #tpu.memory_space<vmem>>, vector<16xi32>,
    tpu.vector_store %arg7[%swap3A_659], %add3A_658 {strides = array<i32>} : memref<1664xi32, #tpu.memory_space<vmem>>, vector<16xi32>,
    %get3A_661 = arith.constant 1536 : index
    %get3A_662 = tpu.vector_load %arg6[%get3A_661] {strides = array<i32>} : memref<1664xi32, #tpu.memory_space<vmem>>, vector<16xi32>,
    %add3A_663 = arith.addi %get3A_662, %broadcast_in_dim3A_635 : vector<16xi32>
    %swap3A_664 = arith.constant 1536 : index
    %swap3A_665 = tpu.vector_load %arg7[%swap3A_664] {strides = array<i32>} : memref<1664xi32, #tpu.memory_space<vmem>>, vector<16xi32>,
    tpu.vector_store %arg7[%swap3A_664], %add3A_663 {strides = array<i32>} : memref<1664xi32, #tpu.memory_space<vmem>>, vector<16xi32>,
    %get3A_666 = arith.constant 1552 : index
    %get3A_667 = tpu.vector_load %arg6[%get3A_666] {strides = array<i32>} : memref<1664xi32, #tpu.memory_space<vmem>>, vector<16xi32>,
    %add3A_668 = arith.addi %get3A_667, %broadcast_in_dim3A_635 : vector<16xi32>
    %swap3A_669 = arith.constant 1552 : index
    %swap3A_670 = tpu.vector_load %arg7[%swap3A_669] {strides = array<i32>} : memref<1664xi32, #tpu.memory_space<vmem>>, vector<16xi32>,
    tpu.vector_store %arg7[%swap3A_669], %add3A_668 {strides = array<i32>} : memref<1664xi32, #tpu.memory_space<vmem>>, vector<16xi32>,
    %get3A_671 = arith.constant 1568 : index
    %get3A_672 = tpu.vector_load %arg6[%get3A_671] {strides = array<i32>} : memref<1664xi32, #tpu.memory_space<vmem>>, vector<16xi32>,
    %add3A_673 = arith.addi %get3A_672, %broadcast_in_dim3A_635 : vector<16xi32>
    %swap3A_674 = arith.constant 1568 : index
    %swap3A_675 = tpu.vector_load %arg7[%swap3A_674] {strides = array<i32>} : memref<1664xi32, #tpu.memory_space<vmem>>, vector<16xi32>,
    tpu.vector_store %arg7[%swap3A_674], %add3A_673 {strides = array<i32>} : memref<1664xi32, #tpu.memory_space<vmem>>, vector<16xi32>,
    %get3A_676 = arith.constant 1584 : index
    %get3A_677 = tpu.vector_load %arg6[%get3A_676] {strides = array<i32>} : memref<1664xi32, #tpu.memory_space<vmem>>, vector<16xi32>,
    %add3A_678 = arith.addi %get3A_677, %broadcast_in_dim3A_635 : vector<16xi32>
    %swap3A_679 = arith.constant 1584 : index
    %swap3A_680 = tpu.vector_load %arg7[%swap3A_679] {strides = array<i32>} : memref<1664xi32, #tpu.memory_space<vmem>>, vector<16xi32>,
    tpu.vector_store %arg7[%swap3A_679], %add3A_678 {strides = array<i32>} : memref<1664xi32, #tpu.memory_space<vmem>>, vector<16xi32>,
    %get3A_681 = arith.constant 1600 : index
    %get3A_682 = tpu.vector_load %arg6[%get3A_681] {strides = array<i32>} : memref<1664xi32, #tpu.memory_space<vmem>>, vector<16xi32>,
    %add3A_683 = arith.addi %get3A_682, %broadcast_in_dim3A_635 : vector<16xi32>
    %swap3A_684 = arith.constant 1600 : index
    %swap3A_685 = tpu.vector_load %arg7[%swap3A_684] {strides = array<i32>} : memref<1664xi32, #tpu.memory_space<vmem>>, vector<16xi32>,
    tpu.vector_store %arg7[%swap3A_684], %add3A_683 {strides = array<i32>} : memref<1664xi32, #tpu.memory_space<vmem>>, vector<16xi32>,
    %get3A_686 = arith.constant 1616 : index
    %get3A_687 = tpu.vector_load %arg6[%get3A_686] {strides = array<i32>} : memref<1664xi32, #tpu.memory_space<vmem>>, vector<16xi32>,
    %add3A_688 = arith.addi %get3A_687, %broadcast_in_dim3A_635 : vector<16xi32>
    %swap3A_689 = arith.constant 1616 : index
    %swap3A_690 = tpu.vector_load %arg7[%swap3A_689] {strides = array<i32>} : memref<1664xi32, #tpu.memory_space<vmem>>, vector<16xi32>,
    tpu.vector_store %arg7[%swap3A_689], %add3A_688 {strides = array<i32>} : memref<1664xi32, #tpu.memory_space<vmem>>, vector<16xi32>,
    %get3A_691 = arith.constant 1632 : index
    %get3A_692 = tpu.vector_load %arg6[%get3A_691] {strides = array<i32>} : memref<1664xi32, #tpu.memory_space<vmem>>, vector<16xi32>,
    %add3A_693 = arith.addi %get3A_692, %broadcast_in_dim3A_635 : vector<16xi32>
    %swap3A_694 = arith.constant 1632 : index
    %swap3A_695 = tpu.vector_load %arg7[%swap3A_694] {strides = array<i32>} : memref<1664xi32, #tpu.memory_space<vmem>>, vector<16xi32>,
    tpu.vector_store %arg7[%swap3A_694], %add3A_693 {strides = array<i32>} : memref<1664xi32, #tpu.memory_space<vmem>>, vector<16xi32>,
    %get3A_696 = arith.constant 1648 : index
    %get3A_697 = tpu.vector_load %arg6[%get3A_696] {strides = array<i32>} : memref<1664xi32, #tpu.memory_space<vmem>>, vector<16xi32>,
    %add3A_698 = arith.addi %get3A_697, %broadcast_in_dim3A_635 : vector<16xi32>
    %select_n3A_699 = arith.select %lt3A, %add3A_698, %broadcast_in_dim3A_3 : vector<16xi1>, vector<16xi32>
    %swap3A_700 = arith.constant 1648 : index
    %swap3A_701 = tpu.vector_load %arg7[%swap3A_700] {strides = array<i32>} : memref<1664xi32, #tpu.memory_space<vmem>>, vector<16xi32>,
    tpu.vector_store %arg7[%swap3A_700], %select_n3A_699 {strides = array<i32>} : memref<1664xi32, #tpu.memory_space<vmem>>, vector<16xi32>,
    %broadcast_in_dim3A_702 = arith.constant 100000 : i32
    %broadcast_in_dim3A_703 = vector.broadcast %broadcast_in_dim3A_702 : i32 to vector<16xi32>
    %broadcast_in_dim3A_704 = vector.broadcast %mul3A_0 : i32 to vector<16xi32>
    %broadcast_in_dim3A_705 = arith.constant 0 : i32
    %broadcast_in_dim3A_706 = vector.broadcast %broadcast_in_dim3A_705 : i32 to vector<16xi32>
    %get3A_707 = arith.constant 0 : index
    %get3A_708 = tpu.vector_load %arg9[%get3A_707] {strides = array<i32>} : memref<160xi32, #tpu.memory_space<vmem>>, vector<16xi32>,
    %add3A_709 = arith.addi %broadcast_in_dim3A_704, %broadcast_in_dim3A_706 : vector<16xi32>
    %mul3A_710 = arith.muli %add3A_709, %broadcast_in_dim3A_703 : vector<16xi32>
    %add3A_711 = arith.addi %get3A_708, %mul3A_710 : vector<16xi32>
    %broadcast_in_dim3A_712 = arith.constant 12800000 : i32
    %broadcast_in_dim3A_713 = vector.broadcast %broadcast_in_dim3A_712 : i32 to vector<16xi32>
    %add3A_714 = arith.addi %add3A_711, %broadcast_in_dim3A_713 : vector<16xi32>
    %swap3A_715 = arith.constant 0 : index
    %swap3A_716 = tpu.vector_load %arg10[%swap3A_715] {strides = array<i32>} : memref<160xi32, #tpu.memory_space<vmem>>, vector<16xi32>,
    tpu.vector_store %arg10[%swap3A_715], %add3A_714 {strides = array<i32>} : memref<160xi32, #tpu.memory_space<vmem>>, vector<16xi32>,
    %broadcast_in_dim3A_717 = arith.constant 4 : i32
    %broadcast_in_dim3A_718 = vector.broadcast %broadcast_in_dim3A_717 : i32 to vector<16xi32>
    %ge3A = arith.cmpi sge, %iota3A, %broadcast_in_dim3A_718 : vector<16xi32>
    %broadcast_in_dim3A_719 = arith.constant 1 : i32
    %broadcast_in_dim3A_720 = vector.broadcast %broadcast_in_dim3A_719 : i32 to vector<16xi32>
    %broadcast_in_dim3A_721 = arith.constant 0 : i32
    %broadcast_in_dim3A_722 = vector.broadcast %broadcast_in_dim3A_721 : i32 to vector<16xi32>
    %select_n3A_723 = arith.select %ge3A, %broadcast_in_dim3A_720, %broadcast_in_dim3A_722 : vector<16xi1>, vector<16xi32>
    %get3A_724 = arith.constant 16 : index
    %get3A_725 = tpu.vector_load %arg9[%get3A_724] {strides = array<i32>} : memref<160xi32, #tpu.memory_space<vmem>>, vector<16xi32>,
    %add3A_726 = arith.addi %broadcast_in_dim3A_704, %select_n3A_723 : vector<16xi32>
    %mul3A_727 = arith.muli %add3A_726, %broadcast_in_dim3A_703 : vector<16xi32>
    %add3A_728 = arith.addi %get3A_725, %mul3A_727 : vector<16xi32>
    %broadcast_in_dim3A_729 = arith.constant 12800000 : i32
    %broadcast_in_dim3A_730 = vector.broadcast %broadcast_in_dim3A_729 : i32 to vector<16xi32>
    %add3A_731 = arith.addi %add3A_728, %broadcast_in_dim3A_730 : vector<16xi32>
    %swap3A_732 = arith.constant 16 : index
    %swap3A_733 = tpu.vector_load %arg10[%swap3A_732] {strides = array<i32>} : memref<160xi32, #tpu.memory_space<vmem>>, vector<16xi32>,
    tpu.vector_store %arg10[%swap3A_732], %add3A_731 {strides = array<i32>} : memref<160xi32, #tpu.memory_space<vmem>>, vector<16xi32>,
    %broadcast_in_dim3A_734 = arith.constant 8 : i32
    %broadcast_in_dim3A_735 = vector.broadcast %broadcast_in_dim3A_734 : i32 to vector<16xi32>
    %ge3A_736 = arith.cmpi sge, %iota3A, %broadcast_in_dim3A_735 : vector<16xi32>
    %broadcast_in_dim3A_737 = arith.constant 2 : i32
    %broadcast_in_dim3A_738 = vector.broadcast %broadcast_in_dim3A_737 : i32 to vector<16xi32>
    %broadcast_in_dim3A_739 = arith.constant 1 : i32
    %broadcast_in_dim3A_740 = vector.broadcast %broadcast_in_dim3A_739 : i32 to vector<16xi32>
    %select_n3A_741 = arith.select %ge3A_736, %broadcast_in_dim3A_738, %broadcast_in_dim3A_740 : vector<16xi1>, vector<16xi32>
    %get3A_742 = arith.constant 32 : index
    %get3A_743 = tpu.vector_load %arg9[%get3A_742] {strides = array<i32>} : memref<160xi32, #tpu.memory_space<vmem>>, vector<16xi32>,
    %add3A_744 = arith.addi %broadcast_in_dim3A_704, %select_n3A_741 : vector<16xi32>
    %mul3A_745 = arith.muli %add3A_744, %broadcast_in_dim3A_703 : vector<16xi32>
    %add3A_746 = arith.addi %get3A_743, %mul3A_745 : vector<16xi32>
    %broadcast_in_dim3A_747 = arith.constant 12800000 : i32
    %broadcast_in_dim3A_748 = vector.broadcast %broadcast_in_dim3A_747 : i32 to vector<16xi32>
    %add3A_749 = arith.addi %add3A_746, %broadcast_in_dim3A_748 : vector<16xi32>
    %swap3A_750 = arith.constant 32 : index
    %swap3A_751 = tpu.vector_load %arg10[%swap3A_750] {strides = array<i32>} : memref<160xi32, #tpu.memory_space<vmem>>, vector<16xi32>,
    tpu.vector_store %arg10[%swap3A_750], %add3A_749 {strides = array<i32>} : memref<160xi32, #tpu.memory_space<vmem>>, vector<16xi32>,
    %broadcast_in_dim3A_752 = arith.constant 12 : i32
    %broadcast_in_dim3A_753 = vector.broadcast %broadcast_in_dim3A_752 : i32 to vector<16xi32>
    %ge3A_754 = arith.cmpi sge, %iota3A, %broadcast_in_dim3A_753 : vector<16xi32>
    %broadcast_in_dim3A_755 = arith.constant 3 : i32
    %broadcast_in_dim3A_756 = vector.broadcast %broadcast_in_dim3A_755 : i32 to vector<16xi32>
    %broadcast_in_dim3A_757 = arith.constant 2 : i32
    %broadcast_in_dim3A_758 = vector.broadcast %broadcast_in_dim3A_757 : i32 to vector<16xi32>
    %select_n3A_759 = arith.select %ge3A_754, %broadcast_in_dim3A_756, %broadcast_in_dim3A_758 : vector<16xi1>, vector<16xi32>
    %get3A_760 = arith.constant 48 : index
    %get3A_761 = tpu.vector_load %arg9[%get3A_760] {strides = array<i32>} : memref<160xi32, #tpu.memory_space<vmem>>, vector<16xi32>,
    %add3A_762 = arith.addi %broadcast_in_dim3A_704, %select_n3A_759 : vector<16xi32>
    %mul3A_763 = arith.muli %add3A_762, %broadcast_in_dim3A_703 : vector<16xi32>
    %add3A_764 = arith.addi %get3A_761, %mul3A_763 : vector<16xi32>
    %broadcast_in_dim3A_765 = arith.constant 12800000 : i32
    %broadcast_in_dim3A_766 = vector.broadcast %broadcast_in_dim3A_765 : i32 to vector<16xi32>
    %add3A_767 = arith.addi %add3A_764, %broadcast_in_dim3A_766 : vector<16xi32>
    %swap3A_768 = arith.constant 48 : index
    %swap3A_769 = tpu.vector_load %arg10[%swap3A_768] {strides = array<i32>} : memref<160xi32, #tpu.memory_space<vmem>>, vector<16xi32>,
    tpu.vector_store %arg10[%swap3A_768], %add3A_767 {strides = array<i32>} : memref<160xi32, #tpu.memory_space<vmem>>, vector<16xi32>,
    %broadcast_in_dim3A_770 = arith.constant 3 : i32
    %broadcast_in_dim3A_771 = vector.broadcast %broadcast_in_dim3A_770 : i32 to vector<16xi32>
    %get3A_772 = arith.constant 64 : index
    %get3A_773 = tpu.vector_load %arg9[%get3A_772] {strides = array<i32>} : memref<160xi32, #tpu.memory_space<vmem>>, vector<16xi32>,
    %add3A_774 = arith.addi %broadcast_in_dim3A_704, %broadcast_in_dim3A_771 : vector<16xi32>
    %mul3A_775 = arith.muli %add3A_774, %broadcast_in_dim3A_703 : vector<16xi32>
    %add3A_776 = arith.addi %get3A_773, %mul3A_775 : vector<16xi32>
    %broadcast_in_dim3A_777 = arith.constant 12800000 : i32
    %broadcast_in_dim3A_778 = vector.broadcast %broadcast_in_dim3A_777 : i32 to vector<16xi32>
    %add3A_779 = arith.addi %add3A_776, %broadcast_in_dim3A_778 : vector<16xi32>
    %swap3A_780 = arith.constant 64 : index
    %swap3A_781 = tpu.vector_load %arg10[%swap3A_780] {strides = array<i32>} : memref<160xi32, #tpu.memory_space<vmem>>, vector<16xi32>,
    tpu.vector_store %arg10[%swap3A_780], %add3A_779 {strides = array<i32>} : memref<160xi32, #tpu.memory_space<vmem>>, vector<16xi32>,
    %broadcast_in_dim3A_782 = arith.constant 4 : i32
    %broadcast_in_dim3A_783 = vector.broadcast %broadcast_in_dim3A_782 : i32 to vector<16xi32>
    %get3A_784 = arith.constant 80 : index
    %get3A_785 = tpu.vector_load %arg9[%get3A_784] {strides = array<i32>} : memref<160xi32, #tpu.memory_space<vmem>>, vector<16xi32>,
    %add3A_786 = arith.addi %broadcast_in_dim3A_704, %broadcast_in_dim3A_783 : vector<16xi32>
    %mul3A_787 = arith.muli %add3A_786, %broadcast_in_dim3A_703 : vector<16xi32>
    %add3A_788 = arith.addi %get3A_785, %mul3A_787 : vector<16xi32>
    %broadcast_in_dim3A_789 = arith.constant 12800000 : i32
    %broadcast_in_dim3A_790 = vector.broadcast %broadcast_in_dim3A_789 : i32 to vector<16xi32>
    %add3A_791 = arith.addi %add3A_788, %broadcast_in_dim3A_790 : vector<16xi32>
    %swap3A_792 = arith.constant 80 : index
    %swap3A_793 = tpu.vector_load %arg10[%swap3A_792] {strides = array<i32>} : memref<160xi32, #tpu.memory_space<vmem>>, vector<16xi32>,
    tpu.vector_store %arg10[%swap3A_792], %add3A_791 {strides = array<i32>} : memref<160xi32, #tpu.memory_space<vmem>>, vector<16xi32>,
    %broadcast_in_dim3A_794 = arith.constant 4 : i32
    %broadcast_in_dim3A_795 = vector.broadcast %broadcast_in_dim3A_794 : i32 to vector<16xi32>
    %ge3A_796 = arith.cmpi sge, %iota3A, %broadcast_in_dim3A_795 : vector<16xi32>
    %broadcast_in_dim3A_797 = arith.constant 5 : i32
    %broadcast_in_dim3A_798 = vector.broadcast %broadcast_in_dim3A_797 : i32 to vector<16xi32>
    %broadcast_in_dim3A_799 = arith.constant 4 : i32
    %broadcast_in_dim3A_800 = vector.broadcast %broadcast_in_dim3A_799 : i32 to vector<16xi32>
    %select_n3A_801 = arith.select %ge3A_796, %broadcast_in_dim3A_798, %broadcast_in_dim3A_800 : vector<16xi1>, vector<16xi32>
    %get3A_802 = arith.constant 96 : index
    %get3A_803 = tpu.vector_load %arg9[%get3A_802] {strides = array<i32>} : memref<160xi32, #tpu.memory_space<vmem>>, vector<16xi32>,
    %add3A_804 = arith.addi %broadcast_in_dim3A_704, %select_n3A_801 : vector<16xi32>
    %mul3A_805 = arith.muli %add3A_804, %broadcast_in_dim3A_703 : vector<16xi32>
    %add3A_806 = arith.addi %get3A_803, %mul3A_805 : vector<16xi32>
    %broadcast_in_dim3A_807 = arith.constant 12800000 : i32
    %broadcast_in_dim3A_808 = vector.broadcast %broadcast_in_dim3A_807 : i32 to vector<16xi32>
    %add3A_809 = arith.addi %add3A_806, %broadcast_in_dim3A_808 : vector<16xi32>
    %swap3A_810 = arith.constant 96 : index
    %swap3A_811 = tpu.vector_load %arg10[%swap3A_810] {strides = array<i32>} : memref<160xi32, #tpu.memory_space<vmem>>, vector<16xi32>,
    tpu.vector_store %arg10[%swap3A_810], %add3A_809 {strides = array<i32>} : memref<160xi32, #tpu.memory_space<vmem>>, vector<16xi32>,
    %broadcast_in_dim3A_812 = arith.constant 8 : i32
    %broadcast_in_dim3A_813 = vector.broadcast %broadcast_in_dim3A_812 : i32 to vector<16xi32>
    %ge3A_814 = arith.cmpi sge, %iota3A, %broadcast_in_dim3A_813 : vector<16xi32>
    %broadcast_in_dim3A_815 = arith.constant 6 : i32
    %broadcast_in_dim3A_816 = vector.broadcast %broadcast_in_dim3A_815 : i32 to vector<16xi32>
    %broadcast_in_dim3A_817 = arith.constant 5 : i32
    %broadcast_in_dim3A_818 = vector.broadcast %broadcast_in_dim3A_817 : i32 to vector<16xi32>
    %select_n3A_819 = arith.select %ge3A_814, %broadcast_in_dim3A_816, %broadcast_in_dim3A_818 : vector<16xi1>, vector<16xi32>
    %get3A_820 = arith.constant 112 : index
    %get3A_821 = tpu.vector_load %arg9[%get3A_820] {strides = array<i32>} : memref<160xi32, #tpu.memory_space<vmem>>, vector<16xi32>,
    %add3A_822 = arith.addi %broadcast_in_dim3A_704, %select_n3A_819 : vector<16xi32>
    %mul3A_823 = arith.muli %add3A_822, %broadcast_in_dim3A_703 : vector<16xi32>
    %add3A_824 = arith.addi %get3A_821, %mul3A_823 : vector<16xi32>
    %broadcast_in_dim3A_825 = arith.constant 12800000 : i32
    %broadcast_in_dim3A_826 = vector.broadcast %broadcast_in_dim3A_825 : i32 to vector<16xi32>
    %add3A_827 = arith.addi %add3A_824, %broadcast_in_dim3A_826 : vector<16xi32>
    %swap3A_828 = arith.constant 112 : index
    %swap3A_829 = tpu.vector_load %arg10[%swap3A_828] {strides = array<i32>} : memref<160xi32, #tpu.memory_space<vmem>>, vector<16xi32>,
    tpu.vector_store %arg10[%swap3A_828], %add3A_827 {strides = array<i32>} : memref<160xi32, #tpu.memory_space<vmem>>, vector<16xi32>,
    %broadcast_in_dim3A_830 = arith.constant 12 : i32
    %broadcast_in_dim3A_831 = vector.broadcast %broadcast_in_dim3A_830 : i32 to vector<16xi32>
    %ge3A_832 = arith.cmpi sge, %iota3A, %broadcast_in_dim3A_831 : vector<16xi32>
    %broadcast_in_dim3A_833 = arith.constant 7 : i32
    %broadcast_in_dim3A_834 = vector.broadcast %broadcast_in_dim3A_833 : i32 to vector<16xi32>
    %broadcast_in_dim3A_835 = arith.constant 6 : i32
    %broadcast_in_dim3A_836 = vector.broadcast %broadcast_in_dim3A_835 : i32 to vector<16xi32>
    %select_n3A_837 = arith.select %ge3A_832, %broadcast_in_dim3A_834, %broadcast_in_dim3A_836 : vector<16xi1>, vector<16xi32>
    %get3A_838 = arith.constant 128 : index
    %get3A_839 = tpu.vector_load %arg9[%get3A_838] {strides = array<i32>} : memref<160xi32, #tpu.memory_space<vmem>>, vector<16xi32>,
    %add3A_840 = arith.addi %broadcast_in_dim3A_704, %select_n3A_837 : vector<16xi32>
    %mul3A_841 = arith.muli %add3A_840, %broadcast_in_dim3A_703 : vector<16xi32>
    %add3A_842 = arith.addi %get3A_839, %mul3A_841 : vector<16xi32>
    %broadcast_in_dim3A_843 = arith.constant 12800000 : i32
    %broadcast_in_dim3A_844 = vector.broadcast %broadcast_in_dim3A_843 : i32 to vector<16xi32>
    %add3A_845 = arith.addi %add3A_842, %broadcast_in_dim3A_844 : vector<16xi32>
    %swap3A_846 = arith.constant 128 : index
    %swap3A_847 = tpu.vector_load %arg10[%swap3A_846] {strides = array<i32>} : memref<160xi32, #tpu.memory_space<vmem>>, vector<16xi32>,
    tpu.vector_store %arg10[%swap3A_846], %add3A_845 {strides = array<i32>} : memref<160xi32, #tpu.memory_space<vmem>>, vector<16xi32>,
    %broadcast_in_dim3A_848 = arith.constant 7 : i32
    %broadcast_in_dim3A_849 = vector.broadcast %broadcast_in_dim3A_848 : i32 to vector<16xi32>
    %get3A_850 = arith.constant 144 : index
    %get3A_851 = tpu.vector_load %arg9[%get3A_850] {strides = array<i32>} : memref<160xi32, #tpu.memory_space<vmem>>, vector<16xi32>,
    %add3A_852 = arith.addi %broadcast_in_dim3A_704, %broadcast_in_dim3A_849 : vector<16xi32>
    %mul3A_853 = arith.muli %add3A_852, %broadcast_in_dim3A_703 : vector<16xi32>
    %add3A_854 = arith.addi %get3A_851, %mul3A_853 : vector<16xi32>
    %broadcast_in_dim3A_855 = arith.constant 12800000 : i32
    %broadcast_in_dim3A_856 = vector.broadcast %broadcast_in_dim3A_855 : i32 to vector<16xi32>
    %add3A_857 = arith.addi %add3A_854, %broadcast_in_dim3A_856 : vector<16xi32>
    %swap3A_858 = arith.constant 144 : index
    %swap3A_859 = tpu.vector_load %arg10[%swap3A_858] {strides = array<i32>} : memref<160xi32, #tpu.memory_space<vmem>>, vector<16xi32>,
    tpu.vector_store %arg10[%swap3A_858], %add3A_857 {strides = array<i32>} : memref<160xi32, #tpu.memory_space<vmem>>, vector<16xi32>,
    %dma_start3A_860 = arith.constant 0 : i32
    %dma_start3A_861 = tpu.memref_slice %arg8[%dma_start3A_860] : memref<1664xf32, #tpu.memory_space<vmem>> -> memref<128xf32, #tpu.memory_space<vmem>>
    %dma_start3A_862 = arith.constant 0 : i32
    %dma_start3A_863 = tpu.memref_slice %arg7[%dma_start3A_862] : memref<1664xi32, #tpu.memory_space<vmem>> -> memref<128xi32, #tpu.memory_space<vmem>>
    %dma_start3A_864 = arith.constant 0 : i32
    %dma_start3A_865 = tpu.memref_slice %arg4[%dma_start3A_864] : memref<25600000xf32, #tpu.memory_space<hbm>> -> memref<25600000xf32, #tpu.memory_space<hbm>>
    tpu.enqueue_indirect_dma source(%dma_start3A_865 : memref<25600000xf32, #tpu.memory_space<hbm>>) target(%dma_start3A_861 : memref<128xf32, #tpu.memory_space<vmem>>) offsets(%dma_start3A_863 : memref<128xi32, #tpu.memory_space<vmem>>) semaphore(%arg17 : memref<!tpu.dma_semaphore, #tpu.memory_space<semaphore_mem>>)
    %dma_start3A_866 = arith.constant 128 : i32
    %dma_start3A_867 = tpu.memref_slice %arg8[%dma_start3A_866] : memref<1664xf32, #tpu.memory_space<vmem>> -> memref<80xf32, #tpu.memory_space<vmem>>
    %dma_start3A_868 = arith.constant 128 : i32
    %dma_start3A_869 = tpu.memref_slice %arg7[%dma_start3A_868] : memref<1664xi32, #tpu.memory_space<vmem>> -> memref<80xi32, #tpu.memory_space<vmem>>
    %dma_start3A_870 = arith.constant 0 : i32
    %dma_start3A_871 = tpu.memref_slice %arg4[%dma_start3A_870] : memref<25600000xf32, #tpu.memory_space<hbm>> -> memref<25600000xf32, #tpu.memory_space<hbm>>
    tpu.enqueue_indirect_dma source(%dma_start3A_871 : memref<25600000xf32, #tpu.memory_space<hbm>>) target(%dma_start3A_867 : memref<80xf32, #tpu.memory_space<vmem>>) offsets(%dma_start3A_869 : memref<80xi32, #tpu.memory_space<vmem>>) semaphore(%arg17 : memref<!tpu.dma_semaphore, #tpu.memory_space<semaphore_mem>>)
    %dma_start3A_872 = arith.constant 208 : i32
    %dma_start3A_873 = tpu.memref_slice %arg8[%dma_start3A_872] : memref<1664xf32, #tpu.memory_space<vmem>> -> memref<128xf32, #tpu.memory_space<vmem>>
    %dma_start3A_874 = arith.constant 208 : i32
    %dma_start3A_875 = tpu.memref_slice %arg7[%dma_start3A_874] : memref<1664xi32, #tpu.memory_space<vmem>> -> memref<128xi32, #tpu.memory_space<vmem>>
    %dma_start3A_876 = arith.constant 0 : i32
    %dma_start3A_877 = tpu.memref_slice %arg4[%dma_start3A_876] : memref<25600000xf32, #tpu.memory_space<hbm>> -> memref<25600000xf32, #tpu.memory_space<hbm>>
    tpu.enqueue_indirect_dma source(%dma_start3A_877 : memref<25600000xf32, #tpu.memory_space<hbm>>) target(%dma_start3A_873 : memref<128xf32, #tpu.memory_space<vmem>>) offsets(%dma_start3A_875 : memref<128xi32, #tpu.memory_space<vmem>>) semaphore(%arg17 : memref<!tpu.dma_semaphore, #tpu.memory_space<semaphore_mem>>)
    %dma_start3A_878 = arith.constant 336 : i32
    %dma_start3A_879 = tpu.memref_slice %arg8[%dma_start3A_878] : memref<1664xf32, #tpu.memory_space<vmem>> -> memref<80xf32, #tpu.memory_space<vmem>>
    %dma_start3A_880 = arith.constant 336 : i32
    %dma_start3A_881 = tpu.memref_slice %arg7[%dma_start3A_880] : memref<1664xi32, #tpu.memory_space<vmem>> -> memref<80xi32, #tpu.memory_space<vmem>>
    %dma_start3A_882 = arith.constant 0 : i32
    %dma_start3A_883 = tpu.memref_slice %arg4[%dma_start3A_882] : memref<25600000xf32, #tpu.memory_space<hbm>> -> memref<25600000xf32, #tpu.memory_space<hbm>>
    tpu.enqueue_indirect_dma source(%dma_start3A_883 : memref<25600000xf32, #tpu.memory_space<hbm>>) target(%dma_start3A_879 : memref<80xf32, #tpu.memory_space<vmem>>) offsets(%dma_start3A_881 : memref<80xi32, #tpu.memory_space<vmem>>) semaphore(%arg17 : memref<!tpu.dma_semaphore, #tpu.memory_space<semaphore_mem>>)
    %dma_start3A_884 = arith.constant 416 : i32
    %dma_start3A_885 = tpu.memref_slice %arg8[%dma_start3A_884] : memref<1664xf32, #tpu.memory_space<vmem>> -> memref<128xf32, #tpu.memory_space<vmem>>
    %dma_start3A_886 = arith.constant 416 : i32
    %dma_start3A_887 = tpu.memref_slice %arg7[%dma_start3A_886] : memref<1664xi32, #tpu.memory_space<vmem>> -> memref<128xi32, #tpu.memory_space<vmem>>
    %dma_start3A_888 = arith.constant 0 : i32
    %dma_start3A_889 = tpu.memref_slice %arg4[%dma_start3A_888] : memref<25600000xf32, #tpu.memory_space<hbm>> -> memref<25600000xf32, #tpu.memory_space<hbm>>
    tpu.enqueue_indirect_dma source(%dma_start3A_889 : memref<25600000xf32, #tpu.memory_space<hbm>>) target(%dma_start3A_885 : memref<128xf32, #tpu.memory_space<vmem>>) offsets(%dma_start3A_887 : memref<128xi32, #tpu.memory_space<vmem>>) semaphore(%arg17 : memref<!tpu.dma_semaphore, #tpu.memory_space<semaphore_mem>>)
    %dma_start3A_890 = arith.constant 544 : i32
    %dma_start3A_891 = tpu.memref_slice %arg8[%dma_start3A_890] : memref<1664xf32, #tpu.memory_space<vmem>> -> memref<80xf32, #tpu.memory_space<vmem>>
    %dma_start3A_892 = arith.constant 544 : i32
    %dma_start3A_893 = tpu.memref_slice %arg7[%dma_start3A_892] : memref<1664xi32, #tpu.memory_space<vmem>> -> memref<80xi32, #tpu.memory_space<vmem>>
    %dma_start3A_894 = arith.constant 0 : i32
    %dma_start3A_895 = tpu.memref_slice %arg4[%dma_start3A_894] : memref<25600000xf32, #tpu.memory_space<hbm>> -> memref<25600000xf32, #tpu.memory_space<hbm>>
    tpu.enqueue_indirect_dma source(%dma_start3A_895 : memref<25600000xf32, #tpu.memory_space<hbm>>) target(%dma_start3A_891 : memref<80xf32, #tpu.memory_space<vmem>>) offsets(%dma_start3A_893 : memref<80xi32, #tpu.memory_space<vmem>>) semaphore(%arg17 : memref<!tpu.dma_semaphore, #tpu.memory_space<semaphore_mem>>)
    %dma_start3A_896 = arith.constant 624 : i32
    %dma_start3A_897 = tpu.memref_slice %arg8[%dma_start3A_896] : memref<1664xf32, #tpu.memory_space<vmem>> -> memref<128xf32, #tpu.memory_space<vmem>>
    %dma_start3A_898 = arith.constant 624 : i32
    %dma_start3A_899 = tpu.memref_slice %arg7[%dma_start3A_898] : memref<1664xi32, #tpu.memory_space<vmem>> -> memref<128xi32, #tpu.memory_space<vmem>>
    %dma_start3A_900 = arith.constant 0 : i32
    %dma_start3A_901 = tpu.memref_slice %arg4[%dma_start3A_900] : memref<25600000xf32, #tpu.memory_space<hbm>> -> memref<25600000xf32, #tpu.memory_space<hbm>>
    tpu.enqueue_indirect_dma source(%dma_start3A_901 : memref<25600000xf32, #tpu.memory_space<hbm>>) target(%dma_start3A_897 : memref<128xf32, #tpu.memory_space<vmem>>) offsets(%dma_start3A_899 : memref<128xi32, #tpu.memory_space<vmem>>) semaphore(%arg17 : memref<!tpu.dma_semaphore, #tpu.memory_space<semaphore_mem>>)
    %dma_start3A_902 = arith.constant 752 : i32
    %dma_start3A_903 = tpu.memref_slice %arg8[%dma_start3A_902] : memref<1664xf32, #tpu.memory_space<vmem>> -> memref<80xf32, #tpu.memory_space<vmem>>
    %dma_start3A_904 = arith.constant 752 : i32
    %dma_start3A_905 = tpu.memref_slice %arg7[%dma_start3A_904] : memref<1664xi32, #tpu.memory_space<vmem>> -> memref<80xi32, #tpu.memory_space<vmem>>
    %dma_start3A_906 = arith.constant 0 : i32
    %dma_start3A_907 = tpu.memref_slice %arg4[%dma_start3A_906] : memref<25600000xf32, #tpu.memory_space<hbm>> -> memref<25600000xf32, #tpu.memory_space<hbm>>
    tpu.enqueue_indirect_dma source(%dma_start3A_907 : memref<25600000xf32, #tpu.memory_space<hbm>>) target(%dma_start3A_903 : memref<80xf32, #tpu.memory_space<vmem>>) offsets(%dma_start3A_905 : memref<80xi32, #tpu.memory_space<vmem>>) semaphore(%arg17 : memref<!tpu.dma_semaphore, #tpu.memory_space<semaphore_mem>>)
    %dma_start3A_908 = arith.constant 832 : i32
    %dma_start3A_909 = tpu.memref_slice %arg8[%dma_start3A_908] : memref<1664xf32, #tpu.memory_space<vmem>> -> memref<128xf32, #tpu.memory_space<vmem>>
    %dma_start3A_910 = arith.constant 832 : i32
    %dma_start3A_911 = tpu.memref_slice %arg7[%dma_start3A_910] : memref<1664xi32, #tpu.memory_space<vmem>> -> memref<128xi32, #tpu.memory_space<vmem>>
    %dma_start3A_912 = arith.constant 0 : i32
    %dma_start3A_913 = tpu.memref_slice %arg4[%dma_start3A_912] : memref<25600000xf32, #tpu.memory_space<hbm>> -> memref<25600000xf32, #tpu.memory_space<hbm>>
    tpu.enqueue_indirect_dma source(%dma_start3A_913 : memref<25600000xf32, #tpu.memory_space<hbm>>) target(%dma_start3A_909 : memref<128xf32, #tpu.memory_space<vmem>>) offsets(%dma_start3A_911 : memref<128xi32, #tpu.memory_space<vmem>>) semaphore(%arg17 : memref<!tpu.dma_semaphore, #tpu.memory_space<semaphore_mem>>)
    %dma_start3A_914 = arith.constant 960 : i32
    %dma_start3A_915 = tpu.memref_slice %arg8[%dma_start3A_914] : memref<1664xf32, #tpu.memory_space<vmem>> -> memref<80xf32, #tpu.memory_space<vmem>>
    %dma_start3A_916 = arith.constant 960 : i32
    %dma_start3A_917 = tpu.memref_slice %arg7[%dma_start3A_916] : memref<1664xi32, #tpu.memory_space<vmem>> -> memref<80xi32, #tpu.memory_space<vmem>>
    %dma_start3A_918 = arith.constant 0 : i32
    %dma_start3A_919 = tpu.memref_slice %arg4[%dma_start3A_918] : memref<25600000xf32, #tpu.memory_space<hbm>> -> memref<25600000xf32, #tpu.memory_space<hbm>>
    tpu.enqueue_indirect_dma source(%dma_start3A_919 : memref<25600000xf32, #tpu.memory_space<hbm>>) target(%dma_start3A_915 : memref<80xf32, #tpu.memory_space<vmem>>) offsets(%dma_start3A_917 : memref<80xi32, #tpu.memory_space<vmem>>) semaphore(%arg17 : memref<!tpu.dma_semaphore, #tpu.memory_space<semaphore_mem>>)
    %dma_start3A_920 = arith.constant 1040 : i32
    %dma_start3A_921 = tpu.memref_slice %arg8[%dma_start3A_920] : memref<1664xf32, #tpu.memory_space<vmem>> -> memref<128xf32, #tpu.memory_space<vmem>>
    %dma_start3A_922 = arith.constant 1040 : i32
    %dma_start3A_923 = tpu.memref_slice %arg7[%dma_start3A_922] : memref<1664xi32, #tpu.memory_space<vmem>> -> memref<128xi32, #tpu.memory_space<vmem>>
    %dma_start3A_924 = arith.constant 0 : i32
    %dma_start3A_925 = tpu.memref_slice %arg4[%dma_start3A_924] : memref<25600000xf32, #tpu.memory_space<hbm>> -> memref<25600000xf32, #tpu.memory_space<hbm>>
    tpu.enqueue_indirect_dma source(%dma_start3A_925 : memref<25600000xf32, #tpu.memory_space<hbm>>) target(%dma_start3A_921 : memref<128xf32, #tpu.memory_space<vmem>>) offsets(%dma_start3A_923 : memref<128xi32, #tpu.memory_space<vmem>>) semaphore(%arg17 : memref<!tpu.dma_semaphore, #tpu.memory_space<semaphore_mem>>)
    %dma_start3A_926 = arith.constant 1168 : i32
    %dma_start3A_927 = tpu.memref_slice %arg8[%dma_start3A_926] : memref<1664xf32, #tpu.memory_space<vmem>> -> memref<80xf32, #tpu.memory_space<vmem>>
    %dma_start3A_928 = arith.constant 1168 : i32
    %dma_start3A_929 = tpu.memref_slice %arg7[%dma_start3A_928] : memref<1664xi32, #tpu.memory_space<vmem>> -> memref<80xi32, #tpu.memory_space<vmem>>
    %dma_start3A_930 = arith.constant 0 : i32
    %dma_start3A_931 = tpu.memref_slice %arg4[%dma_start3A_930] : memref<25600000xf32, #tpu.memory_space<hbm>> -> memref<25600000xf32, #tpu.memory_space<hbm>>
    tpu.enqueue_indirect_dma source(%dma_start3A_931 : memref<25600000xf32, #tpu.memory_space<hbm>>) target(%dma_start3A_927 : memref<80xf32, #tpu.memory_space<vmem>>) offsets(%dma_start3A_929 : memref<80xi32, #tpu.memory_space<vmem>>) semaphore(%arg17 : memref<!tpu.dma_semaphore, #tpu.memory_space<semaphore_mem>>)
    %dma_start3A_932 = arith.constant 1248 : i32
    %dma_start3A_933 = tpu.memref_slice %arg8[%dma_start3A_932] : memref<1664xf32, #tpu.memory_space<vmem>> -> memref<128xf32, #tpu.memory_space<vmem>>
    %dma_start3A_934 = arith.constant 1248 : i32
    %dma_start3A_935 = tpu.memref_slice %arg7[%dma_start3A_934] : memref<1664xi32, #tpu.memory_space<vmem>> -> memref<128xi32, #tpu.memory_space<vmem>>
    %dma_start3A_936 = arith.constant 0 : i32
    %dma_start3A_937 = tpu.memref_slice %arg4[%dma_start3A_936] : memref<25600000xf32, #tpu.memory_space<hbm>> -> memref<25600000xf32, #tpu.memory_space<hbm>>
    tpu.enqueue_indirect_dma source(%dma_start3A_937 : memref<25600000xf32, #tpu.memory_space<hbm>>) target(%dma_start3A_933 : memref<128xf32, #tpu.memory_space<vmem>>) offsets(%dma_start3A_935 : memref<128xi32, #tpu.memory_space<vmem>>) semaphore(%arg17 : memref<!tpu.dma_semaphore, #tpu.memory_space<semaphore_mem>>)
    %dma_start3A_938 = arith.constant 1376 : i32
    %dma_start3A_939 = tpu.memref_slice %arg8[%dma_start3A_938] : memref<1664xf32, #tpu.memory_space<vmem>> -> memref<80xf32, #tpu.memory_space<vmem>>
    %dma_start3A_940 = arith.constant 1376 : i32
    %dma_start3A_941 = tpu.memref_slice %arg7[%dma_start3A_940] : memref<1664xi32, #tpu.memory_space<vmem>> -> memref<80xi32, #tpu.memory_space<vmem>>
    %dma_start3A_942 = arith.constant 0 : i32
    %dma_start3A_943 = tpu.memref_slice %arg4[%dma_start3A_942] : memref<25600000xf32, #tpu.memory_space<hbm>> -> memref<25600000xf32, #tpu.memory_space<hbm>>
    tpu.enqueue_indirect_dma source(%dma_start3A_943 : memref<25600000xf32, #tpu.memory_space<hbm>>) target(%dma_start3A_939 : memref<80xf32, #tpu.memory_space<vmem>>) offsets(%dma_start3A_941 : memref<80xi32, #tpu.memory_space<vmem>>) semaphore(%arg17 : memref<!tpu.dma_semaphore, #tpu.memory_space<semaphore_mem>>)
    %dma_start3A_944 = arith.constant 1456 : i32
    %dma_start3A_945 = tpu.memref_slice %arg8[%dma_start3A_944] : memref<1664xf32, #tpu.memory_space<vmem>> -> memref<128xf32, #tpu.memory_space<vmem>>
    %dma_start3A_946 = arith.constant 1456 : i32
    %dma_start3A_947 = tpu.memref_slice %arg7[%dma_start3A_946] : memref<1664xi32, #tpu.memory_space<vmem>> -> memref<128xi32, #tpu.memory_space<vmem>>
    %dma_start3A_948 = arith.constant 0 : i32
    %dma_start3A_949 = tpu.memref_slice %arg4[%dma_start3A_948] : memref<25600000xf32, #tpu.memory_space<hbm>> -> memref<25600000xf32, #tpu.memory_space<hbm>>
    tpu.enqueue_indirect_dma source(%dma_start3A_949 : memref<25600000xf32, #tpu.memory_space<hbm>>) target(%dma_start3A_945 : memref<128xf32, #tpu.memory_space<vmem>>) offsets(%dma_start3A_947 : memref<128xi32, #tpu.memory_space<vmem>>) semaphore(%arg17 : memref<!tpu.dma_semaphore, #tpu.memory_space<semaphore_mem>>)
    %dma_start3A_950 = arith.constant 1584 : i32
    %dma_start3A_951 = tpu.memref_slice %arg8[%dma_start3A_950] : memref<1664xf32, #tpu.memory_space<vmem>> -> memref<80xf32, #tpu.memory_space<vmem>>
    %dma_start3A_952 = arith.constant 1584 : i32
    %dma_start3A_953 = tpu.memref_slice %arg7[%dma_start3A_952] : memref<1664xi32, #tpu.memory_space<vmem>> -> memref<80xi32, #tpu.memory_space<vmem>>
    %dma_start3A_954 = arith.constant 0 : i32
    %dma_start3A_955 = tpu.memref_slice %arg4[%dma_start3A_954] : memref<25600000xf32, #tpu.memory_space<hbm>> -> memref<25600000xf32, #tpu.memory_space<hbm>>
    tpu.enqueue_indirect_dma source(%dma_start3A_955 : memref<25600000xf32, #tpu.memory_space<hbm>>) target(%dma_start3A_951 : memref<80xf32, #tpu.memory_space<vmem>>) offsets(%dma_start3A_953 : memref<80xi32, #tpu.memory_space<vmem>>) semaphore(%arg17 : memref<!tpu.dma_semaphore, #tpu.memory_space<semaphore_mem>>)
    %dma_start3A_956 = arith.constant 0 : i32
    %dma_start3A_957 = tpu.memref_slice %arg11[%dma_start3A_956] : memref<160xf32, #tpu.memory_space<vmem>> -> memref<128xf32, #tpu.memory_space<vmem>>
    %dma_start3A_958 = arith.constant 0 : i32
    %dma_start3A_959 = tpu.memref_slice %arg10[%dma_start3A_958] : memref<160xi32, #tpu.memory_space<vmem>> -> memref<128xi32, #tpu.memory_space<vmem>>
    %dma_start3A_960 = arith.constant 0 : i32
    %dma_start3A_961 = tpu.memref_slice %arg4[%dma_start3A_960] : memref<25600000xf32, #tpu.memory_space<hbm>> -> memref<25600000xf32, #tpu.memory_space<hbm>>
    tpu.enqueue_indirect_dma source(%dma_start3A_961 : memref<25600000xf32, #tpu.memory_space<hbm>>) target(%dma_start3A_957 : memref<128xf32, #tpu.memory_space<vmem>>) offsets(%dma_start3A_959 : memref<128xi32, #tpu.memory_space<vmem>>) semaphore(%arg17 : memref<!tpu.dma_semaphore, #tpu.memory_space<semaphore_mem>>)
    %dma_start3A_962 = arith.constant 128 : i32
    %dma_start3A_963 = tpu.memref_slice %arg11[%dma_start3A_962] : memref<160xf32, #tpu.memory_space<vmem>> -> memref<32xf32, #tpu.memory_space<vmem>>
    %dma_start3A_964 = arith.constant 128 : i32
    %dma_start3A_965 = tpu.memref_slice %arg10[%dma_start3A_964] : memref<160xi32, #tpu.memory_space<vmem>> -> memref<32xi32, #tpu.memory_space<vmem>>
    %dma_start3A_966 = arith.constant 0 : i32
    %dma_start3A_967 = tpu.memref_slice %arg4[%dma_start3A_966] : memref<25600000xf32, #tpu.memory_space<hbm>> -> memref<25600000xf32, #tpu.memory_space<hbm>>
    tpu.enqueue_indirect_dma source(%dma_start3A_967 : memref<25600000xf32, #tpu.memory_space<hbm>>) target(%dma_start3A_963 : memref<32xf32, #tpu.memory_space<vmem>>) offsets(%dma_start3A_965 : memref<32xi32, #tpu.memory_space<vmem>>) semaphore(%arg17 : memref<!tpu.dma_semaphore, #tpu.memory_space<semaphore_mem>>)
    %dma_wait3A_968 = arith.constant 0 : i32
    %dma_wait3A_969 = tpu.memref_slice %arg8[%dma_wait3A_968] : memref<1664xf32, #tpu.memory_space<vmem>> -> memref<128xf32, #tpu.memory_space<vmem>>
    %dma_wait3A_970 = arith.constant 0 : i32
    %dma_wait3A_971 = tpu.memref_slice %arg7[%dma_wait3A_970] : memref<1664xi32, #tpu.memory_space<vmem>> -> memref<128xi32, #tpu.memory_space<vmem>>
    %dma_wait3A_972 = arith.constant 0 : i32
    %dma_wait3A_973 = tpu.memref_slice %arg4[%dma_wait3A_972] : memref<25600000xf32, #tpu.memory_space<hbm>> -> memref<25600000xf32, #tpu.memory_space<hbm>>
    tpu.wait_indirect_dma semaphore(%arg17 : memref<!tpu.dma_semaphore, #tpu.memory_space<semaphore_mem>>) src(%dma_wait3A_973 : memref<25600000xf32, #tpu.memory_space<hbm>>) dst(%dma_wait3A_969 : memref<128xf32, #tpu.memory_space<vmem>>)
    %dma_wait3A_974 = arith.constant 128 : i32
    %dma_wait3A_975 = tpu.memref_slice %arg8[%dma_wait3A_974] : memref<1664xf32, #tpu.memory_space<vmem>> -> memref<80xf32, #tpu.memory_space<vmem>>
    %dma_wait3A_976 = arith.constant 128 : i32
    %dma_wait3A_977 = tpu.memref_slice %arg7[%dma_wait3A_976] : memref<1664xi32, #tpu.memory_space<vmem>> -> memref<80xi32, #tpu.memory_space<vmem>>
    %dma_wait3A_978 = arith.constant 0 : i32
    %dma_wait3A_979 = tpu.memref_slice %arg4[%dma_wait3A_978] : memref<25600000xf32, #tpu.memory_space<hbm>> -> memref<25600000xf32, #tpu.memory_space<hbm>>
    tpu.wait_indirect_dma semaphore(%arg17 : memref<!tpu.dma_semaphore, #tpu.memory_space<semaphore_mem>>) src(%dma_wait3A_979 : memref<25600000xf32, #tpu.memory_space<hbm>>) dst(%dma_wait3A_975 : memref<80xf32, #tpu.memory_space<vmem>>)
    %dma_wait3A_980 = arith.constant 208 : i32
    %dma_wait3A_981 = tpu.memref_slice %arg8[%dma_wait3A_980] : memref<1664xf32, #tpu.memory_space<vmem>> -> memref<128xf32, #tpu.memory_space<vmem>>
    %dma_wait3A_982 = arith.constant 208 : i32
    %dma_wait3A_983 = tpu.memref_slice %arg7[%dma_wait3A_982] : memref<1664xi32, #tpu.memory_space<vmem>> -> memref<128xi32, #tpu.memory_space<vmem>>
    %dma_wait3A_984 = arith.constant 0 : i32
    %dma_wait3A_985 = tpu.memref_slice %arg4[%dma_wait3A_984] : memref<25600000xf32, #tpu.memory_space<hbm>> -> memref<25600000xf32, #tpu.memory_space<hbm>>
    tpu.wait_indirect_dma semaphore(%arg17 : memref<!tpu.dma_semaphore, #tpu.memory_space<semaphore_mem>>) src(%dma_wait3A_985 : memref<25600000xf32, #tpu.memory_space<hbm>>) dst(%dma_wait3A_981 : memref<128xf32, #tpu.memory_space<vmem>>)
    %dma_wait3A_986 = arith.constant 336 : i32
    %dma_wait3A_987 = tpu.memref_slice %arg8[%dma_wait3A_986] : memref<1664xf32, #tpu.memory_space<vmem>> -> memref<80xf32, #tpu.memory_space<vmem>>
    %dma_wait3A_988 = arith.constant 336 : i32
    %dma_wait3A_989 = tpu.memref_slice %arg7[%dma_wait3A_988] : memref<1664xi32, #tpu.memory_space<vmem>> -> memref<80xi32, #tpu.memory_space<vmem>>
    %dma_wait3A_990 = arith.constant 0 : i32
    %dma_wait3A_991 = tpu.memref_slice %arg4[%dma_wait3A_990] : memref<25600000xf32, #tpu.memory_space<hbm>> -> memref<25600000xf32, #tpu.memory_space<hbm>>
    tpu.wait_indirect_dma semaphore(%arg17 : memref<!tpu.dma_semaphore, #tpu.memory_space<semaphore_mem>>) src(%dma_wait3A_991 : memref<25600000xf32, #tpu.memory_space<hbm>>) dst(%dma_wait3A_987 : memref<80xf32, #tpu.memory_space<vmem>>)
    %dma_wait3A_992 = arith.constant 416 : i32
    %dma_wait3A_993 = tpu.memref_slice %arg8[%dma_wait3A_992] : memref<1664xf32, #tpu.memory_space<vmem>> -> memref<128xf32, #tpu.memory_space<vmem>>
    %dma_wait3A_994 = arith.constant 416 : i32
    %dma_wait3A_995 = tpu.memref_slice %arg7[%dma_wait3A_994] : memref<1664xi32, #tpu.memory_space<vmem>> -> memref<128xi32, #tpu.memory_space<vmem>>
    %dma_wait3A_996 = arith.constant 0 : i32
    %dma_wait3A_997 = tpu.memref_slice %arg4[%dma_wait3A_996] : memref<25600000xf32, #tpu.memory_space<hbm>> -> memref<25600000xf32, #tpu.memory_space<hbm>>
    tpu.wait_indirect_dma semaphore(%arg17 : memref<!tpu.dma_semaphore, #tpu.memory_space<semaphore_mem>>) src(%dma_wait3A_997 : memref<25600000xf32, #tpu.memory_space<hbm>>) dst(%dma_wait3A_993 : memref<128xf32, #tpu.memory_space<vmem>>)
    %dma_wait3A_998 = arith.constant 544 : i32
    %dma_wait3A_999 = tpu.memref_slice %arg8[%dma_wait3A_998] : memref<1664xf32, #tpu.memory_space<vmem>> -> memref<80xf32, #tpu.memory_space<vmem>>
    %dma_wait3A_1000 = arith.constant 544 : i32
    %dma_wait3A_1001 = tpu.memref_slice %arg7[%dma_wait3A_1000] : memref<1664xi32, #tpu.memory_space<vmem>> -> memref<80xi32, #tpu.memory_space<vmem>>
    %dma_wait3A_1002 = arith.constant 0 : i32
    %dma_wait3A_1003 = tpu.memref_slice %arg4[%dma_wait3A_1002] : memref<25600000xf32, #tpu.memory_space<hbm>> -> memref<25600000xf32, #tpu.memory_space<hbm>>
    tpu.wait_indirect_dma semaphore(%arg17 : memref<!tpu.dma_semaphore, #tpu.memory_space<semaphore_mem>>) src(%dma_wait3A_1003 : memref<25600000xf32, #tpu.memory_space<hbm>>) dst(%dma_wait3A_999 : memref<80xf32, #tpu.memory_space<vmem>>)
    %dma_wait3A_1004 = arith.constant 624 : i32
    %dma_wait3A_1005 = tpu.memref_slice %arg8[%dma_wait3A_1004] : memref<1664xf32, #tpu.memory_space<vmem>> -> memref<128xf32, #tpu.memory_space<vmem>>
    %dma_wait3A_1006 = arith.constant 624 : i32
    %dma_wait3A_1007 = tpu.memref_slice %arg7[%dma_wait3A_1006] : memref<1664xi32, #tpu.memory_space<vmem>> -> memref<128xi32, #tpu.memory_space<vmem>>
    %dma_wait3A_1008 = arith.constant 0 : i32
    %dma_wait3A_1009 = tpu.memref_slice %arg4[%dma_wait3A_1008] : memref<25600000xf32, #tpu.memory_space<hbm>> -> memref<25600000xf32, #tpu.memory_space<hbm>>
    tpu.wait_indirect_dma semaphore(%arg17 : memref<!tpu.dma_semaphore, #tpu.memory_space<semaphore_mem>>) src(%dma_wait3A_1009 : memref<25600000xf32, #tpu.memory_space<hbm>>) dst(%dma_wait3A_1005 : memref<128xf32, #tpu.memory_space<vmem>>)
    %dma_wait3A_1010 = arith.constant 752 : i32
    %dma_wait3A_1011 = tpu.memref_slice %arg8[%dma_wait3A_1010] : memref<1664xf32, #tpu.memory_space<vmem>> -> memref<80xf32, #tpu.memory_space<vmem>>
    %dma_wait3A_1012 = arith.constant 752 : i32
    %dma_wait3A_1013 = tpu.memref_slice %arg7[%dma_wait3A_1012] : memref<1664xi32, #tpu.memory_space<vmem>> -> memref<80xi32, #tpu.memory_space<vmem>>
    %dma_wait3A_1014 = arith.constant 0 : i32
    %dma_wait3A_1015 = tpu.memref_slice %arg4[%dma_wait3A_1014] : memref<25600000xf32, #tpu.memory_space<hbm>> -> memref<25600000xf32, #tpu.memory_space<hbm>>
    tpu.wait_indirect_dma semaphore(%arg17 : memref<!tpu.dma_semaphore, #tpu.memory_space<semaphore_mem>>) src(%dma_wait3A_1015 : memref<25600000xf32, #tpu.memory_space<hbm>>) dst(%dma_wait3A_1011 : memref<80xf32, #tpu.memory_space<vmem>>)
    %dma_wait3A_1016 = arith.constant 832 : i32
    %dma_wait3A_1017 = tpu.memref_slice %arg8[%dma_wait3A_1016] : memref<1664xf32, #tpu.memory_space<vmem>> -> memref<128xf32, #tpu.memory_space<vmem>>
    %dma_wait3A_1018 = arith.constant 832 : i32
    %dma_wait3A_1019 = tpu.memref_slice %arg7[%dma_wait3A_1018] : memref<1664xi32, #tpu.memory_space<vmem>> -> memref<128xi32, #tpu.memory_space<vmem>>
    %dma_wait3A_1020 = arith.constant 0 : i32
    %dma_wait3A_1021 = tpu.memref_slice %arg4[%dma_wait3A_1020] : memref<25600000xf32, #tpu.memory_space<hbm>> -> memref<25600000xf32, #tpu.memory_space<hbm>>
    tpu.wait_indirect_dma semaphore(%arg17 : memref<!tpu.dma_semaphore, #tpu.memory_space<semaphore_mem>>) src(%dma_wait3A_1021 : memref<25600000xf32, #tpu.memory_space<hbm>>) dst(%dma_wait3A_1017 : memref<128xf32, #tpu.memory_space<vmem>>)
    %dma_wait3A_1022 = arith.constant 960 : i32
    %dma_wait3A_1023 = tpu.memref_slice %arg8[%dma_wait3A_1022] : memref<1664xf32, #tpu.memory_space<vmem>> -> memref<80xf32, #tpu.memory_space<vmem>>
    %dma_wait3A_1024 = arith.constant 960 : i32
    %dma_wait3A_1025 = tpu.memref_slice %arg7[%dma_wait3A_1024] : memref<1664xi32, #tpu.memory_space<vmem>> -> memref<80xi32, #tpu.memory_space<vmem>>
    %dma_wait3A_1026 = arith.constant 0 : i32
    %dma_wait3A_1027 = tpu.memref_slice %arg4[%dma_wait3A_1026] : memref<25600000xf32, #tpu.memory_space<hbm>> -> memref<25600000xf32, #tpu.memory_space<hbm>>
    tpu.wait_indirect_dma semaphore(%arg17 : memref<!tpu.dma_semaphore, #tpu.memory_space<semaphore_mem>>) src(%dma_wait3A_1027 : memref<25600000xf32, #tpu.memory_space<hbm>>) dst(%dma_wait3A_1023 : memref<80xf32, #tpu.memory_space<vmem>>)
    %dma_wait3A_1028 = arith.constant 1040 : i32
    %dma_wait3A_1029 = tpu.memref_slice %arg8[%dma_wait3A_1028] : memref<1664xf32, #tpu.memory_space<vmem>> -> memref<128xf32, #tpu.memory_space<vmem>>
    %dma_wait3A_1030 = arith.constant 1040 : i32
    %dma_wait3A_1031 = tpu.memref_slice %arg7[%dma_wait3A_1030] : memref<1664xi32, #tpu.memory_space<vmem>> -> memref<128xi32, #tpu.memory_space<vmem>>
    %dma_wait3A_1032 = arith.constant 0 : i32
    %dma_wait3A_1033 = tpu.memref_slice %arg4[%dma_wait3A_1032] : memref<25600000xf32, #tpu.memory_space<hbm>> -> memref<25600000xf32, #tpu.memory_space<hbm>>
    tpu.wait_indirect_dma semaphore(%arg17 : memref<!tpu.dma_semaphore, #tpu.memory_space<semaphore_mem>>) src(%dma_wait3A_1033 : memref<25600000xf32, #tpu.memory_space<hbm>>) dst(%dma_wait3A_1029 : memref<128xf32, #tpu.memory_space<vmem>>)
    %dma_wait3A_1034 = arith.constant 1168 : i32
    %dma_wait3A_1035 = tpu.memref_slice %arg8[%dma_wait3A_1034] : memref<1664xf32, #tpu.memory_space<vmem>> -> memref<80xf32, #tpu.memory_space<vmem>>
    %dma_wait3A_1036 = arith.constant 1168 : i32
    %dma_wait3A_1037 = tpu.memref_slice %arg7[%dma_wait3A_1036] : memref<1664xi32, #tpu.memory_space<vmem>> -> memref<80xi32, #tpu.memory_space<vmem>>
    %dma_wait3A_1038 = arith.constant 0 : i32
    %dma_wait3A_1039 = tpu.memref_slice %arg4[%dma_wait3A_1038] : memref<25600000xf32, #tpu.memory_space<hbm>> -> memref<25600000xf32, #tpu.memory_space<hbm>>
    tpu.wait_indirect_dma semaphore(%arg17 : memref<!tpu.dma_semaphore, #tpu.memory_space<semaphore_mem>>) src(%dma_wait3A_1039 : memref<25600000xf32, #tpu.memory_space<hbm>>) dst(%dma_wait3A_1035 : memref<80xf32, #tpu.memory_space<vmem>>)
    %dma_wait3A_1040 = arith.constant 1248 : i32
    %dma_wait3A_1041 = tpu.memref_slice %arg8[%dma_wait3A_1040] : memref<1664xf32, #tpu.memory_space<vmem>> -> memref<128xf32, #tpu.memory_space<vmem>>
    %dma_wait3A_1042 = arith.constant 1248 : i32
    %dma_wait3A_1043 = tpu.memref_slice %arg7[%dma_wait3A_1042] : memref<1664xi32, #tpu.memory_space<vmem>> -> memref<128xi32, #tpu.memory_space<vmem>>
    %dma_wait3A_1044 = arith.constant 0 : i32
    %dma_wait3A_1045 = tpu.memref_slice %arg4[%dma_wait3A_1044] : memref<25600000xf32, #tpu.memory_space<hbm>> -> memref<25600000xf32, #tpu.memory_space<hbm>>
    tpu.wait_indirect_dma semaphore(%arg17 : memref<!tpu.dma_semaphore, #tpu.memory_space<semaphore_mem>>) src(%dma_wait3A_1045 : memref<25600000xf32, #tpu.memory_space<hbm>>) dst(%dma_wait3A_1041 : memref<128xf32, #tpu.memory_space<vmem>>)
    %dma_wait3A_1046 = arith.constant 1376 : i32
    %dma_wait3A_1047 = tpu.memref_slice %arg8[%dma_wait3A_1046] : memref<1664xf32, #tpu.memory_space<vmem>> -> memref<80xf32, #tpu.memory_space<vmem>>
    %dma_wait3A_1048 = arith.constant 1376 : i32
    %dma_wait3A_1049 = tpu.memref_slice %arg7[%dma_wait3A_1048] : memref<1664xi32, #tpu.memory_space<vmem>> -> memref<80xi32, #tpu.memory_space<vmem>>
    %dma_wait3A_1050 = arith.constant 0 : i32
    %dma_wait3A_1051 = tpu.memref_slice %arg4[%dma_wait3A_1050] : memref<25600000xf32, #tpu.memory_space<hbm>> -> memref<25600000xf32, #tpu.memory_space<hbm>>
    tpu.wait_indirect_dma semaphore(%arg17 : memref<!tpu.dma_semaphore, #tpu.memory_space<semaphore_mem>>) src(%dma_wait3A_1051 : memref<25600000xf32, #tpu.memory_space<hbm>>) dst(%dma_wait3A_1047 : memref<80xf32, #tpu.memory_space<vmem>>)
    %dma_wait3A_1052 = arith.constant 1456 : i32
    %dma_wait3A_1053 = tpu.memref_slice %arg8[%dma_wait3A_1052] : memref<1664xf32, #tpu.memory_space<vmem>> -> memref<128xf32, #tpu.memory_space<vmem>>
    %dma_wait3A_1054 = arith.constant 1456 : i32
    %dma_wait3A_1055 = tpu.memref_slice %arg7[%dma_wait3A_1054] : memref<1664xi32, #tpu.memory_space<vmem>> -> memref<128xi32, #tpu.memory_space<vmem>>
    %dma_wait3A_1056 = arith.constant 0 : i32
    %dma_wait3A_1057 = tpu.memref_slice %arg4[%dma_wait3A_1056] : memref<25600000xf32, #tpu.memory_space<hbm>> -> memref<25600000xf32, #tpu.memory_space<hbm>>
    tpu.wait_indirect_dma semaphore(%arg17 : memref<!tpu.dma_semaphore, #tpu.memory_space<semaphore_mem>>) src(%dma_wait3A_1057 : memref<25600000xf32, #tpu.memory_space<hbm>>) dst(%dma_wait3A_1053 : memref<128xf32, #tpu.memory_space<vmem>>)
    %dma_wait3A_1058 = arith.constant 1584 : i32
    %dma_wait3A_1059 = tpu.memref_slice %arg8[%dma_wait3A_1058] : memref<1664xf32, #tpu.memory_space<vmem>> -> memref<80xf32, #tpu.memory_space<vmem>>
    %dma_wait3A_1060 = arith.constant 1584 : i32
    %dma_wait3A_1061 = tpu.memref_slice %arg7[%dma_wait3A_1060] : memref<1664xi32, #tpu.memory_space<vmem>> -> memref<80xi32, #tpu.memory_space<vmem>>
    %dma_wait3A_1062 = arith.constant 0 : i32
    %dma_wait3A_1063 = tpu.memref_slice %arg4[%dma_wait3A_1062] : memref<25600000xf32, #tpu.memory_space<hbm>> -> memref<25600000xf32, #tpu.memory_space<hbm>>
    tpu.wait_indirect_dma semaphore(%arg17 : memref<!tpu.dma_semaphore, #tpu.memory_space<semaphore_mem>>) src(%dma_wait3A_1063 : memref<25600000xf32, #tpu.memory_space<hbm>>) dst(%dma_wait3A_1059 : memref<80xf32, #tpu.memory_space<vmem>>)
    %dma_wait3A_1064 = arith.constant 0 : i32
    %dma_wait3A_1065 = tpu.memref_slice %arg11[%dma_wait3A_1064] : memref<160xf32, #tpu.memory_space<vmem>> -> memref<128xf32, #tpu.memory_space<vmem>>
    %dma_wait3A_1066 = arith.constant 0 : i32
    %dma_wait3A_1067 = tpu.memref_slice %arg10[%dma_wait3A_1066] : memref<160xi32, #tpu.memory_space<vmem>> -> memref<128xi32, #tpu.memory_space<vmem>>
    %dma_wait3A_1068 = arith.constant 0 : i32
    %dma_wait3A_1069 = tpu.memref_slice %arg4[%dma_wait3A_1068] : memref<25600000xf32, #tpu.memory_space<hbm>> -> memref<25600000xf32, #tpu.memory_space<hbm>>
    tpu.wait_indirect_dma semaphore(%arg17 : memref<!tpu.dma_semaphore, #tpu.memory_space<semaphore_mem>>) src(%dma_wait3A_1069 : memref<25600000xf32, #tpu.memory_space<hbm>>) dst(%dma_wait3A_1065 : memref<128xf32, #tpu.memory_space<vmem>>)
    %dma_wait3A_1070 = arith.constant 128 : i32
    %dma_wait3A_1071 = tpu.memref_slice %arg11[%dma_wait3A_1070] : memref<160xf32, #tpu.memory_space<vmem>> -> memref<32xf32, #tpu.memory_space<vmem>>
    %dma_wait3A_1072 = arith.constant 128 : i32
    %dma_wait3A_1073 = tpu.memref_slice %arg10[%dma_wait3A_1072] : memref<160xi32, #tpu.memory_space<vmem>> -> memref<32xi32, #tpu.memory_space<vmem>>
    %dma_wait3A_1074 = arith.constant 0 : i32
    %dma_wait3A_1075 = tpu.memref_slice %arg4[%dma_wait3A_1074] : memref<25600000xf32, #tpu.memory_space<hbm>> -> memref<25600000xf32, #tpu.memory_space<hbm>>
    tpu.wait_indirect_dma semaphore(%arg17 : memref<!tpu.dma_semaphore, #tpu.memory_space<semaphore_mem>>) src(%dma_wait3A_1075 : memref<25600000xf32, #tpu.memory_space<hbm>>) dst(%dma_wait3A_1071 : memref<32xf32, #tpu.memory_space<vmem>>)
    %broadcast_in_dim3A_1076 = arith.constant 5.000000e-03 : f32
    %broadcast_in_dim3A_1077 = vector.broadcast %broadcast_in_dim3A_1076 : f32 to vector<16xf32>
    %get3A_1078 = arith.constant 0 : index
    %get3A_1079 = tpu.vector_load %arg8[%get3A_1078] {strides = array<i32>} : memref<1664xf32, #tpu.memory_space<vmem>>, vector<16xf32>,
    %add3A_1080 = arith.addf %broadcast_in_dim3A_5, %get3A_1079 : vector<16xf32>
    %get3A_1081 = arith.constant 16 : index
    %get3A_1082 = tpu.vector_load %arg8[%get3A_1081] {strides = array<i32>} : memref<1664xf32, #tpu.memory_space<vmem>>, vector<16xf32>,
    %add3A_1083 = arith.addf %add3A_1080, %get3A_1082 : vector<16xf32>
    %get3A_1084 = arith.constant 32 : index
    %get3A_1085 = tpu.vector_load %arg8[%get3A_1084] {strides = array<i32>} : memref<1664xf32, #tpu.memory_space<vmem>>, vector<16xf32>,
    %add3A_1086 = arith.addf %add3A_1083, %get3A_1085 : vector<16xf32>
    %get3A_1087 = arith.constant 48 : index
    %get3A_1088 = tpu.vector_load %arg8[%get3A_1087] {strides = array<i32>} : memref<1664xf32, #tpu.memory_space<vmem>>, vector<16xf32>,
    %add3A_1089 = arith.addf %add3A_1086, %get3A_1088 : vector<16xf32>
    %get3A_1090 = arith.constant 64 : index
    %get3A_1091 = tpu.vector_load %arg8[%get3A_1090] {strides = array<i32>} : memref<1664xf32, #tpu.memory_space<vmem>>, vector<16xf32>,
    %add3A_1092 = arith.addf %add3A_1089, %get3A_1091 : vector<16xf32>
    %get3A_1093 = arith.constant 80 : index
    %get3A_1094 = tpu.vector_load %arg8[%get3A_1093] {strides = array<i32>} : memref<1664xf32, #tpu.memory_space<vmem>>, vector<16xf32>,
    %add3A_1095 = arith.addf %add3A_1092, %get3A_1094 : vector<16xf32>
    %get3A_1096 = arith.constant 96 : index
    %get3A_1097 = tpu.vector_load %arg8[%get3A_1096] {strides = array<i32>} : memref<1664xf32, #tpu.memory_space<vmem>>, vector<16xf32>,
    %add3A_1098 = arith.addf %add3A_1095, %get3A_1097 : vector<16xf32>
    %get3A_1099 = arith.constant 112 : index
    %get3A_1100 = tpu.vector_load %arg8[%get3A_1099] {strides = array<i32>} : memref<1664xf32, #tpu.memory_space<vmem>>, vector<16xf32>,
    %add3A_1101 = arith.addf %add3A_1098, %get3A_1100 : vector<16xf32>
    %get3A_1102 = arith.constant 128 : index
    %get3A_1103 = tpu.vector_load %arg8[%get3A_1102] {strides = array<i32>} : memref<1664xf32, #tpu.memory_space<vmem>>, vector<16xf32>,
    %add3A_1104 = arith.addf %add3A_1101, %get3A_1103 : vector<16xf32>
    %get3A_1105 = arith.constant 144 : index
    %get3A_1106 = tpu.vector_load %arg8[%get3A_1105] {strides = array<i32>} : memref<1664xf32, #tpu.memory_space<vmem>>, vector<16xf32>,
    %add3A_1107 = arith.addf %add3A_1104, %get3A_1106 : vector<16xf32>
    %get3A_1108 = arith.constant 160 : index
    %get3A_1109 = tpu.vector_load %arg8[%get3A_1108] {strides = array<i32>} : memref<1664xf32, #tpu.memory_space<vmem>>, vector<16xf32>,
    %add3A_1110 = arith.addf %add3A_1107, %get3A_1109 : vector<16xf32>
    %get3A_1111 = arith.constant 176 : index
    %get3A_1112 = tpu.vector_load %arg8[%get3A_1111] {strides = array<i32>} : memref<1664xf32, #tpu.memory_space<vmem>>, vector<16xf32>,
    %add3A_1113 = arith.addf %add3A_1110, %get3A_1112 : vector<16xf32>
    %get3A_1114 = arith.constant 192 : index
    %get3A_1115 = tpu.vector_load %arg8[%get3A_1114] {strides = array<i32>} : memref<1664xf32, #tpu.memory_space<vmem>>, vector<16xf32>,
    %select_n3A_1116 = arith.select %lt3A, %get3A_1115, %broadcast_in_dim3A_5 : vector<16xi1>, vector<16xf32>
    %add3A_1117 = arith.addf %add3A_1113, %select_n3A_1116 : vector<16xf32>
    %swap3A_1118 = arith.constant 0 : index
    %swap3A_1119 = tpu.vector_load %arg16[%swap3A_1118] {strides = array<i32>} : memref<16xf32, #tpu.memory_space<vmem>>, vector<16xf32>,
    tpu.vector_store %arg16[%swap3A_1118], %add3A_1117 {strides = array<i32>} : memref<16xf32, #tpu.memory_space<vmem>>, vector<16xf32>,
    %broadcast_in_dim3A_1120 = arith.constant 8 : i32
    %broadcast_in_dim3A_1121 = vector.broadcast %broadcast_in_dim3A_1120 : i32 to vector<16xi32>
    %xor3A = arith.xori %iota3A, %broadcast_in_dim3A_1121 : vector<16xi32>
    %gather3A = tpu.vector_load_idx %arg16[%xor3A] : memref<16xf32, #tpu.memory_space<vmem>>[vector<16xi32>], vector<16xf32>,
    %add3A_1122 = arith.addf %add3A_1117, %gather3A : vector<16xf32>
    %swap3A_1123 = arith.constant 0 : index
    %swap3A_1124 = tpu.vector_load %arg16[%swap3A_1123] {strides = array<i32>} : memref<16xf32, #tpu.memory_space<vmem>>, vector<16xf32>,
    tpu.vector_store %arg16[%swap3A_1123], %add3A_1122 {strides = array<i32>} : memref<16xf32, #tpu.memory_space<vmem>>, vector<16xf32>,
    %broadcast_in_dim3A_1125 = arith.constant 4 : i32
    %broadcast_in_dim3A_1126 = vector.broadcast %broadcast_in_dim3A_1125 : i32 to vector<16xi32>
    %xor3A_1127 = arith.xori %iota3A, %broadcast_in_dim3A_1126 : vector<16xi32>
    %gather3A_1128 = tpu.vector_load_idx %arg16[%xor3A_1127] : memref<16xf32, #tpu.memory_space<vmem>>[vector<16xi32>], vector<16xf32>,
    %add3A_1129 = arith.addf %add3A_1122, %gather3A_1128 : vector<16xf32>
    %swap3A_1130 = arith.constant 0 : index
    %swap3A_1131 = tpu.vector_load %arg16[%swap3A_1130] {strides = array<i32>} : memref<16xf32, #tpu.memory_space<vmem>>, vector<16xf32>,
    tpu.vector_store %arg16[%swap3A_1130], %add3A_1129 {strides = array<i32>} : memref<16xf32, #tpu.memory_space<vmem>>, vector<16xf32>,
    %broadcast_in_dim3A_1132 = arith.constant 2 : i32
    %broadcast_in_dim3A_1133 = vector.broadcast %broadcast_in_dim3A_1132 : i32 to vector<16xi32>
    %xor3A_1134 = arith.xori %iota3A, %broadcast_in_dim3A_1133 : vector<16xi32>
    %gather3A_1135 = tpu.vector_load_idx %arg16[%xor3A_1134] : memref<16xf32, #tpu.memory_space<vmem>>[vector<16xi32>], vector<16xf32>,
    %add3A_1136 = arith.addf %add3A_1129, %gather3A_1135 : vector<16xf32>
    %swap3A_1137 = arith.constant 0 : index
    %swap3A_1138 = tpu.vector_load %arg16[%swap3A_1137] {strides = array<i32>} : memref<16xf32, #tpu.memory_space<vmem>>, vector<16xf32>,
    tpu.vector_store %arg16[%swap3A_1137], %add3A_1136 {strides = array<i32>} : memref<16xf32, #tpu.memory_space<vmem>>, vector<16xf32>,
    %broadcast_in_dim3A_1139 = arith.constant 1 : i32
    %broadcast_in_dim3A_1140 = vector.broadcast %broadcast_in_dim3A_1139 : i32 to vector<16xi32>
    %xor3A_1141 = arith.xori %iota3A, %broadcast_in_dim3A_1140 : vector<16xi32>
    %gather3A_1142 = tpu.vector_load_idx %arg16[%xor3A_1141] : memref<16xf32, #tpu.memory_space<vmem>>[vector<16xi32>], vector<16xf32>,
    %add3A_1143 = arith.addf %add3A_1136, %gather3A_1142 : vector<16xf32>
    %mul3A_1144 = arith.mulf %add3A_1143, %broadcast_in_dim3A_1077 : vector<16xf32>
    %get3A_1145 = arith.constant 208 : index
    %get3A_1146 = tpu.vector_load %arg8[%get3A_1145] {strides = array<i32>} : memref<1664xf32, #tpu.memory_space<vmem>>, vector<16xf32>,
    %add3A_1147 = arith.addf %broadcast_in_dim3A_5, %get3A_1146 : vector<16xf32>
    %get3A_1148 = arith.constant 224 : index
    %get3A_1149 = tpu.vector_load %arg8[%get3A_1148] {strides = array<i32>} : memref<1664xf32, #tpu.memory_space<vmem>>, vector<16xf32>,
    %add3A_1150 = arith.addf %add3A_1147, %get3A_1149 : vector<16xf32>
    %get3A_1151 = arith.constant 240 : index
    %get3A_1152 = tpu.vector_load %arg8[%get3A_1151] {strides = array<i32>} : memref<1664xf32, #tpu.memory_space<vmem>>, vector<16xf32>,
    %add3A_1153 = arith.addf %add3A_1150, %get3A_1152 : vector<16xf32>
    %get3A_1154 = arith.constant 256 : index
    %get3A_1155 = tpu.vector_load %arg8[%get3A_1154] {strides = array<i32>} : memref<1664xf32, #tpu.memory_space<vmem>>, vector<16xf32>,
    %add3A_1156 = arith.addf %add3A_1153, %get3A_1155 : vector<16xf32>
    %get3A_1157 = arith.constant 272 : index
    %get3A_1158 = tpu.vector_load %arg8[%get3A_1157] {strides = array<i32>} : memref<1664xf32, #tpu.memory_space<vmem>>, vector<16xf32>,
    %add3A_1159 = arith.addf %add3A_1156, %get3A_1158 : vector<16xf32>
    %get3A_1160 = arith.constant 288 : index
    %get3A_1161 = tpu.vector_load %arg8[%get3A_1160] {strides = array<i32>} : memref<1664xf32, #tpu.memory_space<vmem>>, vector<16xf32>,
    %add3A_1162 = arith.addf %add3A_1159, %get3A_1161 : vector<16xf32>
    %get3A_1163 = arith.constant 304 : index
    %get3A_1164 = tpu.vector_load %arg8[%get3A_1163] {strides = array<i32>} : memref<1664xf32, #tpu.memory_space<vmem>>, vector<16xf32>,
    %add3A_1165 = arith.addf %add3A_1162, %get3A_1164 : vector<16xf32>
    %get3A_1166 = arith.constant 320 : index
    %get3A_1167 = tpu.vector_load %arg8[%get3A_1166] {strides = array<i32>} : memref<1664xf32, #tpu.memory_space<vmem>>, vector<16xf32>,
    %add3A_1168 = arith.addf %add3A_1165, %get3A_1167 : vector<16xf32>
    %get3A_1169 = arith.constant 336 : index
    %get3A_1170 = tpu.vector_load %arg8[%get3A_1169] {strides = array<i32>} : memref<1664xf32, #tpu.memory_space<vmem>>, vector<16xf32>,
    %add3A_1171 = arith.addf %add3A_1168, %get3A_1170 : vector<16xf32>
    %get3A_1172 = arith.constant 352 : index
    %get3A_1173 = tpu.vector_load %arg8[%get3A_1172] {strides = array<i32>} : memref<1664xf32, #tpu.memory_space<vmem>>, vector<16xf32>,
    %add3A_1174 = arith.addf %add3A_1171, %get3A_1173 : vector<16xf32>
    %get3A_1175 = arith.constant 368 : index
    %get3A_1176 = tpu.vector_load %arg8[%get3A_1175] {strides = array<i32>} : memref<1664xf32, #tpu.memory_space<vmem>>, vector<16xf32>,
    %add3A_1177 = arith.addf %add3A_1174, %get3A_1176 : vector<16xf32>
    %get3A_1178 = arith.constant 384 : index
    %get3A_1179 = tpu.vector_load %arg8[%get3A_1178] {strides = array<i32>} : memref<1664xf32, #tpu.memory_space<vmem>>, vector<16xf32>,
    %add3A_1180 = arith.addf %add3A_1177, %get3A_1179 : vector<16xf32>
    %get3A_1181 = arith.constant 400 : index
    %get3A_1182 = tpu.vector_load %arg8[%get3A_1181] {strides = array<i32>} : memref<1664xf32, #tpu.memory_space<vmem>>, vector<16xf32>,
    %select_n3A_1183 = arith.select %lt3A, %get3A_1182, %broadcast_in_dim3A_5 : vector<16xi1>, vector<16xf32>
    %add3A_1184 = arith.addf %add3A_1180, %select_n3A_1183 : vector<16xf32>
    %swap3A_1185 = arith.constant 0 : index
    %swap3A_1186 = tpu.vector_load %arg16[%swap3A_1185] {strides = array<i32>} : memref<16xf32, #tpu.memory_space<vmem>>, vector<16xf32>,
    tpu.vector_store %arg16[%swap3A_1185], %add3A_1184 {strides = array<i32>} : memref<16xf32, #tpu.memory_space<vmem>>, vector<16xf32>,
    %broadcast_in_dim3A_1187 = arith.constant 8 : i32
    %broadcast_in_dim3A_1188 = vector.broadcast %broadcast_in_dim3A_1187 : i32 to vector<16xi32>
    %xor3A_1189 = arith.xori %iota3A, %broadcast_in_dim3A_1188 : vector<16xi32>
    %gather3A_1190 = tpu.vector_load_idx %arg16[%xor3A_1189] : memref<16xf32, #tpu.memory_space<vmem>>[vector<16xi32>], vector<16xf32>,
    %add3A_1191 = arith.addf %add3A_1184, %gather3A_1190 : vector<16xf32>
    %swap3A_1192 = arith.constant 0 : index
    %swap3A_1193 = tpu.vector_load %arg16[%swap3A_1192] {strides = array<i32>} : memref<16xf32, #tpu.memory_space<vmem>>, vector<16xf32>,
    tpu.vector_store %arg16[%swap3A_1192], %add3A_1191 {strides = array<i32>} : memref<16xf32, #tpu.memory_space<vmem>>, vector<16xf32>,
    %broadcast_in_dim3A_1194 = arith.constant 4 : i32
    %broadcast_in_dim3A_1195 = vector.broadcast %broadcast_in_dim3A_1194 : i32 to vector<16xi32>
    %xor3A_1196 = arith.xori %iota3A, %broadcast_in_dim3A_1195 : vector<16xi32>
    %gather3A_1197 = tpu.vector_load_idx %arg16[%xor3A_1196] : memref<16xf32, #tpu.memory_space<vmem>>[vector<16xi32>], vector<16xf32>,
    %add3A_1198 = arith.addf %add3A_1191, %gather3A_1197 : vector<16xf32>
    %swap3A_1199 = arith.constant 0 : index
    %swap3A_1200 = tpu.vector_load %arg16[%swap3A_1199] {strides = array<i32>} : memref<16xf32, #tpu.memory_space<vmem>>, vector<16xf32>,
    tpu.vector_store %arg16[%swap3A_1199], %add3A_1198 {strides = array<i32>} : memref<16xf32, #tpu.memory_space<vmem>>, vector<16xf32>,
    %broadcast_in_dim3A_1201 = arith.constant 2 : i32
    %broadcast_in_dim3A_1202 = vector.broadcast %broadcast_in_dim3A_1201 : i32 to vector<16xi32>
    %xor3A_1203 = arith.xori %iota3A, %broadcast_in_dim3A_1202 : vector<16xi32>
    %gather3A_1204 = tpu.vector_load_idx %arg16[%xor3A_1203] : memref<16xf32, #tpu.memory_space<vmem>>[vector<16xi32>], vector<16xf32>,
    %add3A_1205 = arith.addf %add3A_1198, %gather3A_1204 : vector<16xf32>
    %swap3A_1206 = arith.constant 0 : index
    %swap3A_1207 = tpu.vector_load %arg16[%swap3A_1206] {strides = array<i32>} : memref<16xf32, #tpu.memory_space<vmem>>, vector<16xf32>,
    tpu.vector_store %arg16[%swap3A_1206], %add3A_1205 {strides = array<i32>} : memref<16xf32, #tpu.memory_space<vmem>>, vector<16xf32>,
    %broadcast_in_dim3A_1208 = arith.constant 1 : i32
    %broadcast_in_dim3A_1209 = vector.broadcast %broadcast_in_dim3A_1208 : i32 to vector<16xi32>
    %xor3A_1210 = arith.xori %iota3A, %broadcast_in_dim3A_1209 : vector<16xi32>
    %gather3A_1211 = tpu.vector_load_idx %arg16[%xor3A_1210] : memref<16xf32, #tpu.memory_space<vmem>>[vector<16xi32>], vector<16xf32>,
    %add3A_1212 = arith.addf %add3A_1205, %gather3A_1211 : vector<16xf32>
    %mul3A_1213 = arith.mulf %add3A_1212, %broadcast_in_dim3A_1077 : vector<16xf32>
    %get3A_1214 = arith.constant 416 : index
    %get3A_1215 = tpu.vector_load %arg8[%get3A_1214] {strides = array<i32>} : memref<1664xf32, #tpu.memory_space<vmem>>, vector<16xf32>,
    %add3A_1216 = arith.addf %broadcast_in_dim3A_5, %get3A_1215 : vector<16xf32>
    %get3A_1217 = arith.constant 432 : index
    %get3A_1218 = tpu.vector_load %arg8[%get3A_1217] {strides = array<i32>} : memref<1664xf32, #tpu.memory_space<vmem>>, vector<16xf32>,
    %add3A_1219 = arith.addf %add3A_1216, %get3A_1218 : vector<16xf32>
    %get3A_1220 = arith.constant 448 : index
    %get3A_1221 = tpu.vector_load %arg8[%get3A_1220] {strides = array<i32>} : memref<1664xf32, #tpu.memory_space<vmem>>, vector<16xf32>,
    %add3A_1222 = arith.addf %add3A_1219, %get3A_1221 : vector<16xf32>
    %get3A_1223 = arith.constant 464 : index
    %get3A_1224 = tpu.vector_load %arg8[%get3A_1223] {strides = array<i32>} : memref<1664xf32, #tpu.memory_space<vmem>>, vector<16xf32>,
    %add3A_1225 = arith.addf %add3A_1222, %get3A_1224 : vector<16xf32>
    %get3A_1226 = arith.constant 480 : index
    %get3A_1227 = tpu.vector_load %arg8[%get3A_1226] {strides = array<i32>} : memref<1664xf32, #tpu.memory_space<vmem>>, vector<16xf32>,
    %add3A_1228 = arith.addf %add3A_1225, %get3A_1227 : vector<16xf32>
    %get3A_1229 = arith.constant 496 : index
    %get3A_1230 = tpu.vector_load %arg8[%get3A_1229] {strides = array<i32>} : memref<1664xf32, #tpu.memory_space<vmem>>, vector<16xf32>,
    %add3A_1231 = arith.addf %add3A_1228, %get3A_1230 : vector<16xf32>
    %get3A_1232 = arith.constant 512 : index
    %get3A_1233 = tpu.vector_load %arg8[%get3A_1232] {strides = array<i32>} : memref<1664xf32, #tpu.memory_space<vmem>>, vector<16xf32>,
    %add3A_1234 = arith.addf %add3A_1231, %get3A_1233 : vector<16xf32>
    %get3A_1235 = arith.constant 528 : index
    %get3A_1236 = tpu.vector_load %arg8[%get3A_1235] {strides = array<i32>} : memref<1664xf32, #tpu.memory_space<vmem>>, vector<16xf32>,
    %add3A_1237 = arith.addf %add3A_1234, %get3A_1236 : vector<16xf32>
    %get3A_1238 = arith.constant 544 : index
    %get3A_1239 = tpu.vector_load %arg8[%get3A_1238] {strides = array<i32>} : memref<1664xf32, #tpu.memory_space<vmem>>, vector<16xf32>,
    %add3A_1240 = arith.addf %add3A_1237, %get3A_1239 : vector<16xf32>
    %get3A_1241 = arith.constant 560 : index
    %get3A_1242 = tpu.vector_load %arg8[%get3A_1241] {strides = array<i32>} : memref<1664xf32, #tpu.memory_space<vmem>>, vector<16xf32>,
    %add3A_1243 = arith.addf %add3A_1240, %get3A_1242 : vector<16xf32>
    %get3A_1244 = arith.constant 576 : index
    %get3A_1245 = tpu.vector_load %arg8[%get3A_1244] {strides = array<i32>} : memref<1664xf32, #tpu.memory_space<vmem>>, vector<16xf32>,
    %add3A_1246 = arith.addf %add3A_1243, %get3A_1245 : vector<16xf32>
    %get3A_1247 = arith.constant 592 : index
    %get3A_1248 = tpu.vector_load %arg8[%get3A_1247] {strides = array<i32>} : memref<1664xf32, #tpu.memory_space<vmem>>, vector<16xf32>,
    %add3A_1249 = arith.addf %add3A_1246, %get3A_1248 : vector<16xf32>
    %get3A_1250 = arith.constant 608 : index
    %get3A_1251 = tpu.vector_load %arg8[%get3A_1250] {strides = array<i32>} : memref<1664xf32, #tpu.memory_space<vmem>>, vector<16xf32>,
    %select_n3A_1252 = arith.select %lt3A, %get3A_1251, %broadcast_in_dim3A_5 : vector<16xi1>, vector<16xf32>
    %add3A_1253 = arith.addf %add3A_1249, %select_n3A_1252 : vector<16xf32>
    %swap3A_1254 = arith.constant 0 : index
    %swap3A_1255 = tpu.vector_load %arg16[%swap3A_1254] {strides = array<i32>} : memref<16xf32, #tpu.memory_space<vmem>>, vector<16xf32>,
    tpu.vector_store %arg16[%swap3A_1254], %add3A_1253 {strides = array<i32>} : memref<16xf32, #tpu.memory_space<vmem>>, vector<16xf32>,
    %broadcast_in_dim3A_1256 = arith.constant 8 : i32
    %broadcast_in_dim3A_1257 = vector.broadcast %broadcast_in_dim3A_1256 : i32 to vector<16xi32>
    %xor3A_1258 = arith.xori %iota3A, %broadcast_in_dim3A_1257 : vector<16xi32>
    %gather3A_1259 = tpu.vector_load_idx %arg16[%xor3A_1258] : memref<16xf32, #tpu.memory_space<vmem>>[vector<16xi32>], vector<16xf32>,
    %add3A_1260 = arith.addf %add3A_1253, %gather3A_1259 : vector<16xf32>
    %swap3A_1261 = arith.constant 0 : index
    %swap3A_1262 = tpu.vector_load %arg16[%swap3A_1261] {strides = array<i32>} : memref<16xf32, #tpu.memory_space<vmem>>, vector<16xf32>,
    tpu.vector_store %arg16[%swap3A_1261], %add3A_1260 {strides = array<i32>} : memref<16xf32, #tpu.memory_space<vmem>>, vector<16xf32>,
    %broadcast_in_dim3A_1263 = arith.constant 4 : i32
    %broadcast_in_dim3A_1264 = vector.broadcast %broadcast_in_dim3A_1263 : i32 to vector<16xi32>
    %xor3A_1265 = arith.xori %iota3A, %broadcast_in_dim3A_1264 : vector<16xi32>
    %gather3A_1266 = tpu.vector_load_idx %arg16[%xor3A_1265] : memref<16xf32, #tpu.memory_space<vmem>>[vector<16xi32>], vector<16xf32>,
    %add3A_1267 = arith.addf %add3A_1260, %gather3A_1266 : vector<16xf32>
    %swap3A_1268 = arith.constant 0 : index
    %swap3A_1269 = tpu.vector_load %arg16[%swap3A_1268] {strides = array<i32>} : memref<16xf32, #tpu.memory_space<vmem>>, vector<16xf32>,
    tpu.vector_store %arg16[%swap3A_1268], %add3A_1267 {strides = array<i32>} : memref<16xf32, #tpu.memory_space<vmem>>, vector<16xf32>,
    %broadcast_in_dim3A_1270 = arith.constant 2 : i32
    %broadcast_in_dim3A_1271 = vector.broadcast %broadcast_in_dim3A_1270 : i32 to vector<16xi32>
    %xor3A_1272 = arith.xori %iota3A, %broadcast_in_dim3A_1271 : vector<16xi32>
    %gather3A_1273 = tpu.vector_load_idx %arg16[%xor3A_1272] : memref<16xf32, #tpu.memory_space<vmem>>[vector<16xi32>], vector<16xf32>,
    %add3A_1274 = arith.addf %add3A_1267, %gather3A_1273 : vector<16xf32>
    %swap3A_1275 = arith.constant 0 : index
    %swap3A_1276 = tpu.vector_load %arg16[%swap3A_1275] {strides = array<i32>} : memref<16xf32, #tpu.memory_space<vmem>>, vector<16xf32>,
    tpu.vector_store %arg16[%swap3A_1275], %add3A_1274 {strides = array<i32>} : memref<16xf32, #tpu.memory_space<vmem>>, vector<16xf32>,
    %broadcast_in_dim3A_1277 = arith.constant 1 : i32
    %broadcast_in_dim3A_1278 = vector.broadcast %broadcast_in_dim3A_1277 : i32 to vector<16xi32>
    %xor3A_1279 = arith.xori %iota3A, %broadcast_in_dim3A_1278 : vector<16xi32>
    %gather3A_1280 = tpu.vector_load_idx %arg16[%xor3A_1279] : memref<16xf32, #tpu.memory_space<vmem>>[vector<16xi32>], vector<16xf32>,
    %add3A_1281 = arith.addf %add3A_1274, %gather3A_1280 : vector<16xf32>
    %mul3A_1282 = arith.mulf %add3A_1281, %broadcast_in_dim3A_1077 : vector<16xf32>
    %get3A_1283 = arith.constant 624 : index
    %get3A_1284 = tpu.vector_load %arg8[%get3A_1283] {strides = array<i32>} : memref<1664xf32, #tpu.memory_space<vmem>>, vector<16xf32>,
    %add3A_1285 = arith.addf %broadcast_in_dim3A_5, %get3A_1284 : vector<16xf32>
    %get3A_1286 = arith.constant 640 : index
    %get3A_1287 = tpu.vector_load %arg8[%get3A_1286] {strides = array<i32>} : memref<1664xf32, #tpu.memory_space<vmem>>, vector<16xf32>,
    %add3A_1288 = arith.addf %add3A_1285, %get3A_1287 : vector<16xf32>
    %get3A_1289 = arith.constant 656 : index
    %get3A_1290 = tpu.vector_load %arg8[%get3A_1289] {strides = array<i32>} : memref<1664xf32, #tpu.memory_space<vmem>>, vector<16xf32>,
    %add3A_1291 = arith.addf %add3A_1288, %get3A_1290 : vector<16xf32>
    %get3A_1292 = arith.constant 672 : index
    %get3A_1293 = tpu.vector_load %arg8[%get3A_1292] {strides = array<i32>} : memref<1664xf32, #tpu.memory_space<vmem>>, vector<16xf32>,
    %add3A_1294 = arith.addf %add3A_1291, %get3A_1293 : vector<16xf32>
    %get3A_1295 = arith.constant 688 : index
    %get3A_1296 = tpu.vector_load %arg8[%get3A_1295] {strides = array<i32>} : memref<1664xf32, #tpu.memory_space<vmem>>, vector<16xf32>,
    %add3A_1297 = arith.addf %add3A_1294, %get3A_1296 : vector<16xf32>
    %get3A_1298 = arith.constant 704 : index
    %get3A_1299 = tpu.vector_load %arg8[%get3A_1298] {strides = array<i32>} : memref<1664xf32, #tpu.memory_space<vmem>>, vector<16xf32>,
    %add3A_1300 = arith.addf %add3A_1297, %get3A_1299 : vector<16xf32>
    %get3A_1301 = arith.constant 720 : index
    %get3A_1302 = tpu.vector_load %arg8[%get3A_1301] {strides = array<i32>} : memref<1664xf32, #tpu.memory_space<vmem>>, vector<16xf32>,
    %add3A_1303 = arith.addf %add3A_1300, %get3A_1302 : vector<16xf32>
    %get3A_1304 = arith.constant 736 : index
    %get3A_1305 = tpu.vector_load %arg8[%get3A_1304] {strides = array<i32>} : memref<1664xf32, #tpu.memory_space<vmem>>, vector<16xf32>,
    %add3A_1306 = arith.addf %add3A_1303, %get3A_1305 : vector<16xf32>
    %get3A_1307 = arith.constant 752 : index
    %get3A_1308 = tpu.vector_load %arg8[%get3A_1307] {strides = array<i32>} : memref<1664xf32, #tpu.memory_space<vmem>>, vector<16xf32>,
    %add3A_1309 = arith.addf %add3A_1306, %get3A_1308 : vector<16xf32>
    %get3A_1310 = arith.constant 768 : index
    %get3A_1311 = tpu.vector_load %arg8[%get3A_1310] {strides = array<i32>} : memref<1664xf32, #tpu.memory_space<vmem>>, vector<16xf32>,
    %add3A_1312 = arith.addf %add3A_1309, %get3A_1311 : vector<16xf32>
    %get3A_1313 = arith.constant 784 : index
    %get3A_1314 = tpu.vector_load %arg8[%get3A_1313] {strides = array<i32>} : memref<1664xf32, #tpu.memory_space<vmem>>, vector<16xf32>,
    %add3A_1315 = arith.addf %add3A_1312, %get3A_1314 : vector<16xf32>
    %get3A_1316 = arith.constant 800 : index
    %get3A_1317 = tpu.vector_load %arg8[%get3A_1316] {strides = array<i32>} : memref<1664xf32, #tpu.memory_space<vmem>>, vector<16xf32>,
    %add3A_1318 = arith.addf %add3A_1315, %get3A_1317 : vector<16xf32>
    %get3A_1319 = arith.constant 816 : index
    %get3A_1320 = tpu.vector_load %arg8[%get3A_1319] {strides = array<i32>} : memref<1664xf32, #tpu.memory_space<vmem>>, vector<16xf32>,
    %select_n3A_1321 = arith.select %lt3A, %get3A_1320, %broadcast_in_dim3A_5 : vector<16xi1>, vector<16xf32>
    %add3A_1322 = arith.addf %add3A_1318, %select_n3A_1321 : vector<16xf32>
    %swap3A_1323 = arith.constant 0 : index
    %swap3A_1324 = tpu.vector_load %arg16[%swap3A_1323] {strides = array<i32>} : memref<16xf32, #tpu.memory_space<vmem>>, vector<16xf32>,
    tpu.vector_store %arg16[%swap3A_1323], %add3A_1322 {strides = array<i32>} : memref<16xf32, #tpu.memory_space<vmem>>, vector<16xf32>,
    %broadcast_in_dim3A_1325 = arith.constant 8 : i32
    %broadcast_in_dim3A_1326 = vector.broadcast %broadcast_in_dim3A_1325 : i32 to vector<16xi32>
    %xor3A_1327 = arith.xori %iota3A, %broadcast_in_dim3A_1326 : vector<16xi32>
    %gather3A_1328 = tpu.vector_load_idx %arg16[%xor3A_1327] : memref<16xf32, #tpu.memory_space<vmem>>[vector<16xi32>], vector<16xf32>,
    %add3A_1329 = arith.addf %add3A_1322, %gather3A_1328 : vector<16xf32>
    %swap3A_1330 = arith.constant 0 : index
    %swap3A_1331 = tpu.vector_load %arg16[%swap3A_1330] {strides = array<i32>} : memref<16xf32, #tpu.memory_space<vmem>>, vector<16xf32>,
    tpu.vector_store %arg16[%swap3A_1330], %add3A_1329 {strides = array<i32>} : memref<16xf32, #tpu.memory_space<vmem>>, vector<16xf32>,
    %broadcast_in_dim3A_1332 = arith.constant 4 : i32
    %broadcast_in_dim3A_1333 = vector.broadcast %broadcast_in_dim3A_1332 : i32 to vector<16xi32>
    %xor3A_1334 = arith.xori %iota3A, %broadcast_in_dim3A_1333 : vector<16xi32>
    %gather3A_1335 = tpu.vector_load_idx %arg16[%xor3A_1334] : memref<16xf32, #tpu.memory_space<vmem>>[vector<16xi32>], vector<16xf32>,
    %add3A_1336 = arith.addf %add3A_1329, %gather3A_1335 : vector<16xf32>
    %swap3A_1337 = arith.constant 0 : index
    %swap3A_1338 = tpu.vector_load %arg16[%swap3A_1337] {strides = array<i32>} : memref<16xf32, #tpu.memory_space<vmem>>, vector<16xf32>,
    tpu.vector_store %arg16[%swap3A_1337], %add3A_1336 {strides = array<i32>} : memref<16xf32, #tpu.memory_space<vmem>>, vector<16xf32>,
    %broadcast_in_dim3A_1339 = arith.constant 2 : i32
    %broadcast_in_dim3A_1340 = vector.broadcast %broadcast_in_dim3A_1339 : i32 to vector<16xi32>
    %xor3A_1341 = arith.xori %iota3A, %broadcast_in_dim3A_1340 : vector<16xi32>
    %gather3A_1342 = tpu.vector_load_idx %arg16[%xor3A_1341] : memref<16xf32, #tpu.memory_space<vmem>>[vector<16xi32>], vector<16xf32>,
    %add3A_1343 = arith.addf %add3A_1336, %gather3A_1342 : vector<16xf32>
    %swap3A_1344 = arith.constant 0 : index
    %swap3A_1345 = tpu.vector_load %arg16[%swap3A_1344] {strides = array<i32>} : memref<16xf32, #tpu.memory_space<vmem>>, vector<16xf32>,
    tpu.vector_store %arg16[%swap3A_1344], %add3A_1343 {strides = array<i32>} : memref<16xf32, #tpu.memory_space<vmem>>, vector<16xf32>,
    %broadcast_in_dim3A_1346 = arith.constant 1 : i32
    %broadcast_in_dim3A_1347 = vector.broadcast %broadcast_in_dim3A_1346 : i32 to vector<16xi32>
    %xor3A_1348 = arith.xori %iota3A, %broadcast_in_dim3A_1347 : vector<16xi32>
    %gather3A_1349 = tpu.vector_load_idx %arg16[%xor3A_1348] : memref<16xf32, #tpu.memory_space<vmem>>[vector<16xi32>], vector<16xf32>,
    %add3A_1350 = arith.addf %add3A_1343, %gather3A_1349 : vector<16xf32>
    %mul3A_1351 = arith.mulf %add3A_1350, %broadcast_in_dim3A_1077 : vector<16xf32>
    %get3A_1352 = arith.constant 832 : index
    %get3A_1353 = tpu.vector_load %arg8[%get3A_1352] {strides = array<i32>} : memref<1664xf32, #tpu.memory_space<vmem>>, vector<16xf32>,
    %add3A_1354 = arith.addf %broadcast_in_dim3A_5, %get3A_1353 : vector<16xf32>
    %get3A_1355 = arith.constant 848 : index
    %get3A_1356 = tpu.vector_load %arg8[%get3A_1355] {strides = array<i32>} : memref<1664xf32, #tpu.memory_space<vmem>>, vector<16xf32>,
    %add3A_1357 = arith.addf %add3A_1354, %get3A_1356 : vector<16xf32>
    %get3A_1358 = arith.constant 864 : index
    %get3A_1359 = tpu.vector_load %arg8[%get3A_1358] {strides = array<i32>} : memref<1664xf32, #tpu.memory_space<vmem>>, vector<16xf32>,
    %add3A_1360 = arith.addf %add3A_1357, %get3A_1359 : vector<16xf32>
    %get3A_1361 = arith.constant 880 : index
    %get3A_1362 = tpu.vector_load %arg8[%get3A_1361] {strides = array<i32>} : memref<1664xf32, #tpu.memory_space<vmem>>, vector<16xf32>,
    %add3A_1363 = arith.addf %add3A_1360, %get3A_1362 : vector<16xf32>
    %get3A_1364 = arith.constant 896 : index
    %get3A_1365 = tpu.vector_load %arg8[%get3A_1364] {strides = array<i32>} : memref<1664xf32, #tpu.memory_space<vmem>>, vector<16xf32>,
    %add3A_1366 = arith.addf %add3A_1363, %get3A_1365 : vector<16xf32>
    %get3A_1367 = arith.constant 912 : index
    %get3A_1368 = tpu.vector_load %arg8[%get3A_1367] {strides = array<i32>} : memref<1664xf32, #tpu.memory_space<vmem>>, vector<16xf32>,
    %add3A_1369 = arith.addf %add3A_1366, %get3A_1368 : vector<16xf32>
    %get3A_1370 = arith.constant 928 : index
    %get3A_1371 = tpu.vector_load %arg8[%get3A_1370] {strides = array<i32>} : memref<1664xf32, #tpu.memory_space<vmem>>, vector<16xf32>,
    %add3A_1372 = arith.addf %add3A_1369, %get3A_1371 : vector<16xf32>
    %get3A_1373 = arith.constant 944 : index
    %get3A_1374 = tpu.vector_load %arg8[%get3A_1373] {strides = array<i32>} : memref<1664xf32, #tpu.memory_space<vmem>>, vector<16xf32>,
    %add3A_1375 = arith.addf %add3A_1372, %get3A_1374 : vector<16xf32>
    %get3A_1376 = arith.constant 960 : index
    %get3A_1377 = tpu.vector_load %arg8[%get3A_1376] {strides = array<i32>} : memref<1664xf32, #tpu.memory_space<vmem>>, vector<16xf32>,
    %add3A_1378 = arith.addf %add3A_1375, %get3A_1377 : vector<16xf32>
    %get3A_1379 = arith.constant 976 : index
    %get3A_1380 = tpu.vector_load %arg8[%get3A_1379] {strides = array<i32>} : memref<1664xf32, #tpu.memory_space<vmem>>, vector<16xf32>,
    %add3A_1381 = arith.addf %add3A_1378, %get3A_1380 : vector<16xf32>
    %get3A_1382 = arith.constant 992 : index
    %get3A_1383 = tpu.vector_load %arg8[%get3A_1382] {strides = array<i32>} : memref<1664xf32, #tpu.memory_space<vmem>>, vector<16xf32>,
    %add3A_1384 = arith.addf %add3A_1381, %get3A_1383 : vector<16xf32>
    %get3A_1385 = arith.constant 1008 : index
    %get3A_1386 = tpu.vector_load %arg8[%get3A_1385] {strides = array<i32>} : memref<1664xf32, #tpu.memory_space<vmem>>, vector<16xf32>,
    %add3A_1387 = arith.addf %add3A_1384, %get3A_1386 : vector<16xf32>
    %get3A_1388 = arith.constant 1024 : index
    %get3A_1389 = tpu.vector_load %arg8[%get3A_1388] {strides = array<i32>} : memref<1664xf32, #tpu.memory_space<vmem>>, vector<16xf32>,
    %select_n3A_1390 = arith.select %lt3A, %get3A_1389, %broadcast_in_dim3A_5 : vector<16xi1>, vector<16xf32>
    %add3A_1391 = arith.addf %add3A_1387, %select_n3A_1390 : vector<16xf32>
    %swap3A_1392 = arith.constant 0 : index
    %swap3A_1393 = tpu.vector_load %arg16[%swap3A_1392] {strides = array<i32>} : memref<16xf32, #tpu.memory_space<vmem>>, vector<16xf32>,
    tpu.vector_store %arg16[%swap3A_1392], %add3A_1391 {strides = array<i32>} : memref<16xf32, #tpu.memory_space<vmem>>, vector<16xf32>,
    %broadcast_in_dim3A_1394 = arith.constant 8 : i32
    %broadcast_in_dim3A_1395 = vector.broadcast %broadcast_in_dim3A_1394 : i32 to vector<16xi32>
    %xor3A_1396 = arith.xori %iota3A, %broadcast_in_dim3A_1395 : vector<16xi32>
    %gather3A_1397 = tpu.vector_load_idx %arg16[%xor3A_1396] : memref<16xf32, #tpu.memory_space<vmem>>[vector<16xi32>], vector<16xf32>,
    %add3A_1398 = arith.addf %add3A_1391, %gather3A_1397 : vector<16xf32>
    %swap3A_1399 = arith.constant 0 : index
    %swap3A_1400 = tpu.vector_load %arg16[%swap3A_1399] {strides = array<i32>} : memref<16xf32, #tpu.memory_space<vmem>>, vector<16xf32>,
    tpu.vector_store %arg16[%swap3A_1399], %add3A_1398 {strides = array<i32>} : memref<16xf32, #tpu.memory_space<vmem>>, vector<16xf32>,
    %broadcast_in_dim3A_1401 = arith.constant 4 : i32
    %broadcast_in_dim3A_1402 = vector.broadcast %broadcast_in_dim3A_1401 : i32 to vector<16xi32>
    %xor3A_1403 = arith.xori %iota3A, %broadcast_in_dim3A_1402 : vector<16xi32>
    %gather3A_1404 = tpu.vector_load_idx %arg16[%xor3A_1403] : memref<16xf32, #tpu.memory_space<vmem>>[vector<16xi32>], vector<16xf32>,
    %add3A_1405 = arith.addf %add3A_1398, %gather3A_1404 : vector<16xf32>
    %swap3A_1406 = arith.constant 0 : index
    %swap3A_1407 = tpu.vector_load %arg16[%swap3A_1406] {strides = array<i32>} : memref<16xf32, #tpu.memory_space<vmem>>, vector<16xf32>,
    tpu.vector_store %arg16[%swap3A_1406], %add3A_1405 {strides = array<i32>} : memref<16xf32, #tpu.memory_space<vmem>>, vector<16xf32>,
    %broadcast_in_dim3A_1408 = arith.constant 2 : i32
    %broadcast_in_dim3A_1409 = vector.broadcast %broadcast_in_dim3A_1408 : i32 to vector<16xi32>
    %xor3A_1410 = arith.xori %iota3A, %broadcast_in_dim3A_1409 : vector<16xi32>
    %gather3A_1411 = tpu.vector_load_idx %arg16[%xor3A_1410] : memref<16xf32, #tpu.memory_space<vmem>>[vector<16xi32>], vector<16xf32>,
    %add3A_1412 = arith.addf %add3A_1405, %gather3A_1411 : vector<16xf32>
    %swap3A_1413 = arith.constant 0 : index
    %swap3A_1414 = tpu.vector_load %arg16[%swap3A_1413] {strides = array<i32>} : memref<16xf32, #tpu.memory_space<vmem>>, vector<16xf32>,
    tpu.vector_store %arg16[%swap3A_1413], %add3A_1412 {strides = array<i32>} : memref<16xf32, #tpu.memory_space<vmem>>, vector<16xf32>,
    %broadcast_in_dim3A_1415 = arith.constant 1 : i32
    %broadcast_in_dim3A_1416 = vector.broadcast %broadcast_in_dim3A_1415 : i32 to vector<16xi32>
    %xor3A_1417 = arith.xori %iota3A, %broadcast_in_dim3A_1416 : vector<16xi32>
    %gather3A_1418 = tpu.vector_load_idx %arg16[%xor3A_1417] : memref<16xf32, #tpu.memory_space<vmem>>[vector<16xi32>], vector<16xf32>,
    %add3A_1419 = arith.addf %add3A_1412, %gather3A_1418 : vector<16xf32>
    %mul3A_1420 = arith.mulf %add3A_1419, %broadcast_in_dim3A_1077 : vector<16xf32>
    %get3A_1421 = arith.constant 1040 : index
    %get3A_1422 = tpu.vector_load %arg8[%get3A_1421] {strides = array<i32>} : memref<1664xf32, #tpu.memory_space<vmem>>, vector<16xf32>,
    %add3A_1423 = arith.addf %broadcast_in_dim3A_5, %get3A_1422 : vector<16xf32>
    %get3A_1424 = arith.constant 1056 : index
    %get3A_1425 = tpu.vector_load %arg8[%get3A_1424] {strides = array<i32>} : memref<1664xf32, #tpu.memory_space<vmem>>, vector<16xf32>,
    %add3A_1426 = arith.addf %add3A_1423, %get3A_1425 : vector<16xf32>
    %get3A_1427 = arith.constant 1072 : index
    %get3A_1428 = tpu.vector_load %arg8[%get3A_1427] {strides = array<i32>} : memref<1664xf32, #tpu.memory_space<vmem>>, vector<16xf32>,
    %add3A_1429 = arith.addf %add3A_1426, %get3A_1428 : vector<16xf32>
    %get3A_1430 = arith.constant 1088 : index
    %get3A_1431 = tpu.vector_load %arg8[%get3A_1430] {strides = array<i32>} : memref<1664xf32, #tpu.memory_space<vmem>>, vector<16xf32>,
    %add3A_1432 = arith.addf %add3A_1429, %get3A_1431 : vector<16xf32>
    %get3A_1433 = arith.constant 1104 : index
    %get3A_1434 = tpu.vector_load %arg8[%get3A_1433] {strides = array<i32>} : memref<1664xf32, #tpu.memory_space<vmem>>, vector<16xf32>,
    %add3A_1435 = arith.addf %add3A_1432, %get3A_1434 : vector<16xf32>
    %get3A_1436 = arith.constant 1120 : index
    %get3A_1437 = tpu.vector_load %arg8[%get3A_1436] {strides = array<i32>} : memref<1664xf32, #tpu.memory_space<vmem>>, vector<16xf32>,
    %add3A_1438 = arith.addf %add3A_1435, %get3A_1437 : vector<16xf32>
    %get3A_1439 = arith.constant 1136 : index
    %get3A_1440 = tpu.vector_load %arg8[%get3A_1439] {strides = array<i32>} : memref<1664xf32, #tpu.memory_space<vmem>>, vector<16xf32>,
    %add3A_1441 = arith.addf %add3A_1438, %get3A_1440 : vector<16xf32>
    %get3A_1442 = arith.constant 1152 : index
    %get3A_1443 = tpu.vector_load %arg8[%get3A_1442] {strides = array<i32>} : memref<1664xf32, #tpu.memory_space<vmem>>, vector<16xf32>,
    %add3A_1444 = arith.addf %add3A_1441, %get3A_1443 : vector<16xf32>
    %get3A_1445 = arith.constant 1168 : index
    %get3A_1446 = tpu.vector_load %arg8[%get3A_1445] {strides = array<i32>} : memref<1664xf32, #tpu.memory_space<vmem>>, vector<16xf32>,
    %add3A_1447 = arith.addf %add3A_1444, %get3A_1446 : vector<16xf32>
    %get3A_1448 = arith.constant 1184 : index
    %get3A_1449 = tpu.vector_load %arg8[%get3A_1448] {strides = array<i32>} : memref<1664xf32, #tpu.memory_space<vmem>>, vector<16xf32>,
    %add3A_1450 = arith.addf %add3A_1447, %get3A_1449 : vector<16xf32>
    %get3A_1451 = arith.constant 1200 : index
    %get3A_1452 = tpu.vector_load %arg8[%get3A_1451] {strides = array<i32>} : memref<1664xf32, #tpu.memory_space<vmem>>, vector<16xf32>,
    %add3A_1453 = arith.addf %add3A_1450, %get3A_1452 : vector<16xf32>
    %get3A_1454 = arith.constant 1216 : index
    %get3A_1455 = tpu.vector_load %arg8[%get3A_1454] {strides = array<i32>} : memref<1664xf32, #tpu.memory_space<vmem>>, vector<16xf32>,
    %add3A_1456 = arith.addf %add3A_1453, %get3A_1455 : vector<16xf32>
    %get3A_1457 = arith.constant 1232 : index
    %get3A_1458 = tpu.vector_load %arg8[%get3A_1457] {strides = array<i32>} : memref<1664xf32, #tpu.memory_space<vmem>>, vector<16xf32>,
    %select_n3A_1459 = arith.select %lt3A, %get3A_1458, %broadcast_in_dim3A_5 : vector<16xi1>, vector<16xf32>
    %add3A_1460 = arith.addf %add3A_1456, %select_n3A_1459 : vector<16xf32>
    %swap3A_1461 = arith.constant 0 : index
    %swap3A_1462 = tpu.vector_load %arg16[%swap3A_1461] {strides = array<i32>} : memref<16xf32, #tpu.memory_space<vmem>>, vector<16xf32>,
    tpu.vector_store %arg16[%swap3A_1461], %add3A_1460 {strides = array<i32>} : memref<16xf32, #tpu.memory_space<vmem>>, vector<16xf32>,
    %broadcast_in_dim3A_1463 = arith.constant 8 : i32
    %broadcast_in_dim3A_1464 = vector.broadcast %broadcast_in_dim3A_1463 : i32 to vector<16xi32>
    %xor3A_1465 = arith.xori %iota3A, %broadcast_in_dim3A_1464 : vector<16xi32>
    %gather3A_1466 = tpu.vector_load_idx %arg16[%xor3A_1465] : memref<16xf32, #tpu.memory_space<vmem>>[vector<16xi32>], vector<16xf32>,
    %add3A_1467 = arith.addf %add3A_1460, %gather3A_1466 : vector<16xf32>
    %swap3A_1468 = arith.constant 0 : index
    %swap3A_1469 = tpu.vector_load %arg16[%swap3A_1468] {strides = array<i32>} : memref<16xf32, #tpu.memory_space<vmem>>, vector<16xf32>,
    tpu.vector_store %arg16[%swap3A_1468], %add3A_1467 {strides = array<i32>} : memref<16xf32, #tpu.memory_space<vmem>>, vector<16xf32>,
    %broadcast_in_dim3A_1470 = arith.constant 4 : i32
    %broadcast_in_dim3A_1471 = vector.broadcast %broadcast_in_dim3A_1470 : i32 to vector<16xi32>
    %xor3A_1472 = arith.xori %iota3A, %broadcast_in_dim3A_1471 : vector<16xi32>
    %gather3A_1473 = tpu.vector_load_idx %arg16[%xor3A_1472] : memref<16xf32, #tpu.memory_space<vmem>>[vector<16xi32>], vector<16xf32>,
    %add3A_1474 = arith.addf %add3A_1467, %gather3A_1473 : vector<16xf32>
    %swap3A_1475 = arith.constant 0 : index
    %swap3A_1476 = tpu.vector_load %arg16[%swap3A_1475] {strides = array<i32>} : memref<16xf32, #tpu.memory_space<vmem>>, vector<16xf32>,
    tpu.vector_store %arg16[%swap3A_1475], %add3A_1474 {strides = array<i32>} : memref<16xf32, #tpu.memory_space<vmem>>, vector<16xf32>,
    %broadcast_in_dim3A_1477 = arith.constant 2 : i32
    %broadcast_in_dim3A_1478 = vector.broadcast %broadcast_in_dim3A_1477 : i32 to vector<16xi32>
    %xor3A_1479 = arith.xori %iota3A, %broadcast_in_dim3A_1478 : vector<16xi32>
    %gather3A_1480 = tpu.vector_load_idx %arg16[%xor3A_1479] : memref<16xf32, #tpu.memory_space<vmem>>[vector<16xi32>], vector<16xf32>,
    %add3A_1481 = arith.addf %add3A_1474, %gather3A_1480 : vector<16xf32>
    %swap3A_1482 = arith.constant 0 : index
    %swap3A_1483 = tpu.vector_load %arg16[%swap3A_1482] {strides = array<i32>} : memref<16xf32, #tpu.memory_space<vmem>>, vector<16xf32>,
    tpu.vector_store %arg16[%swap3A_1482], %add3A_1481 {strides = array<i32>} : memref<16xf32, #tpu.memory_space<vmem>>, vector<16xf32>,
    %broadcast_in_dim3A_1484 = arith.constant 1 : i32
    %broadcast_in_dim3A_1485 = vector.broadcast %broadcast_in_dim3A_1484 : i32 to vector<16xi32>
    %xor3A_1486 = arith.xori %iota3A, %broadcast_in_dim3A_1485 : vector<16xi32>
    %gather3A_1487 = tpu.vector_load_idx %arg16[%xor3A_1486] : memref<16xf32, #tpu.memory_space<vmem>>[vector<16xi32>], vector<16xf32>,
    %add3A_1488 = arith.addf %add3A_1481, %gather3A_1487 : vector<16xf32>
    %mul3A_1489 = arith.mulf %add3A_1488, %broadcast_in_dim3A_1077 : vector<16xf32>
    %get3A_1490 = arith.constant 1248 : index
    %get3A_1491 = tpu.vector_load %arg8[%get3A_1490] {strides = array<i32>} : memref<1664xf32, #tpu.memory_space<vmem>>, vector<16xf32>,
    %add3A_1492 = arith.addf %broadcast_in_dim3A_5, %get3A_1491 : vector<16xf32>
    %get3A_1493 = arith.constant 1264 : index
    %get3A_1494 = tpu.vector_load %arg8[%get3A_1493] {strides = array<i32>} : memref<1664xf32, #tpu.memory_space<vmem>>, vector<16xf32>,
    %add3A_1495 = arith.addf %add3A_1492, %get3A_1494 : vector<16xf32>
    %get3A_1496 = arith.constant 1280 : index
    %get3A_1497 = tpu.vector_load %arg8[%get3A_1496] {strides = array<i32>} : memref<1664xf32, #tpu.memory_space<vmem>>, vector<16xf32>,
    %add3A_1498 = arith.addf %add3A_1495, %get3A_1497 : vector<16xf32>
    %get3A_1499 = arith.constant 1296 : index
    %get3A_1500 = tpu.vector_load %arg8[%get3A_1499] {strides = array<i32>} : memref<1664xf32, #tpu.memory_space<vmem>>, vector<16xf32>,
    %add3A_1501 = arith.addf %add3A_1498, %get3A_1500 : vector<16xf32>
    %get3A_1502 = arith.constant 1312 : index
    %get3A_1503 = tpu.vector_load %arg8[%get3A_1502] {strides = array<i32>} : memref<1664xf32, #tpu.memory_space<vmem>>, vector<16xf32>,
    %add3A_1504 = arith.addf %add3A_1501, %get3A_1503 : vector<16xf32>
    %get3A_1505 = arith.constant 1328 : index
    %get3A_1506 = tpu.vector_load %arg8[%get3A_1505] {strides = array<i32>} : memref<1664xf32, #tpu.memory_space<vmem>>, vector<16xf32>,
    %add3A_1507 = arith.addf %add3A_1504, %get3A_1506 : vector<16xf32>
    %get3A_1508 = arith.constant 1344 : index
    %get3A_1509 = tpu.vector_load %arg8[%get3A_1508] {strides = array<i32>} : memref<1664xf32, #tpu.memory_space<vmem>>, vector<16xf32>,
    %add3A_1510 = arith.addf %add3A_1507, %get3A_1509 : vector<16xf32>
    %get3A_1511 = arith.constant 1360 : index
    %get3A_1512 = tpu.vector_load %arg8[%get3A_1511] {strides = array<i32>} : memref<1664xf32, #tpu.memory_space<vmem>>, vector<16xf32>,
    %add3A_1513 = arith.addf %add3A_1510, %get3A_1512 : vector<16xf32>
    %get3A_1514 = arith.constant 1376 : index
    %get3A_1515 = tpu.vector_load %arg8[%get3A_1514] {strides = array<i32>} : memref<1664xf32, #tpu.memory_space<vmem>>, vector<16xf32>,
    %add3A_1516 = arith.addf %add3A_1513, %get3A_1515 : vector<16xf32>
    %get3A_1517 = arith.constant 1392 : index
    %get3A_1518 = tpu.vector_load %arg8[%get3A_1517] {strides = array<i32>} : memref<1664xf32, #tpu.memory_space<vmem>>, vector<16xf32>,
    %add3A_1519 = arith.addf %add3A_1516, %get3A_1518 : vector<16xf32>
    %get3A_1520 = arith.constant 1408 : index
    %get3A_1521 = tpu.vector_load %arg8[%get3A_1520] {strides = array<i32>} : memref<1664xf32, #tpu.memory_space<vmem>>, vector<16xf32>,
    %add3A_1522 = arith.addf %add3A_1519, %get3A_1521 : vector<16xf32>
    %get3A_1523 = arith.constant 1424 : index
    %get3A_1524 = tpu.vector_load %arg8[%get3A_1523] {strides = array<i32>} : memref<1664xf32, #tpu.memory_space<vmem>>, vector<16xf32>,
    %add3A_1525 = arith.addf %add3A_1522, %get3A_1524 : vector<16xf32>
    %get3A_1526 = arith.constant 1440 : index
    %get3A_1527 = tpu.vector_load %arg8[%get3A_1526] {strides = array<i32>} : memref<1664xf32, #tpu.memory_space<vmem>>, vector<16xf32>,
    %select_n3A_1528 = arith.select %lt3A, %get3A_1527, %broadcast_in_dim3A_5 : vector<16xi1>, vector<16xf32>
    %add3A_1529 = arith.addf %add3A_1525, %select_n3A_1528 : vector<16xf32>
    %swap3A_1530 = arith.constant 0 : index
    %swap3A_1531 = tpu.vector_load %arg16[%swap3A_1530] {strides = array<i32>} : memref<16xf32, #tpu.memory_space<vmem>>, vector<16xf32>,
    tpu.vector_store %arg16[%swap3A_1530], %add3A_1529 {strides = array<i32>} : memref<16xf32, #tpu.memory_space<vmem>>, vector<16xf32>,
    %broadcast_in_dim3A_1532 = arith.constant 8 : i32
    %broadcast_in_dim3A_1533 = vector.broadcast %broadcast_in_dim3A_1532 : i32 to vector<16xi32>
    %xor3A_1534 = arith.xori %iota3A, %broadcast_in_dim3A_1533 : vector<16xi32>
    %gather3A_1535 = tpu.vector_load_idx %arg16[%xor3A_1534] : memref<16xf32, #tpu.memory_space<vmem>>[vector<16xi32>], vector<16xf32>,
    %add3A_1536 = arith.addf %add3A_1529, %gather3A_1535 : vector<16xf32>
    %swap3A_1537 = arith.constant 0 : index
    %swap3A_1538 = tpu.vector_load %arg16[%swap3A_1537] {strides = array<i32>} : memref<16xf32, #tpu.memory_space<vmem>>, vector<16xf32>,
    tpu.vector_store %arg16[%swap3A_1537], %add3A_1536 {strides = array<i32>} : memref<16xf32, #tpu.memory_space<vmem>>, vector<16xf32>,
    %broadcast_in_dim3A_1539 = arith.constant 4 : i32
    %broadcast_in_dim3A_1540 = vector.broadcast %broadcast_in_dim3A_1539 : i32 to vector<16xi32>
    %xor3A_1541 = arith.xori %iota3A, %broadcast_in_dim3A_1540 : vector<16xi32>
    %gather3A_1542 = tpu.vector_load_idx %arg16[%xor3A_1541] : memref<16xf32, #tpu.memory_space<vmem>>[vector<16xi32>], vector<16xf32>,
    %add3A_1543 = arith.addf %add3A_1536, %gather3A_1542 : vector<16xf32>
    %swap3A_1544 = arith.constant 0 : index
    %swap3A_1545 = tpu.vector_load %arg16[%swap3A_1544] {strides = array<i32>} : memref<16xf32, #tpu.memory_space<vmem>>, vector<16xf32>,
    tpu.vector_store %arg16[%swap3A_1544], %add3A_1543 {strides = array<i32>} : memref<16xf32, #tpu.memory_space<vmem>>, vector<16xf32>,
    %broadcast_in_dim3A_1546 = arith.constant 2 : i32
    %broadcast_in_dim3A_1547 = vector.broadcast %broadcast_in_dim3A_1546 : i32 to vector<16xi32>
    %xor3A_1548 = arith.xori %iota3A, %broadcast_in_dim3A_1547 : vector<16xi32>
    %gather3A_1549 = tpu.vector_load_idx %arg16[%xor3A_1548] : memref<16xf32, #tpu.memory_space<vmem>>[vector<16xi32>], vector<16xf32>,
    %add3A_1550 = arith.addf %add3A_1543, %gather3A_1549 : vector<16xf32>
    %swap3A_1551 = arith.constant 0 : index
    %swap3A_1552 = tpu.vector_load %arg16[%swap3A_1551] {strides = array<i32>} : memref<16xf32, #tpu.memory_space<vmem>>, vector<16xf32>,
    tpu.vector_store %arg16[%swap3A_1551], %add3A_1550 {strides = array<i32>} : memref<16xf32, #tpu.memory_space<vmem>>, vector<16xf32>,
    %broadcast_in_dim3A_1553 = arith.constant 1 : i32
    %broadcast_in_dim3A_1554 = vector.broadcast %broadcast_in_dim3A_1553 : i32 to vector<16xi32>
    %xor3A_1555 = arith.xori %iota3A, %broadcast_in_dim3A_1554 : vector<16xi32>
    %gather3A_1556 = tpu.vector_load_idx %arg16[%xor3A_1555] : memref<16xf32, #tpu.memory_space<vmem>>[vector<16xi32>], vector<16xf32>,
    %add3A_1557 = arith.addf %add3A_1550, %gather3A_1556 : vector<16xf32>
    %mul3A_1558 = arith.mulf %add3A_1557, %broadcast_in_dim3A_1077 : vector<16xf32>
    %get3A_1559 = arith.constant 1456 : index
    %get3A_1560 = tpu.vector_load %arg8[%get3A_1559] {strides = array<i32>} : memref<1664xf32, #tpu.memory_space<vmem>>, vector<16xf32>,
    %add3A_1561 = arith.addf %broadcast_in_dim3A_5, %get3A_1560 : vector<16xf32>
    %get3A_1562 = arith.constant 1472 : index
    %get3A_1563 = tpu.vector_load %arg8[%get3A_1562] {strides = array<i32>} : memref<1664xf32, #tpu.memory_space<vmem>>, vector<16xf32>,
    %add3A_1564 = arith.addf %add3A_1561, %get3A_1563 : vector<16xf32>
    %get3A_1565 = arith.constant 1488 : index
    %get3A_1566 = tpu.vector_load %arg8[%get3A_1565] {strides = array<i32>} : memref<1664xf32, #tpu.memory_space<vmem>>, vector<16xf32>,
    %add3A_1567 = arith.addf %add3A_1564, %get3A_1566 : vector<16xf32>
    %get3A_1568 = arith.constant 1504 : index
    %get3A_1569 = tpu.vector_load %arg8[%get3A_1568] {strides = array<i32>} : memref<1664xf32, #tpu.memory_space<vmem>>, vector<16xf32>,
    %add3A_1570 = arith.addf %add3A_1567, %get3A_1569 : vector<16xf32>
    %get3A_1571 = arith.constant 1520 : index
    %get3A_1572 = tpu.vector_load %arg8[%get3A_1571] {strides = array<i32>} : memref<1664xf32, #tpu.memory_space<vmem>>, vector<16xf32>,
    %add3A_1573 = arith.addf %add3A_1570, %get3A_1572 : vector<16xf32>
    %get3A_1574 = arith.constant 1536 : index
    %get3A_1575 = tpu.vector_load %arg8[%get3A_1574] {strides = array<i32>} : memref<1664xf32, #tpu.memory_space<vmem>>, vector<16xf32>,
    %add3A_1576 = arith.addf %add3A_1573, %get3A_1575 : vector<16xf32>
    %get3A_1577 = arith.constant 1552 : index
    %get3A_1578 = tpu.vector_load %arg8[%get3A_1577] {strides = array<i32>} : memref<1664xf32, #tpu.memory_space<vmem>>, vector<16xf32>,
    %add3A_1579 = arith.addf %add3A_1576, %get3A_1578 : vector<16xf32>
    %get3A_1580 = arith.constant 1568 : index
    %get3A_1581 = tpu.vector_load %arg8[%get3A_1580] {strides = array<i32>} : memref<1664xf32, #tpu.memory_space<vmem>>, vector<16xf32>,
    %add3A_1582 = arith.addf %add3A_1579, %get3A_1581 : vector<16xf32>
    %get3A_1583 = arith.constant 1584 : index
    %get3A_1584 = tpu.vector_load %arg8[%get3A_1583] {strides = array<i32>} : memref<1664xf32, #tpu.memory_space<vmem>>, vector<16xf32>,
    %add3A_1585 = arith.addf %add3A_1582, %get3A_1584 : vector<16xf32>
    %get3A_1586 = arith.constant 1600 : index
    %get3A_1587 = tpu.vector_load %arg8[%get3A_1586] {strides = array<i32>} : memref<1664xf32, #tpu.memory_space<vmem>>, vector<16xf32>,
    %add3A_1588 = arith.addf %add3A_1585, %get3A_1587 : vector<16xf32>
    %get3A_1589 = arith.constant 1616 : index
    %get3A_1590 = tpu.vector_load %arg8[%get3A_1589] {strides = array<i32>} : memref<1664xf32, #tpu.memory_space<vmem>>, vector<16xf32>,
    %add3A_1591 = arith.addf %add3A_1588, %get3A_1590 : vector<16xf32>
    %get3A_1592 = arith.constant 1632 : index
    %get3A_1593 = tpu.vector_load %arg8[%get3A_1592] {strides = array<i32>} : memref<1664xf32, #tpu.memory_space<vmem>>, vector<16xf32>,
    %add3A_1594 = arith.addf %add3A_1591, %get3A_1593 : vector<16xf32>
    %get3A_1595 = arith.constant 1648 : index
    %get3A_1596 = tpu.vector_load %arg8[%get3A_1595] {strides = array<i32>} : memref<1664xf32, #tpu.memory_space<vmem>>, vector<16xf32>,
    %select_n3A_1597 = arith.select %lt3A, %get3A_1596, %broadcast_in_dim3A_5 : vector<16xi1>, vector<16xf32>
    %add3A_1598 = arith.addf %add3A_1594, %select_n3A_1597 : vector<16xf32>
    %swap3A_1599 = arith.constant 0 : index
    %swap3A_1600 = tpu.vector_load %arg16[%swap3A_1599] {strides = array<i32>} : memref<16xf32, #tpu.memory_space<vmem>>, vector<16xf32>,
    tpu.vector_store %arg16[%swap3A_1599], %add3A_1598 {strides = array<i32>} : memref<16xf32, #tpu.memory_space<vmem>>, vector<16xf32>,
    %broadcast_in_dim3A_1601 = arith.constant 8 : i32
    %broadcast_in_dim3A_1602 = vector.broadcast %broadcast_in_dim3A_1601 : i32 to vector<16xi32>
    %xor3A_1603 = arith.xori %iota3A, %broadcast_in_dim3A_1602 : vector<16xi32>
    %gather3A_1604 = tpu.vector_load_idx %arg16[%xor3A_1603] : memref<16xf32, #tpu.memory_space<vmem>>[vector<16xi32>], vector<16xf32>,
    %add3A_1605 = arith.addf %add3A_1598, %gather3A_1604 : vector<16xf32>
    %swap3A_1606 = arith.constant 0 : index
    %swap3A_1607 = tpu.vector_load %arg16[%swap3A_1606] {strides = array<i32>} : memref<16xf32, #tpu.memory_space<vmem>>, vector<16xf32>,
    tpu.vector_store %arg16[%swap3A_1606], %add3A_1605 {strides = array<i32>} : memref<16xf32, #tpu.memory_space<vmem>>, vector<16xf32>,
    %broadcast_in_dim3A_1608 = arith.constant 4 : i32
    %broadcast_in_dim3A_1609 = vector.broadcast %broadcast_in_dim3A_1608 : i32 to vector<16xi32>
    %xor3A_1610 = arith.xori %iota3A, %broadcast_in_dim3A_1609 : vector<16xi32>
    %gather3A_1611 = tpu.vector_load_idx %arg16[%xor3A_1610] : memref<16xf32, #tpu.memory_space<vmem>>[vector<16xi32>], vector<16xf32>,
    %add3A_1612 = arith.addf %add3A_1605, %gather3A_1611 : vector<16xf32>
    %swap3A_1613 = arith.constant 0 : index
    %swap3A_1614 = tpu.vector_load %arg16[%swap3A_1613] {strides = array<i32>} : memref<16xf32, #tpu.memory_space<vmem>>, vector<16xf32>,
    tpu.vector_store %arg16[%swap3A_1613], %add3A_1612 {strides = array<i32>} : memref<16xf32, #tpu.memory_space<vmem>>, vector<16xf32>,
    %broadcast_in_dim3A_1615 = arith.constant 2 : i32
    %broadcast_in_dim3A_1616 = vector.broadcast %broadcast_in_dim3A_1615 : i32 to vector<16xi32>
    %xor3A_1617 = arith.xori %iota3A, %broadcast_in_dim3A_1616 : vector<16xi32>
    %gather3A_1618 = tpu.vector_load_idx %arg16[%xor3A_1617] : memref<16xf32, #tpu.memory_space<vmem>>[vector<16xi32>], vector<16xf32>,
    %add3A_1619 = arith.addf %add3A_1612, %gather3A_1618 : vector<16xf32>
    %swap3A_1620 = arith.constant 0 : index
    %swap3A_1621 = tpu.vector_load %arg16[%swap3A_1620] {strides = array<i32>} : memref<16xf32, #tpu.memory_space<vmem>>, vector<16xf32>,
    tpu.vector_store %arg16[%swap3A_1620], %add3A_1619 {strides = array<i32>} : memref<16xf32, #tpu.memory_space<vmem>>, vector<16xf32>,
    %broadcast_in_dim3A_1622 = arith.constant 1 : i32
    %broadcast_in_dim3A_1623 = vector.broadcast %broadcast_in_dim3A_1622 : i32 to vector<16xi32>
    %xor3A_1624 = arith.xori %iota3A, %broadcast_in_dim3A_1623 : vector<16xi32>
    %gather3A_1625 = tpu.vector_load_idx %arg16[%xor3A_1624] : memref<16xf32, #tpu.memory_space<vmem>>[vector<16xi32>], vector<16xf32>,
    %add3A_1626 = arith.addf %add3A_1619, %gather3A_1625 : vector<16xf32>
    %mul3A_1627 = arith.mulf %add3A_1626, %broadcast_in_dim3A_1077 : vector<16xf32>
    %swap3A_1628 = arith.constant 0 : index
    %swap3A_1629 = tpu.vector_load %arg12[%swap3A_1628] {strides = array<i32>} : memref<32xf32, #tpu.memory_space<vmem>>, vector<16xf32>,
    tpu.vector_store %arg12[%swap3A_1628], %broadcast_in_dim3A_5 {strides = array<i32>} : memref<32xf32, #tpu.memory_space<vmem>>, vector<16xf32>,
    %swap3A_1630 = arith.constant 16 : index
    %swap3A_1631 = tpu.vector_load %arg12[%swap3A_1630] {strides = array<i32>} : memref<32xf32, #tpu.memory_space<vmem>>, vector<16xf32>,
    tpu.vector_store %arg12[%swap3A_1630], %broadcast_in_dim3A_5 {strides = array<i32>} : memref<32xf32, #tpu.memory_space<vmem>>, vector<16xf32>,
    %broadcast_in_dim3A_1632 = arith.constant 0 : i32
    %broadcast_in_dim3A_1633 = vector.broadcast %broadcast_in_dim3A_1632 : i32 to vector<16xi32>
    %add3A_1634 = arith.addi %iota3A, %broadcast_in_dim3A_1633 : vector<16xi32>
    %broadcast_in_dim3A_1635 = arith.constant 0 : i32
    %broadcast_in_dim3A_1636 = vector.broadcast %broadcast_in_dim3A_1635 : i32 to vector<16xi32>
    %broadcast_in_dim3A_1637 = arith.constant 20 : i32
    %broadcast_in_dim3A_1638 = vector.broadcast %broadcast_in_dim3A_1637 : i32 to vector<16xi32>
    %mul3A_1639 = arith.muli %broadcast_in_dim3A_1636, %broadcast_in_dim3A_1638 : vector<16xi32>
    %sub3A = arith.subi %add3A_1634, %mul3A_1639 : vector<16xi32>
    %get3A_1640 = arith.constant 0 : index
    %get3A_1641 = tpu.vector_load %arg11[%get3A_1640] {strides = array<i32>} : memref<160xf32, #tpu.memory_space<vmem>>, vector<16xf32>,
    %mul3A_1642 = arith.mulf %mul3A_1144, %get3A_1641 : vector<16xf32>
    tpu.vector_store_idx %arg12[%sub3A], %mul3A_1642 {add = true} : memref<32xf32, #tpu.memory_space<vmem>>[vector<16xi32>], vector<16xf32>,
    %broadcast_in_dim3A_1643 = arith.constant 16 : i32
    %broadcast_in_dim3A_1644 = vector.broadcast %broadcast_in_dim3A_1643 : i32 to vector<16xi32>
    %add3A_1645 = arith.addi %iota3A, %broadcast_in_dim3A_1644 : vector<16xi32>
    %broadcast_in_dim3A_1646 = arith.constant 4 : i32
    %broadcast_in_dim3A_1647 = vector.broadcast %broadcast_in_dim3A_1646 : i32 to vector<16xi32>
    %ge3A_1648 = arith.cmpi sge, %iota3A, %broadcast_in_dim3A_1647 : vector<16xi32>
    %broadcast_in_dim3A_1649 = arith.constant 1 : i32
    %broadcast_in_dim3A_1650 = vector.broadcast %broadcast_in_dim3A_1649 : i32 to vector<16xi32>
    %broadcast_in_dim3A_1651 = arith.constant 0 : i32
    %broadcast_in_dim3A_1652 = vector.broadcast %broadcast_in_dim3A_1651 : i32 to vector<16xi32>
    %select_n3A_1653 = arith.select %ge3A_1648, %broadcast_in_dim3A_1650, %broadcast_in_dim3A_1652 : vector<16xi1>, vector<16xi32>
    %select_n3A_1654 = arith.select %ge3A_1648, %mul3A_1213, %mul3A_1144 : vector<16xi1>, vector<16xf32>
    %broadcast_in_dim3A_1655 = arith.constant 20 : i32
    %broadcast_in_dim3A_1656 = vector.broadcast %broadcast_in_dim3A_1655 : i32 to vector<16xi32>
    %mul3A_1657 = arith.muli %select_n3A_1653, %broadcast_in_dim3A_1656 : vector<16xi32>
    %sub3A_1658 = arith.subi %add3A_1645, %mul3A_1657 : vector<16xi32>
    %get3A_1659 = arith.constant 16 : index
    %get3A_1660 = tpu.vector_load %arg11[%get3A_1659] {strides = array<i32>} : memref<160xf32, #tpu.memory_space<vmem>>, vector<16xf32>,
    %mul3A_1661 = arith.mulf %select_n3A_1654, %get3A_1660 : vector<16xf32>
    tpu.vector_store_idx %arg12[%sub3A_1658], %mul3A_1661 {add = true} : memref<32xf32, #tpu.memory_space<vmem>>[vector<16xi32>], vector<16xf32>,
    %broadcast_in_dim3A_1662 = arith.constant 32 : i32
    %broadcast_in_dim3A_1663 = vector.broadcast %broadcast_in_dim3A_1662 : i32 to vector<16xi32>
    %add3A_1664 = arith.addi %iota3A, %broadcast_in_dim3A_1663 : vector<16xi32>
    %broadcast_in_dim3A_1665 = arith.constant 8 : i32
    %broadcast_in_dim3A_1666 = vector.broadcast %broadcast_in_dim3A_1665 : i32 to vector<16xi32>
    %ge3A_1667 = arith.cmpi sge, %iota3A, %broadcast_in_dim3A_1666 : vector<16xi32>
    %broadcast_in_dim3A_1668 = arith.constant 2 : i32
    %broadcast_in_dim3A_1669 = vector.broadcast %broadcast_in_dim3A_1668 : i32 to vector<16xi32>
    %broadcast_in_dim3A_1670 = arith.constant 1 : i32
    %broadcast_in_dim3A_1671 = vector.broadcast %broadcast_in_dim3A_1670 : i32 to vector<16xi32>
    %select_n3A_1672 = arith.select %ge3A_1667, %broadcast_in_dim3A_1669, %broadcast_in_dim3A_1671 : vector<16xi1>, vector<16xi32>
    %select_n3A_1673 = arith.select %ge3A_1667, %mul3A_1282, %mul3A_1213 : vector<16xi1>, vector<16xf32>
    %broadcast_in_dim3A_1674 = arith.constant 20 : i32
    %broadcast_in_dim3A_1675 = vector.broadcast %broadcast_in_dim3A_1674 : i32 to vector<16xi32>
    %mul3A_1676 = arith.muli %select_n3A_1672, %broadcast_in_dim3A_1675 : vector<16xi32>
    %sub3A_1677 = arith.subi %add3A_1664, %mul3A_1676 : vector<16xi32>
    %get3A_1678 = arith.constant 32 : index
    %get3A_1679 = tpu.vector_load %arg11[%get3A_1678] {strides = array<i32>} : memref<160xf32, #tpu.memory_space<vmem>>, vector<16xf32>,
    %mul3A_1680 = arith.mulf %select_n3A_1673, %get3A_1679 : vector<16xf32>
    tpu.vector_store_idx %arg12[%sub3A_1677], %mul3A_1680 {add = true} : memref<32xf32, #tpu.memory_space<vmem>>[vector<16xi32>], vector<16xf32>,
    %broadcast_in_dim3A_1681 = arith.constant 48 : i32
    %broadcast_in_dim3A_1682 = vector.broadcast %broadcast_in_dim3A_1681 : i32 to vector<16xi32>
    %add3A_1683 = arith.addi %iota3A, %broadcast_in_dim3A_1682 : vector<16xi32>
    %broadcast_in_dim3A_1684 = arith.constant 12 : i32
    %broadcast_in_dim3A_1685 = vector.broadcast %broadcast_in_dim3A_1684 : i32 to vector<16xi32>
    %ge3A_1686 = arith.cmpi sge, %iota3A, %broadcast_in_dim3A_1685 : vector<16xi32>
    %broadcast_in_dim3A_1687 = arith.constant 3 : i32
    %broadcast_in_dim3A_1688 = vector.broadcast %broadcast_in_dim3A_1687 : i32 to vector<16xi32>
    %broadcast_in_dim3A_1689 = arith.constant 2 : i32
    %broadcast_in_dim3A_1690 = vector.broadcast %broadcast_in_dim3A_1689 : i32 to vector<16xi32>
    %select_n3A_1691 = arith.select %ge3A_1686, %broadcast_in_dim3A_1688, %broadcast_in_dim3A_1690 : vector<16xi1>, vector<16xi32>
    %select_n3A_1692 = arith.select %ge3A_1686, %mul3A_1351, %mul3A_1282 : vector<16xi1>, vector<16xf32>
    %broadcast_in_dim3A_1693 = arith.constant 20 : i32
    %broadcast_in_dim3A_1694 = vector.broadcast %broadcast_in_dim3A_1693 : i32 to vector<16xi32>
    %mul3A_1695 = arith.muli %select_n3A_1691, %broadcast_in_dim3A_1694 : vector<16xi32>
    %sub3A_1696 = arith.subi %add3A_1683, %mul3A_1695 : vector<16xi32>
    %get3A_1697 = arith.constant 48 : index
    %get3A_1698 = tpu.vector_load %arg11[%get3A_1697] {strides = array<i32>} : memref<160xf32, #tpu.memory_space<vmem>>, vector<16xf32>,
    %mul3A_1699 = arith.mulf %select_n3A_1692, %get3A_1698 : vector<16xf32>
    tpu.vector_store_idx %arg12[%sub3A_1696], %mul3A_1699 {add = true} : memref<32xf32, #tpu.memory_space<vmem>>[vector<16xi32>], vector<16xf32>,
    %broadcast_in_dim3A_1700 = arith.constant 64 : i32
    %broadcast_in_dim3A_1701 = vector.broadcast %broadcast_in_dim3A_1700 : i32 to vector<16xi32>
    %add3A_1702 = arith.addi %iota3A, %broadcast_in_dim3A_1701 : vector<16xi32>
    %broadcast_in_dim3A_1703 = arith.constant 3 : i32
    %broadcast_in_dim3A_1704 = vector.broadcast %broadcast_in_dim3A_1703 : i32 to vector<16xi32>
    %broadcast_in_dim3A_1705 = arith.constant 20 : i32
    %broadcast_in_dim3A_1706 = vector.broadcast %broadcast_in_dim3A_1705 : i32 to vector<16xi32>
    %mul3A_1707 = arith.muli %broadcast_in_dim3A_1704, %broadcast_in_dim3A_1706 : vector<16xi32>
    %sub3A_1708 = arith.subi %add3A_1702, %mul3A_1707 : vector<16xi32>
    %get3A_1709 = arith.constant 64 : index
    %get3A_1710 = tpu.vector_load %arg11[%get3A_1709] {strides = array<i32>} : memref<160xf32, #tpu.memory_space<vmem>>, vector<16xf32>,
    %mul3A_1711 = arith.mulf %mul3A_1351, %get3A_1710 : vector<16xf32>
    tpu.vector_store_idx %arg12[%sub3A_1708], %mul3A_1711 {add = true} : memref<32xf32, #tpu.memory_space<vmem>>[vector<16xi32>], vector<16xf32>,
    %broadcast_in_dim3A_1712 = arith.constant 80 : i32
    %broadcast_in_dim3A_1713 = vector.broadcast %broadcast_in_dim3A_1712 : i32 to vector<16xi32>
    %add3A_1714 = arith.addi %iota3A, %broadcast_in_dim3A_1713 : vector<16xi32>
    %broadcast_in_dim3A_1715 = arith.constant 4 : i32
    %broadcast_in_dim3A_1716 = vector.broadcast %broadcast_in_dim3A_1715 : i32 to vector<16xi32>
    %broadcast_in_dim3A_1717 = arith.constant 20 : i32
    %broadcast_in_dim3A_1718 = vector.broadcast %broadcast_in_dim3A_1717 : i32 to vector<16xi32>
    %mul3A_1719 = arith.muli %broadcast_in_dim3A_1716, %broadcast_in_dim3A_1718 : vector<16xi32>
    %sub3A_1720 = arith.subi %add3A_1714, %mul3A_1719 : vector<16xi32>
    %get3A_1721 = arith.constant 80 : index
    %get3A_1722 = tpu.vector_load %arg11[%get3A_1721] {strides = array<i32>} : memref<160xf32, #tpu.memory_space<vmem>>, vector<16xf32>,
    %mul3A_1723 = arith.mulf %mul3A_1420, %get3A_1722 : vector<16xf32>
    tpu.vector_store_idx %arg12[%sub3A_1720], %mul3A_1723 {add = true} : memref<32xf32, #tpu.memory_space<vmem>>[vector<16xi32>], vector<16xf32>,
    %broadcast_in_dim3A_1724 = arith.constant 96 : i32
    %broadcast_in_dim3A_1725 = vector.broadcast %broadcast_in_dim3A_1724 : i32 to vector<16xi32>
    %add3A_1726 = arith.addi %iota3A, %broadcast_in_dim3A_1725 : vector<16xi32>
    %broadcast_in_dim3A_1727 = arith.constant 4 : i32
    %broadcast_in_dim3A_1728 = vector.broadcast %broadcast_in_dim3A_1727 : i32 to vector<16xi32>
    %ge3A_1729 = arith.cmpi sge, %iota3A, %broadcast_in_dim3A_1728 : vector<16xi32>
    %broadcast_in_dim3A_1730 = arith.constant 5 : i32
    %broadcast_in_dim3A_1731 = vector.broadcast %broadcast_in_dim3A_1730 : i32 to vector<16xi32>
    %broadcast_in_dim3A_1732 = arith.constant 4 : i32
    %broadcast_in_dim3A_1733 = vector.broadcast %broadcast_in_dim3A_1732 : i32 to vector<16xi32>
    %select_n3A_1734 = arith.select %ge3A_1729, %broadcast_in_dim3A_1731, %broadcast_in_dim3A_1733 : vector<16xi1>, vector<16xi32>
    %select_n3A_1735 = arith.select %ge3A_1729, %mul3A_1489, %mul3A_1420 : vector<16xi1>, vector<16xf32>
    %broadcast_in_dim3A_1736 = arith.constant 20 : i32
    %broadcast_in_dim3A_1737 = vector.broadcast %broadcast_in_dim3A_1736 : i32 to vector<16xi32>
    %mul3A_1738 = arith.muli %select_n3A_1734, %broadcast_in_dim3A_1737 : vector<16xi32>
    %sub3A_1739 = arith.subi %add3A_1726, %mul3A_1738 : vector<16xi32>
    %get3A_1740 = arith.constant 96 : index
    %get3A_1741 = tpu.vector_load %arg11[%get3A_1740] {strides = array<i32>} : memref<160xf32, #tpu.memory_space<vmem>>, vector<16xf32>,
    %mul3A_1742 = arith.mulf %select_n3A_1735, %get3A_1741 : vector<16xf32>
    tpu.vector_store_idx %arg12[%sub3A_1739], %mul3A_1742 {add = true} : memref<32xf32, #tpu.memory_space<vmem>>[vector<16xi32>], vector<16xf32>,
    %broadcast_in_dim3A_1743 = arith.constant 112 : i32
    %broadcast_in_dim3A_1744 = vector.broadcast %broadcast_in_dim3A_1743 : i32 to vector<16xi32>
    %add3A_1745 = arith.addi %iota3A, %broadcast_in_dim3A_1744 : vector<16xi32>
    %broadcast_in_dim3A_1746 = arith.constant 8 : i32
    %broadcast_in_dim3A_1747 = vector.broadcast %broadcast_in_dim3A_1746 : i32 to vector<16xi32>
    %ge3A_1748 = arith.cmpi sge, %iota3A, %broadcast_in_dim3A_1747 : vector<16xi32>
    %broadcast_in_dim3A_1749 = arith.constant 6 : i32
    %broadcast_in_dim3A_1750 = vector.broadcast %broadcast_in_dim3A_1749 : i32 to vector<16xi32>
    %broadcast_in_dim3A_1751 = arith.constant 5 : i32
    %broadcast_in_dim3A_1752 = vector.broadcast %broadcast_in_dim3A_1751 : i32 to vector<16xi32>
    %select_n3A_1753 = arith.select %ge3A_1748, %broadcast_in_dim3A_1750, %broadcast_in_dim3A_1752 : vector<16xi1>, vector<16xi32>
    %select_n3A_1754 = arith.select %ge3A_1748, %mul3A_1558, %mul3A_1489 : vector<16xi1>, vector<16xf32>
    %broadcast_in_dim3A_1755 = arith.constant 20 : i32
    %broadcast_in_dim3A_1756 = vector.broadcast %broadcast_in_dim3A_1755 : i32 to vector<16xi32>
    %mul3A_1757 = arith.muli %select_n3A_1753, %broadcast_in_dim3A_1756 : vector<16xi32>
    %sub3A_1758 = arith.subi %add3A_1745, %mul3A_1757 : vector<16xi32>
    %get3A_1759 = arith.constant 112 : index
    %get3A_1760 = tpu.vector_load %arg11[%get3A_1759] {strides = array<i32>} : memref<160xf32, #tpu.memory_space<vmem>>, vector<16xf32>,
    %mul3A_1761 = arith.mulf %select_n3A_1754, %get3A_1760 : vector<16xf32>
    tpu.vector_store_idx %arg12[%sub3A_1758], %mul3A_1761 {add = true} : memref<32xf32, #tpu.memory_space<vmem>>[vector<16xi32>], vector<16xf32>,
    %broadcast_in_dim3A_1762 = arith.constant 128 : i32
    %broadcast_in_dim3A_1763 = vector.broadcast %broadcast_in_dim3A_1762 : i32 to vector<16xi32>
    %add3A_1764 = arith.addi %iota3A, %broadcast_in_dim3A_1763 : vector<16xi32>
    %broadcast_in_dim3A_1765 = arith.constant 12 : i32
    %broadcast_in_dim3A_1766 = vector.broadcast %broadcast_in_dim3A_1765 : i32 to vector<16xi32>
    %ge3A_1767 = arith.cmpi sge, %iota3A, %broadcast_in_dim3A_1766 : vector<16xi32>
    %broadcast_in_dim3A_1768 = arith.constant 7 : i32
    %broadcast_in_dim3A_1769 = vector.broadcast %broadcast_in_dim3A_1768 : i32 to vector<16xi32>
    %broadcast_in_dim3A_1770 = arith.constant 6 : i32
    %broadcast_in_dim3A_1771 = vector.broadcast %broadcast_in_dim3A_1770 : i32 to vector<16xi32>
    %select_n3A_1772 = arith.select %ge3A_1767, %broadcast_in_dim3A_1769, %broadcast_in_dim3A_1771 : vector<16xi1>, vector<16xi32>
    %select_n3A_1773 = arith.select %ge3A_1767, %mul3A_1627, %mul3A_1558 : vector<16xi1>, vector<16xf32>
    %broadcast_in_dim3A_1774 = arith.constant 20 : i32
    %broadcast_in_dim3A_1775 = vector.broadcast %broadcast_in_dim3A_1774 : i32 to vector<16xi32>
    %mul3A_1776 = arith.muli %select_n3A_1772, %broadcast_in_dim3A_1775 : vector<16xi32>
    %sub3A_1777 = arith.subi %add3A_1764, %mul3A_1776 : vector<16xi32>
    %get3A_1778 = arith.constant 128 : index
    %get3A_1779 = tpu.vector_load %arg11[%get3A_1778] {strides = array<i32>} : memref<160xf32, #tpu.memory_space<vmem>>, vector<16xf32>,
    %mul3A_1780 = arith.mulf %select_n3A_1773, %get3A_1779 : vector<16xf32>
    tpu.vector_store_idx %arg12[%sub3A_1777], %mul3A_1780 {add = true} : memref<32xf32, #tpu.memory_space<vmem>>[vector<16xi32>], vector<16xf32>,
    %broadcast_in_dim3A_1781 = arith.constant 144 : i32
    %broadcast_in_dim3A_1782 = vector.broadcast %broadcast_in_dim3A_1781 : i32 to vector<16xi32>
    %add3A_1783 = arith.addi %iota3A, %broadcast_in_dim3A_1782 : vector<16xi32>
    %broadcast_in_dim3A_1784 = arith.constant 7 : i32
    %broadcast_in_dim3A_1785 = vector.broadcast %broadcast_in_dim3A_1784 : i32 to vector<16xi32>
    %broadcast_in_dim3A_1786 = arith.constant 20 : i32
    %broadcast_in_dim3A_1787 = vector.broadcast %broadcast_in_dim3A_1786 : i32 to vector<16xi32>
    %mul3A_1788 = arith.muli %broadcast_in_dim3A_1785, %broadcast_in_dim3A_1787 : vector<16xi32>
    %sub3A_1789 = arith.subi %add3A_1783, %mul3A_1788 : vector<16xi32>
    %get3A_1790 = arith.constant 144 : index
    %get3A_1791 = tpu.vector_load %arg11[%get3A_1790] {strides = array<i32>} : memref<160xf32, #tpu.memory_space<vmem>>, vector<16xf32>,
    %mul3A_1792 = arith.mulf %mul3A_1627, %get3A_1791 : vector<16xf32>
    tpu.vector_store_idx %arg12[%sub3A_1789], %mul3A_1792 {add = true} : memref<32xf32, #tpu.memory_space<vmem>>[vector<16xi32>], vector<16xf32>,
    %mul3A_1793 = arith.constant 32 : i32
    %mul3A_1794 = arith.muli %mul3A_1793, %arg1 : i32
    "tpu.region"() ({
      %run_scoped3A = tpu.sem_alloc : memref<!tpu.dma_semaphore, #tpu.memory_space<semaphore_mem>>
      %dma_start3A_1912 = tpu.memref_slice %arg13[%mul3A_1794] : memref<512xf32, #tpu.memory_space<vmem_shared>> -> memref<32xf32, #tpu.memory_space<vmem_shared>>
      %dma_start3A_1913 = tpu.memref_slice %arg13[%mul3A_1794] : memref<512xf32, #tpu.memory_space<vmem_shared>> -> memref<32xf32, #tpu.memory_space<vmem_shared>>
      tpu.enqueue_dma source(%arg12 : memref<32xf32, #tpu.memory_space<vmem>>) target(%dma_start3A_1913 : memref<32xf32, #tpu.memory_space<vmem_shared>>) target_semaphore(%run_scoped3A : memref<!tpu.dma_semaphore, #tpu.memory_space<semaphore_mem>>)
      %dma_wait3A_1914 = tpu.memref_slice %arg13[%mul3A_1794] : memref<512xf32, #tpu.memory_space<vmem_shared>> -> memref<32xf32, #tpu.memory_space<vmem_shared>>
      %dma_wait3A_1915 = tpu.memref_slice %arg13[%mul3A_1794] : memref<512xf32, #tpu.memory_space<vmem_shared>> -> memref<32xf32, #tpu.memory_space<vmem_shared>>
      tpu.wait_dma2 semaphore(%run_scoped3A : memref<!tpu.dma_semaphore, #tpu.memory_space<semaphore_mem>>) src(%arg12 : memref<32xf32, #tpu.memory_space<vmem>>) dst(%dma_wait3A_1915 : memref<32xf32, #tpu.memory_space<vmem_shared>>)
      tpu.yield
    }) : () -> ()
    %barrier3A = arith.constant 0 : index
    tpu.barrier barrier_id(%barrier3A)
    "tpu.region"() ({
      %run_scoped3A = tpu.sem_alloc : memref<!tpu.dma_semaphore, #tpu.memory_space<semaphore_mem>>
      tpu.enqueue_dma source(%arg13 : memref<512xf32, #tpu.memory_space<vmem_shared>>) target(%arg14 : memref<512xf32, #tpu.memory_space<vmem>>) target_semaphore(%run_scoped3A : memref<!tpu.dma_semaphore, #tpu.memory_space<semaphore_mem>>)
      tpu.wait_dma2 semaphore(%run_scoped3A : memref<!tpu.dma_semaphore, #tpu.memory_space<semaphore_mem>>) src(%arg13 : memref<512xf32, #tpu.memory_space<vmem_shared>>) dst(%arg14 : memref<512xf32, #tpu.memory_space<vmem>>)
      tpu.yield
    }) : () -> ()
    %broadcast_in_dim3A_1795 = arith.constant 0.000000e+00 : f32
    %broadcast_in_dim3A_1796 = vector.broadcast %broadcast_in_dim3A_1795 : f32 to vector<16xf32>
    %broadcast_in_dim3A_1797 = arith.constant 0.000000e+00 : f32
    %broadcast_in_dim3A_1798 = vector.broadcast %broadcast_in_dim3A_1797 : f32 to vector<16xf32>
    %get3A_1799 = arith.constant 0 : index
    %get3A_1800 = tpu.vector_load %arg14[%get3A_1799] {strides = array<i32>} : memref<512xf32, #tpu.memory_space<vmem>>, vector<16xf32>,
    %add3A_1801 = arith.addf %broadcast_in_dim3A_1796, %get3A_1800 : vector<16xf32>
    %get3A_1802 = arith.constant 16 : index
    %get3A_1803 = tpu.vector_load %arg14[%get3A_1802] {strides = array<i32>} : memref<512xf32, #tpu.memory_space<vmem>>, vector<16xf32>,
    %add3A_1804 = arith.addf %broadcast_in_dim3A_1798, %get3A_1803 : vector<16xf32>
    %get3A_1805 = arith.constant 32 : index
    %get3A_1806 = tpu.vector_load %arg14[%get3A_1805] {strides = array<i32>} : memref<512xf32, #tpu.memory_space<vmem>>, vector<16xf32>,
    %add3A_1807 = arith.addf %add3A_1801, %get3A_1806 : vector<16xf32>
    %get3A_1808 = arith.constant 48 : index
    %get3A_1809 = tpu.vector_load %arg14[%get3A_1808] {strides = array<i32>} : memref<512xf32, #tpu.memory_space<vmem>>, vector<16xf32>,
    %add3A_1810 = arith.addf %add3A_1804, %get3A_1809 : vector<16xf32>
    %get3A_1811 = arith.constant 64 : index
    %get3A_1812 = tpu.vector_load %arg14[%get3A_1811] {strides = array<i32>} : memref<512xf32, #tpu.memory_space<vmem>>, vector<16xf32>,
    %add3A_1813 = arith.addf %add3A_1807, %get3A_1812 : vector<16xf32>
    %get3A_1814 = arith.constant 80 : index
    %get3A_1815 = tpu.vector_load %arg14[%get3A_1814] {strides = array<i32>} : memref<512xf32, #tpu.memory_space<vmem>>, vector<16xf32>,
    %add3A_1816 = arith.addf %add3A_1810, %get3A_1815 : vector<16xf32>
    %get3A_1817 = arith.constant 96 : index
    %get3A_1818 = tpu.vector_load %arg14[%get3A_1817] {strides = array<i32>} : memref<512xf32, #tpu.memory_space<vmem>>, vector<16xf32>,
    %add3A_1819 = arith.addf %add3A_1813, %get3A_1818 : vector<16xf32>
    %get3A_1820 = arith.constant 112 : index
    %get3A_1821 = tpu.vector_load %arg14[%get3A_1820] {strides = array<i32>} : memref<512xf32, #tpu.memory_space<vmem>>, vector<16xf32>,
    %add3A_1822 = arith.addf %add3A_1816, %get3A_1821 : vector<16xf32>
    %get3A_1823 = arith.constant 128 : index
    %get3A_1824 = tpu.vector_load %arg14[%get3A_1823] {strides = array<i32>} : memref<512xf32, #tpu.memory_space<vmem>>, vector<16xf32>,
    %add3A_1825 = arith.addf %add3A_1819, %get3A_1824 : vector<16xf32>
    %get3A_1826 = arith.constant 144 : index
    %get3A_1827 = tpu.vector_load %arg14[%get3A_1826] {strides = array<i32>} : memref<512xf32, #tpu.memory_space<vmem>>, vector<16xf32>,
    %add3A_1828 = arith.addf %add3A_1822, %get3A_1827 : vector<16xf32>
    %get3A_1829 = arith.constant 160 : index
    %get3A_1830 = tpu.vector_load %arg14[%get3A_1829] {strides = array<i32>} : memref<512xf32, #tpu.memory_space<vmem>>, vector<16xf32>,
    %add3A_1831 = arith.addf %add3A_1825, %get3A_1830 : vector<16xf32>
    %get3A_1832 = arith.constant 176 : index
    %get3A_1833 = tpu.vector_load %arg14[%get3A_1832] {strides = array<i32>} : memref<512xf32, #tpu.memory_space<vmem>>, vector<16xf32>,
    %add3A_1834 = arith.addf %add3A_1828, %get3A_1833 : vector<16xf32>
    %get3A_1835 = arith.constant 192 : index
    %get3A_1836 = tpu.vector_load %arg14[%get3A_1835] {strides = array<i32>} : memref<512xf32, #tpu.memory_space<vmem>>, vector<16xf32>,
    %add3A_1837 = arith.addf %add3A_1831, %get3A_1836 : vector<16xf32>
    %get3A_1838 = arith.constant 208 : index
    %get3A_1839 = tpu.vector_load %arg14[%get3A_1838] {strides = array<i32>} : memref<512xf32, #tpu.memory_space<vmem>>, vector<16xf32>,
    %add3A_1840 = arith.addf %add3A_1834, %get3A_1839 : vector<16xf32>
    %get3A_1841 = arith.constant 224 : index
    %get3A_1842 = tpu.vector_load %arg14[%get3A_1841] {strides = array<i32>} : memref<512xf32, #tpu.memory_space<vmem>>, vector<16xf32>,
    %add3A_1843 = arith.addf %add3A_1837, %get3A_1842 : vector<16xf32>
    %get3A_1844 = arith.constant 240 : index
    %get3A_1845 = tpu.vector_load %arg14[%get3A_1844] {strides = array<i32>} : memref<512xf32, #tpu.memory_space<vmem>>, vector<16xf32>,
    %add3A_1846 = arith.addf %add3A_1840, %get3A_1845 : vector<16xf32>
    %get3A_1847 = arith.constant 256 : index
    %get3A_1848 = tpu.vector_load %arg14[%get3A_1847] {strides = array<i32>} : memref<512xf32, #tpu.memory_space<vmem>>, vector<16xf32>,
    %add3A_1849 = arith.addf %add3A_1843, %get3A_1848 : vector<16xf32>
    %get3A_1850 = arith.constant 272 : index
    %get3A_1851 = tpu.vector_load %arg14[%get3A_1850] {strides = array<i32>} : memref<512xf32, #tpu.memory_space<vmem>>, vector<16xf32>,
    %add3A_1852 = arith.addf %add3A_1846, %get3A_1851 : vector<16xf32>
    %get3A_1853 = arith.constant 288 : index
    %get3A_1854 = tpu.vector_load %arg14[%get3A_1853] {strides = array<i32>} : memref<512xf32, #tpu.memory_space<vmem>>, vector<16xf32>,
    %add3A_1855 = arith.addf %add3A_1849, %get3A_1854 : vector<16xf32>
    %get3A_1856 = arith.constant 304 : index
    %get3A_1857 = tpu.vector_load %arg14[%get3A_1856] {strides = array<i32>} : memref<512xf32, #tpu.memory_space<vmem>>, vector<16xf32>,
    %add3A_1858 = arith.addf %add3A_1852, %get3A_1857 : vector<16xf32>
    %get3A_1859 = arith.constant 320 : index
    %get3A_1860 = tpu.vector_load %arg14[%get3A_1859] {strides = array<i32>} : memref<512xf32, #tpu.memory_space<vmem>>, vector<16xf32>,
    %add3A_1861 = arith.addf %add3A_1855, %get3A_1860 : vector<16xf32>
    %get3A_1862 = arith.constant 336 : index
    %get3A_1863 = tpu.vector_load %arg14[%get3A_1862] {strides = array<i32>} : memref<512xf32, #tpu.memory_space<vmem>>, vector<16xf32>,
    %add3A_1864 = arith.addf %add3A_1858, %get3A_1863 : vector<16xf32>
    %get3A_1865 = arith.constant 352 : index
    %get3A_1866 = tpu.vector_load %arg14[%get3A_1865] {strides = array<i32>} : memref<512xf32, #tpu.memory_space<vmem>>, vector<16xf32>,
    %add3A_1867 = arith.addf %add3A_1861, %get3A_1866 : vector<16xf32>
    %get3A_1868 = arith.constant 368 : index
    %get3A_1869 = tpu.vector_load %arg14[%get3A_1868] {strides = array<i32>} : memref<512xf32, #tpu.memory_space<vmem>>, vector<16xf32>,
    %add3A_1870 = arith.addf %add3A_1864, %get3A_1869 : vector<16xf32>
    %get3A_1871 = arith.constant 384 : index
    %get3A_1872 = tpu.vector_load %arg14[%get3A_1871] {strides = array<i32>} : memref<512xf32, #tpu.memory_space<vmem>>, vector<16xf32>,
    %add3A_1873 = arith.addf %add3A_1867, %get3A_1872 : vector<16xf32>
    %get3A_1874 = arith.constant 400 : index
    %get3A_1875 = tpu.vector_load %arg14[%get3A_1874] {strides = array<i32>} : memref<512xf32, #tpu.memory_space<vmem>>, vector<16xf32>,
    %add3A_1876 = arith.addf %add3A_1870, %get3A_1875 : vector<16xf32>
    %get3A_1877 = arith.constant 416 : index
    %get3A_1878 = tpu.vector_load %arg14[%get3A_1877] {strides = array<i32>} : memref<512xf32, #tpu.memory_space<vmem>>, vector<16xf32>,
    %add3A_1879 = arith.addf %add3A_1873, %get3A_1878 : vector<16xf32>
    %get3A_1880 = arith.constant 432 : index
    %get3A_1881 = tpu.vector_load %arg14[%get3A_1880] {strides = array<i32>} : memref<512xf32, #tpu.memory_space<vmem>>, vector<16xf32>,
    %add3A_1882 = arith.addf %add3A_1876, %get3A_1881 : vector<16xf32>
    %get3A_1883 = arith.constant 448 : index
    %get3A_1884 = tpu.vector_load %arg14[%get3A_1883] {strides = array<i32>} : memref<512xf32, #tpu.memory_space<vmem>>, vector<16xf32>,
    %add3A_1885 = arith.addf %add3A_1879, %get3A_1884 : vector<16xf32>
    %get3A_1886 = arith.constant 464 : index
    %get3A_1887 = tpu.vector_load %arg14[%get3A_1886] {strides = array<i32>} : memref<512xf32, #tpu.memory_space<vmem>>, vector<16xf32>,
    %add3A_1888 = arith.addf %add3A_1882, %get3A_1887 : vector<16xf32>
    %get3A_1889 = arith.constant 480 : index
    %get3A_1890 = tpu.vector_load %arg14[%get3A_1889] {strides = array<i32>} : memref<512xf32, #tpu.memory_space<vmem>>, vector<16xf32>,
    %add3A_1891 = arith.addf %add3A_1885, %get3A_1890 : vector<16xf32>
    %get3A_1892 = arith.constant 496 : index
    %get3A_1893 = tpu.vector_load %arg14[%get3A_1892] {strides = array<i32>} : memref<512xf32, #tpu.memory_space<vmem>>, vector<16xf32>,
    %add3A_1894 = arith.addf %add3A_1888, %get3A_1893 : vector<16xf32>
    %broadcast_in_dim3A_1895 = arith.constant 1.000000e+00 : f32
    %broadcast_in_dim3A_1896 = vector.broadcast %broadcast_in_dim3A_1895 : f32 to vector<16xf32>
    %neg3A = arith.constant 0.000000e+00 : f32
    %neg3A_1897 = vector.broadcast %neg3A : f32 to vector<16xf32>
    %neg3A_1898 = arith.subf %neg3A_1897, %add3A_1891 : vector<16xf32>
    %exp3A = math.exp %neg3A_1898 : vector<16xf32>
    %add3A_1899 = arith.addf %broadcast_in_dim3A_1896, %exp3A : vector<16xf32>
    %div3A = arith.divf %broadcast_in_dim3A_1896, %add3A_1899 : vector<16xf32>
    %swap3A_1900 = arith.constant 0 : index
    %swap3A_1901 = tpu.vector_load %arg15[%swap3A_1900] {strides = array<i32>} : memref<32xf32, #tpu.memory_space<vmem>>, vector<16xf32>,
    tpu.vector_store %arg15[%swap3A_1900], %div3A {strides = array<i32>} : memref<32xf32, #tpu.memory_space<vmem>>, vector<16xf32>,
    %neg3A_1902 = arith.constant 0.000000e+00 : f32
    %neg3A_1903 = vector.broadcast %neg3A_1902 : f32 to vector<16xf32>
    %neg3A_1904 = arith.subf %neg3A_1903, %add3A_1894 : vector<16xf32>
    %exp3A_1905 = math.exp %neg3A_1904 : vector<16xf32>
    %add3A_1906 = arith.addf %broadcast_in_dim3A_1896, %exp3A_1905 : vector<16xf32>
    %div3A_1907 = arith.divf %broadcast_in_dim3A_1896, %add3A_1906 : vector<16xf32>
    %swap3A_1908 = arith.constant 16 : index
    %swap3A_1909 = tpu.vector_load %arg15[%swap3A_1908] {strides = array<i32>} : memref<32xf32, #tpu.memory_space<vmem>>, vector<16xf32>,
    tpu.vector_store %arg15[%swap3A_1908], %div3A_1907 {strides = array<i32>} : memref<32xf32, #tpu.memory_space<vmem>>, vector<16xf32>,
    %eq3A = arith.constant 0 : i32
    %eq3A_1910 = arith.cmpi eq, %arg1, %eq3A : i32
    %convert_element_type3A = arith.extui %eq3A_1910 : i1 to i32
    %cond3A = arith.constant 0 : i32
    %cond3A_1911 = arith.cmpi ne, %convert_element_type3A, %cond3A : i32
    scf.if %cond3A_1911 {
      "tpu.region"() ({
        %run_scoped3A = tpu.sem_alloc : memref<!tpu.dma_semaphore, #tpu.memory_space<semaphore_mem>>
        tpu.enqueue_dma source(%arg15 : memref<32xf32, #tpu.memory_space<vmem>>) target(%arg5 : memref<32xf32, #tpu.memory_space<hbm>>) target_semaphore(%run_scoped3A : memref<!tpu.dma_semaphore, #tpu.memory_space<semaphore_mem>>)
        tpu.wait_dma2 semaphore(%run_scoped3A : memref<!tpu.dma_semaphore, #tpu.memory_space<semaphore_mem>>) src(%arg15 : memref<32xf32, #tpu.memory_space<vmem>>) dst(%arg5 : memref<32xf32, #tpu.memory_space<hbm>>)
        tpu.yield
      }) : () -> ()
    } else {
    }
    return
  }
}

</mosaic_0001>

<sc_bundles>
// kernel: kernel.3.cloned.1.call-start
scs
__scs_entry_jumppad:
0x0: {  	(pc) =	sbr.rel $0x88, $3  }
0x1: {  	(tag) =	ssettag $0x0;
	lr =	simm.s32 $0x1  }
0x2: {  	[smem:$0x3F9D] =	sst lr;
	_ =	strace $0xD0000000  }
0x3: {  	_ = 	snop  }
0x4: {  	_ = 	snop  }
0x5: {  	_ = 	snop  }
0x6: {  	_ = 	snop  }
0x7: {  	_ = 	snop  }
__scs_overlays_trampoline_lowered:
0x8: {  	[smem:$0x3FAC] =	sst s0  }
0x9: {  	[smem:$0x3FAD] =	sst s1  }
0xa: {  	[smem:$0x3FAE] =	sst s2  }
0xb: {  	[smem:$0x3FAF] =	sst s3  }
0xc: {  	[smem:$0x3FB0] =	sst s4  }
0xd: {  	[smem:$0x3FB1] =	sst s5  }
0xe: {  	[smem:$0x3FB2] =	sst s6  }
0xf: {  	[smem:$0x3FB3] =	sst s7  }
0x10: {  	[smem:$0x3FB4] =	sst s8  }
0x11: {  	[smem:$0x3FB5] =	sst s9;
	s0 =	simm.s32 @!p0 $0x0  }
0x12: {  	s1 =	sld [smem:$0x3F9B];
	s0 =	simm.s32 @p0 $0x1  }
0x13: {  	[smem:$0x3FB6] =	sst s0;
	s0 =	simm.s32 @!p1 $0x0  }
0x14: {  	s2 =	sld [smem:$0x3F9A];
	s0 =	simm.s32 @p1 $0x1  }
0x15: {  	[smem:$0x3FB7] =	sst s0;
	s0 =	simm.s32 @!p2 $0x0  }
0x16: {  	s3 =	sld [smem:$0x3FDB];
	s0 =	simm.s32 @p2 $0x1  }
0x17: {  	s4 =	simm.s32 $0x1BF5;
	[smem:$0x3FB9] =	sst s0  }
0x18: {  	s0 =	sld [smem:$0x3F9C];
	_ =	swait.ge [sflag:s4], $0x0  }
0x19: {  	s7 =	sld [smem:$0x3F9D]  }
0x1a: {  	s8 =	sadd.s32 $0xFFFFE003, lr  }
0x1b: {  	s9 =	sadd.s32 $0xFFFFFEF7, lr;
	s5 =	simm.s32 $0xFFFFFFFF;
	p2 =	slt.u32 s8, $0xFFFFF086  }
0x1c: {  	p1 =	slt.u32 s9, $0xF7A;
	s5 =	simm.s32 @!p2 $0x0  }
0x1d: {  	s5 =	simm.s32 @p1 $0x1;
	p0 =	seq.s32 s7, s2  }
0x1e: {  	s7 =	smul.u32 @!p0 $0xF7A, s2;
	p2 =	seq.s32 @!p0 s5, $0x0  }
0x1f: {  	s9 =	smul.u32 $0xF7A, s1;
	s8 =	simm.s32 @!p0 $0x1BF5;
	p2 =	por !p2, p0  }
0x20: {  	[sflag:s8] =	ssyncset.s32 @!p0 $0xFFFFF086;
	s6 =	sadd.s32 @!p0 s3, s7;
	s7 =	simm.s32 @!p0 $0x108  }
0x21: {  	s3 =	sadd.s32 s3, s9;
	s6 =	sadd.s32 @!p0 $0x88, s6;
	s7 =	simm.s32 @p2 $0x1082  }
0x22: {  	[simem:s7], [sflag:s8] =	dma.local @!p0 [hbm:s6], $0xF7A  }
0x23: {  	s9 =	sor.u32 $0xD0000000, s2;
	s6 =	simm.s32 $0x108;
	_ =	swait.ge @!p0 [sflag:s8], $0x0  }
0x24: {  	s3 =	sadd.s32 $0x88, s3;
	s6 =	simm.s32 @!p1 $0x1082;
	[sflag:s4] =	ssyncset.s32 $0xFFFFF086  }
0x25: {  	[simem:s6], [sflag:s4] =	dma.local [hbm:s3], $0xF7A  }
0x26: {  	[smem:$0x3F9D] =	sst s1;
	(tag) =	ssettag s2;
	_ =	strace s9  }
0x27: {  	s1 =	sld [smem:$0x3FAD]  }
0x28: {  	s2 =	sld [smem:$0x3FAE]  }
0x29: {  	s4 =	sld [smem:$0x3FB0]  }
0x2a: {  	p0 =	seq.s32 s5, $0x0;
	s5 =	sld [smem:$0x3FB1]  }
0x2b: {  	s6 =	sld [smem:$0x3FB2]  }
0x2c: {  	s7 =	sld [smem:$0x3FB3]  }
0x2d: {  	s3 =	simm.s32 $0x108;
	s8 =	sld [smem:$0x3FB4]  }
0x2e: {  	s3 =	simm.s32 @!p0 $0x1082;
	s9 =	sld [smem:$0x3FB5]  }
0x2f: {  	lr =	sadd.s32 s0, s3;
	s0 =	sld [smem:$0x3FAC]  }
0x30: {  	s3 =	sld [smem:$0x3FAF]  }
0x31: {  	[smem:$0x3FB8] =	sst s10  }
0x32: {  	s10 =	sld [smem:$0x3FB6];
	_ =	sdelay $0x3  }
0x33: {  	p0 =	seq.s32 s10, $0x1;
	s10 =	sld [smem:$0x3FB8];
	_ =	sdelay $0x3  }
0x34: {  	[smem:$0x3FB8] =	sst s10  }
0x35: {  	s10 =	sld [smem:$0x3FB7];
	_ =	sdelay $0x3  }
0x36: {  	p1 =	seq.s32 s10, $0x1;
	s10 =	sld [smem:$0x3FB8];
	_ =	sdelay $0x3  }
0x37: {  	[smem:$0x3FB8] =	sst s10  }
0x38: {  	s10 =	sld [smem:$0x3FB9]  }
0x39: {  	_ = 	snop;
	(pc) =	sbr.ind lr, $3  }
0x3a: {  	_ = 	snop  }
0x3b: {  	_ = 	snop  }
0x3c: {  	p2 =	seq.s32 s10, $0x1;
	s10 =	sld [smem:$0x3FB8]  }
0x3d: {  	_ =	shalt  }
0x3e: {  	_ =	shalt  }
0x3f: {  	_ =	shalt  }
0x40: {  	_ =	shalt  }
0x41: {  	_ =	shalt  }
0x42: {  	_ =	shalt  }
0x43: {  	_ =	shalt  }
0x44: {  	_ =	shalt  }
0x45: {  	_ =	shalt  }
0x46: {  	_ =	shalt  }
0x47: {  	_ =	shalt  }
0x48: {  	_ =	shalt  }
0x49: {  	_ =	shalt  }
0x4a: {  	_ =	shalt  }
0x4b: {  	_ =	shalt  }
0x4c: {  	_ =	shalt  }
0x4d: {  	_ =	shalt  }
0x4e: {  	_ =	shalt  }
0x4f: {  	_ =	shalt  }
0x50: {  	_ =	shalt  }
0x51: {  	_ =	shalt  }
0x52: {  	_ =	shalt  }
0x53: {  	_ =	shalt  }
0x54: {  	_ =	shalt  }
0x55: {  	_ =	shalt  }
0x56: {  	_ =	shalt  }
0x57: {  	_ =	shalt  }
0x58: {  	_ =	shalt  }
0x59: {  	_ =	shalt  }
0x5a: {  	_ =	shalt  }
0x5b: {  	_ =	shalt  }
0x5c: {  	_ =	shalt  }
0x5d: {  	_ =	shalt  }
0x5e: {  	_ =	shalt  }
0x5f: {  	_ =	shalt  }
0x60: {  	_ =	shalt  }
0x61: {  	_ =	shalt  }
0x62: {  	_ =	shalt  }
0x63: {  	_ =	shalt  }
0x64: {  	_ =	shalt  }
0x65: {  	_ =	shalt  }
0x66: {  	_ =	shalt  }
0x67: {  	_ =	shalt  }
0x68: {  	_ =	shalt  }
0x69: {  	_ =	shalt  }
0x6a: {  	_ =	shalt  }
0x6b: {  	_ =	shalt  }
0x6c: {  	_ =	shalt  }
0x6d: {  	_ =	shalt  }
0x6e: {  	_ =	shalt  }
0x6f: {  	_ =	shalt  }
0x70: {  	_ =	shalt  }
0x71: {  	_ =	shalt  }
0x72: {  	_ =	shalt  }
0x73: {  	_ =	shalt  }
0x74: {  	_ =	shalt  }
0x75: {  	_ =	shalt  }
0x76: {  	_ =	shalt  }
0x77: {  	_ =	shalt  }
0x78: {  	_ =	shalt  }
0x79: {  	_ =	shalt  }
0x7a: {  	_ =	shalt  }
0x7b: {  	_ =	shalt  }
0x7c: {  	_ =	shalt  }
0x7d: {  	_ =	shalt  }
0x7e: {  	_ =	shalt  }
0x7f: {  	_ =	shalt  }
0x80: {  	_ =	shalt  }
0x81: {  	_ =	shalt  }
0x82: {  	_ =	shalt  }
0x83: {  	_ =	shalt  }
0x84: {  	_ =	shalt  }
0x85: {  	_ =	shalt  }
0x86: {  	_ =	shalt  }
0x87: {  	_ =	shalt  }
.Lfunc_end0:
.L_simem_size_0:
called_computation_lowered:
.L_overlay_start_0:
0x88: {  	s0 =	sld [smem:$0x3FD9]  }
0x89: {  	s1 =	sld [smem:$0x3FFE];
	_ =	sdelay $0x3  }
0x8a: {  	s0 =	sadd.s32 s1, s0  }
0x8b: {  	[smem:$0x3FC4] =	sst s0  }
0x8c: {  	_ = 	snop  }
0x8d: {  	s0 =	sld [smem:$0x3FD0];
	(tm) =	ssettm $0x1  }
0x8e: {  	s16 =	sld [smem:$0x3FFB];
	_ =	sdelay $0x3  }
0x8f: {  	_ =	strace s16  }
0x90: {  	s1 =	sld [smem:$0x3FFC];
	_ =	sdelay $0x3  }
0x91: {  	_ =	strace s1  }
0x92: {  	s1 =	sld [smem:$0x3FFD];
	_ =	sdelay $0x3  }
0x93: {  	_ =	strace s1  }
0x94: {  	_ =	strace $0x8FFFFFFF  }
0x95: {  	s17 =	sld [smem:$0x3FDB];
	_ =	sdelay $0x1  }
0x96: {  	s2 =	simm.s32 $_scs_section_size  }
0x97: {  	s3 =	simm.s32 $_size__tile_overlayer_lowered;
	s4 =	simm.s32 $_tile_overlayer_lowered  }
0x98: {  	s20 =	simm.s32 $0x1BFF;
	s19 =	sshll.u32 s4, $0x1;
	s1 =	sadd.s32 s2, s17  }
0x99: {  	s5 =	simm.s32 $0x0;
	s18 =	sshll.u32 s3, $0x1;
	s3 =	sadd.s32 s19, s1  }
0x9a: {  	[timem:s5], [sflag:s20] =	dma.local [hbm:s3], s18  }
0x9b: {  	_ =	swait.ge [sflag:s20], s18  }
0x9c: {  	s2 =	ssub.s32 $0x0, s18;
	[sflag:s20] =	ssyncset.done $0x0  }
0x9d: {  	[sflag:s20] =	ssyncadd.s32 s2;
	_ =	sdelay $0x1  }
0x9e: {  	s21 =	simm.s32 $0x1B8B  }
0x9f: {  	_ =	swait.ge [sflag:s21], $0x1  }
0xa0: {  	[sflag:s21] =	ssyncset.done $0x0  }
0xa1: {  	s23 =	simm.s32 $0x1B8E;
	s22 =	sld [smem:$0x3FFE];
	[sflag:s21] =	ssyncadd.s32 $0xFFFFFFFF  }
0xa2: {  	s24 =	simm.s32 $execute0_lowered;
	[smem:$0x3FD2] =	sst s23  }
0xa3: {  	s3 =	sshll.u32 s24, $0x1;
	_ =	strace $0x80000046;
	[dreg:$0x1] =	wrdreg $0xFFFFFFFF  }
0xa4: {  	s25 =	simm.s32 $_size_execute0_lowered;
	s1 =	sadd.s32 s1, s3;
	[dreg:$0x0] =	wrdreg $0x0  }
0xa5: {  	s3 =	sshll.u32 s25, $0x1;
	[dreg:$0x2] =	wrdreg s1  }
0xa6: {  	[dreg:$0x3] =	wrdreg s3  }
0xa7: {  	[dreg:$0x4] =	wrdreg $0xC0  }
0xa8: {  	_ =	task [dreg:s5], $0x5FFFF  }
0xa9: {  	[dreg:$0x1] =	wrdreg $0xFFFFFFFF  }
0xaa: {  	[dreg:$0x0] =	wrdreg $0x60  }
0xab: {  	[dreg:$0x2] =	wrdreg s22  }
0xac: {  	[dreg:$0x3] =	wrdreg s0  }
0xad: {  	[dreg:$0x4] =	wrdreg $0x17000  }
0xae: {  	[dreg:$0x5] =	wrdreg $0x9  }
0xaf: {  	_ =	task.clear_ibuf [dreg:s5], $0x6FFFF;
	_ =	strace $0x90000046  }
0xb0: {  	s26 =	simm.s32 $0x9;
	_ =	strace $0x80000048  }
0xb1: {  	_ =	swait.ge [sflag:s26], $0x1  }
0xb2: {  	[sflag:s26] =	ssyncadd.s32 $0xFFFFFFFF  }
0xb3: {  	_ =	strace $0x90000048  }
0xb4: {  	_ =	sfence  }
0xb5: {  	s28 =	sld [smem:$0x0];
	_ =	sdelay $0x1  }
0xb6: {  	s29 =	srdreg.scid  }
0xb7: {  	s30 =	sshll.u32 s29, $0xD;
	s31 =	sshrl.u32 s29, $0x2  }
0xb8: {  	s2 =	sand.u32 $0x4000, s30;
	s1 =	sand.u32 $0x1, s29;
	s0 =	sadd.s32 s31, s28  }
0xb9: {  	s1 =	sor.u32 s2, s1;
	s0 =	sshll.u32 s0, $0x11  }
0xba: {  	s0 =	sor.u32 s0, s1  }
0xbb: {  	s0 =	sadd.s32 $0x8F2B, s0  }
0xbc: {  	[sflag:s0] =	ssyncadd.remote.s32 $0x1  }
0xbd: {  	_ =	sfence.sel $0xFFFF  }
0xbe: {  	[dreg:$0x0] =	wrdreg $0xFFFFFFFF;
	(pc) =	sbr.abs _section_cstart, $3  }
0xbf: {  	[dreg:$0x1] =	wrdreg $0xFFFFFFFF  }
0xc0: {  	_ =	task.clear_ibuf [dreg:s5], $0x2FFFF;
	_ =	strace $0x9FFFFFFF  }
0xc1: {  	(tm) =	ssettm $0x7FFFFFFF  }
tec
execute0_lowered:
.L_overlay_start_1:
0x0: {  	(tag) =	ssettag $0x1  }
0x1: {  	s5 =	rddreg [dreg:$0x0]  }
0x2: {  	s1 =	rddreg [dreg:$0x1]  }
0x3: {  	s3 =	rddreg [dreg:$0x2]  }
0x4: {  	s2 =	stileid.u32;
	s0 =	rddreg [dreg:$0x3];
	s4 =	simm.s32 $0x0  }
0x5: {  	s29 =	simm.s32 $0xD0;
	s17 =	simm.s32 $0x1A0;
	s19 =	simm.s32 $0x270  }
0x6: {  	s22 =	simm.s32 $0x340;
	s6 =	sshll.u32 s2, $0x3;
	s7 =	smul.u32 $0xC8, s2  }
0x7: {  	[smem:$0x7FF] =	sst s4;
	s14 =	sadd.s32 $0x800, s5;
	s15 =	smul.u32 $0x14, s2  }
0x8: {  	s24 =	sshllo.u32 s2, $0x3;
	s13 =	sor.u32 $0x1, s6;
	s12 =	sor.u32 $0x2, s6  }
0x9: {  	_ =	strace $0x80000047;
	s8 =	smul.u32 $0x19, s13;
	s7 =	sadd.s32 s14, s7  }
0xa: {  	[tilespmem:s4], [sflag:$0x1] =	stream.linear.gather [hbm4b:s7+s4], $0xC8, $0x38;
	[tilespmem:$0x1A20] =	vst v63  }
0xb: {  	s11 =	sor.u32 $0x3, s6;
	s9 =	smul.u32 $0x19, s12;
	s8 =	sadd.s32 s14, s8  }
0xc: {  	[tilespmem:s29], [sflag:$0x1] =	stream.linear.gather [hbm4b:s8+s4], $0xC8, $0x38;
	[tilespmem:$0x1A20] =	vst v63  }
0xd: {  	s10 =	sor.u32 $0x4, s6;
	s26 =	smul.u32 $0x19, s11;
	s16 =	sadd.s32 s14, s9  }
0xe: {  	[tilespmem:s17], [sflag:$0x1] =	stream.linear.gather [hbm4b:s16+s4], $0xC8, $0x38;
	[tilespmem:$0x1A20] =	vst v63  }
0xf: {  	s30 =	smul.u32 $0x19, s10;
	s28 =	sadd.s32 s14, s26;
	s9 =	sor.u32 $0x5, s6  }
0x10: {  	[tilespmem:s19], [sflag:$0x1] =	stream.linear.gather [hbm4b:s28+s4], $0xC8, $0x38;
	[tilespmem:$0x1A20] =	vst v63  }
0x11: {  	s21 =	sor.u32 $0x6, s6;
	s31 =	sadd.s32 s14, s30;
	s18 =	smul.u32 $0x19, s9  }
0x12: {  	[tilespmem:s22], [sflag:$0x1] =	stream.linear.gather [hbm4b:s31+s4], $0xC8, $0x38;
	[tilespmem:$0x1A20] =	vst v63  }
0x13: {  	s23 =	smul.u32 $0x19, s21;
	s20 =	sadd.s32 s14, s18;
	s18 =	simm.s32 $0x410  }
0x14: {  	[tilespmem:s18], [sflag:$0x1] =	stream.linear.gather [hbm4b:s20+s4], $0xC8, $0x38;
	[tilespmem:$0x1A20] =	vst v63  }
0x15: {  	s25 =	smul.u32 $0x19, s24;
	s26 =	simm.s32 $0x4E0;
	s16 =	sadd.s32 s14, s23  }
0x16: {  	[tilespmem:s26], [sflag:$0x1] =	stream.linear.gather [hbm4b:s16+s4], $0xC8, $0x38;
	[tilespmem:$0x1A20] =	vst v63  }
0x17: {  	s15 =	sadd.s32 s15, s5;
	s14 =	sadd.s32 s14, s25;
	s28 =	simm.s32 $0x5B0  }
0x18: {  	[tilespmem:s28], [sflag:$0x1] =	stream.linear.gather [hbm4b:s14+s4], $0xC8, $0x38;
	[tilespmem:$0x1A20] =	vst v63  }
0x19: {  	s30 =	simm.s32 $0x1380;
	s29 =	sadd.s32 $0x1600, s15  }
0x1a: {  	[tilespmem:s30], [sflag:$0x1] =	stream.linear.gather [hbm4b:s29+s4], $0xA0, $0x38;
	[tilespmem:$0x1A20] =	vst v63  }
0x1b: {  	s4 =	simm.s32 $0x1  }
0x1c: {  	_ =	swait.ge [sflag:s4], $0xC8  }
0x1d: {  	[sflag:s4] =	ssyncset.done $0x0  }
0x1e: {  	[sflag:s4] =	ssyncadd.s32 $0xFFFFFF38  }
0x1f: {  	_ =	swait.ge [sflag:s4], $0xC8  }
0x20: {  	[sflag:s4] =	ssyncset.done $0x0  }
0x21: {  	[sflag:s4] =	ssyncadd.s32 $0xFFFFFF38  }
0x22: {  	_ =	swait.ge [sflag:s4], $0xC8  }
0x23: {  	[sflag:s4] =	ssyncset.done $0x0  }
0x24: {  	[sflag:s4] =	ssyncadd.s32 $0xFFFFFF38  }
0x25: {  	_ =	swait.ge [sflag:s4], $0xC8  }
0x26: {  	[sflag:s4] =	ssyncset.done $0x0  }
0x27: {  	[sflag:s4] =	ssyncadd.s32 $0xFFFFFF38  }
0x28: {  	_ =	swait.ge [sflag:s4], $0xC8  }
0x29: {  	[sflag:s4] =	ssyncset.done $0x0  }
0x2a: {  	[sflag:s4] =	ssyncadd.s32 $0xFFFFFF38  }
0x2b: {  	_ =	swait.ge [sflag:s4], $0xC8  }
0x2c: {  	[sflag:s4] =	ssyncset.done $0x0  }
0x2d: {  	[sflag:s4] =	ssyncadd.s32 $0xFFFFFF38  }
0x2e: {  	_ =	swait.ge [sflag:s4], $0xC8  }
0x2f: {  	[sflag:s4] =	ssyncset.done $0x0  }
0x30: {  	[sflag:s4] =	ssyncadd.s32 $0xFFFFFF38  }
0x31: {  	_ =	swait.ge [sflag:s4], $0xC8  }
0x32: {  	[sflag:s4] =	ssyncset.done $0x0  }
0x33: {  	[sflag:s4] =	ssyncadd.s32 $0xFFFFFF38  }
0x34: {  	_ =	swait.ge [sflag:s4], $0xA0  }
0x35: {  	[sflag:s4] =	ssyncset.done $0x0  }
0x36: {  	[sflag:s4] =	ssyncadd.s32 $0xFFFFFF60  }
0x37: {  	v0 =	vld [tilespmem:$0x0]  }
0x38: {  	v1 =	vld [tilespmem:$0x10]  }
0x39: {  	v2 =	vld [tilespmem:$0x20]  }
0x3a: {  	s31 =	smul.u32 $0xC3500, s2;
	v3 =	vld [tilespmem:$0x30]  }
0x3b: {  	v4 =	vld [tilespmem:$0x40]  }
0x3c: {  	v5 =	vld [tilespmem:$0x50];
	v0 =	vadd.s32 s31, v0  }
0x3d: {  	v21 =	vld [tilespmem:$0x60];
	v20 =	vadd.s32 s31, v1;
	[tilespmem:$0x680] =	vst v0  }
0x3e: {  	v23 =	vld [tilespmem:$0x70];
	v22 =	vadd.s32 s31, v2;
	[tilespmem:$0x690] =	vst v20  }
0x3f: {  	v25 =	vld [tilespmem:$0x80];
	v24 =	vadd.s32 s31, v3;
	[tilespmem:$0x6A0] =	vst v22  }
0x40: {  	v27 =	vld [tilespmem:$0x90];
	v26 =	vadd.s32 s31, v4;
	[tilespmem:$0x6B0] =	vst v24  }
0x41: {  	v29 =	vld [tilespmem:$0xA0];
	v28 =	vadd.s32 s31, v5;
	[tilespmem:$0x6C0] =	vst v26  }
0x42: {  	v31 =	vld [tilespmem:$0xB0];
	v30 =	vadd.s32 s31, v21;
	[tilespmem:$0x6D0] =	vst v28  }
0x43: {  	v32 =	vadd.s32 s31, v23;
	[tilespmem:$0x6E0] =	vst v30  }
0x44: {  	v33 =	vadd.s32 s31, v25;
	[tilespmem:$0x6F0] =	vst v32  }
0x45: {  	v34 =	vadd.s32 s31, v27;
	[tilespmem:$0x700] =	vst v33  }
0x46: {  	v35 =	vadd.s32 s31, v29;
	[tilespmem:$0x710] =	vst v34  }
0x47: {  	v36 =	vadd.s32 s31, v31;
	[tilespmem:$0x720] =	vst v35  }
0x48: {  	[tilespmem:$0x730] =	vst v36  }
0x49: {  	v0 =	vld [tilespmem:$0xC0]  }
0x4a: {  	v37 =	vld [tilespmem:$0xD0]  }
0x4b: {  	v38 =	vld [tilespmem:$0xE0]  }
0x4c: {  	v39 =	vld [tilespmem:$0xF0]  }
0x4d: {  	s13 =	smul.u32 $0x186A0, s13;
	v40 =	vld [tilespmem:$0x100]  }
0x4e: {  	v41 =	vld [tilespmem:$0x110]  }
0x4f: {  	v6 =	vld [tilespmem:$0x120];
	v42 =	vadd.s32 s13, v37  }
0x50: {  	v7 =	vld [tilespmem:$0x130];
	v44 =	vadd.s32 s13, v38;
	[tilespmem:$0x750] =	vst v42  }
0x51: {  	v8 =	vld [tilespmem:$0x140];
	v46 =	vadd.s32 s13, v39;
	[tilespmem:$0x760] =	vst v44  }
0x52: {  	v43 =	vld [tilespmem:$0x150];
	v48 =	vadd.s32 s13, v40;
	[tilespmem:$0x770] =	vst v46  }
0x53: {  	v45 =	vld [tilespmem:$0x160];
	v50 =	vadd.s32 s13, v41;
	[tilespmem:$0x780] =	vst v48  }
0x54: {  	v47 =	vld [tilespmem:$0x170];
	v52 =	vadd.s32 s13, v6;
	[tilespmem:$0x790] =	vst v50  }
0x55: {  	v49 =	vld [tilespmem:$0x180];
	v54 =	vadd.s32 s13, v7;
	[tilespmem:$0x7A0] =	vst v52  }
0x56: {  	v53 =	vld [tilespmem:$0x1A0];
	v56 =	vadd.s32 s13, v8;
	[tilespmem:$0x7B0] =	vst v54  }
0x57: {  	v55 =	vld [tilespmem:$0x1B0];
	v58 =	vadd.s32 s13, v43;
	[tilespmem:$0x7C0] =	vst v56  }
0x58: {  	v57 =	vld [tilespmem:$0x1C0];
	v60 =	vadd.s32 s13, v45;
	[tilespmem:$0x7D0] =	vst v58  }
0x59: {  	s12 =	smul.u32 $0x186A0, s12;
	v59 =	vld [tilespmem:$0x1D0];
	v62 =	vadd.s32 s13, v47;
	[tilespmem:$0x7E0] =	vst v60  }
0x5a: {  	v61 =	vld [tilespmem:$0x1E0];
	v12 =	vadd.s32 s13, v49;
	[tilespmem:$0x7F0] =	vst v62  }
0x5b: {  	v63 =	vld [tilespmem:$0x1F0];
	v17 =	vadd.s32 s12, v53;
	[tilespmem:$0x800] =	vst v12  }
0x5c: {  	v14 =	vld [tilespmem:$0x200];
	v19 =	vadd.s32 s12, v55;
	[tilespmem:$0x820] =	vst v17  }
0x5d: {  	v16 =	vld [tilespmem:$0x210];
	v21 =	vadd.s32 s12, v57;
	[tilespmem:$0x830] =	vst v19  }
0x5e: {  	v18 =	vld [tilespmem:$0x220];
	v23 =	vadd.s32 s12, v59;
	[tilespmem:$0x840] =	vst v21  }
0x5f: {  	v20 =	vld [tilespmem:$0x230];
	v25 =	vadd.s32 s12, v61;
	[tilespmem:$0x850] =	vst v23  }
0x60: {  	v22 =	vld [tilespmem:$0x240];
	v27 =	vadd.s32 s12, v63;
	[tilespmem:$0x860] =	vst v25  }
0x61: {  	v24 =	vld [tilespmem:$0x250];
	v29 =	vadd.s32 s12, v14;
	[tilespmem:$0x870] =	vst v27  }
0x62: {  	v51 =	vld [tilespmem:$0x190];
	v31 =	vadd.s32 s12, v16;
	[tilespmem:$0x880] =	vst v29  }
0x63: {  	v26 =	vld [tilespmem:$0x260];
	v33 =	vadd.s32 s12, v18;
	[tilespmem:$0x890] =	vst v31  }
0x64: {  	v28 =	vld [tilespmem:$0x270];
	v35 =	vadd.s32 s12, v20;
	[tilespmem:$0x8A0] =	vst v33  }
0x65: {  	v30 =	vld [tilespmem:$0x280];
	v37 =	vadd.s32 s12, v22;
	[tilespmem:$0x8B0] =	vst v35  }
0x66: {  	vm0 =	vmmov $0xff;
	v32 =	vld [tilespmem:$0x290];
	v0 =	vadd.s32 s31, v0;
	v39 =	vadd.s32 s12, v24;
	[tilespmem:$0x8C0] =	vst v37  }
0x67: {  	v34 =	vld [tilespmem:$0x2A0];
	v13 =	vadd.s32 s13, v51;
	v0 =	vnsel vm0, $0x0, v0;
	[tilespmem:$0x8D0] =	vst v39  }
0x68: {  	s11 =	smul.u32 $0x186A0, s11;
	v36 =	vld [tilespmem:$0x2B0];
	v40 =	vadd.s32 s12, v26;
	v15 =	vnsel vm0, $0x0, v13;
	[tilespmem:$0x740] =	vst v0  }
0x69: {  	v38 =	vld [tilespmem:$0x2C0];
	v42 =	vnsel vm0, $0x0, v40;
	[tilespmem:$0x810] =	vst v15  }
0x6a: {  	v41 =	vld [tilespmem:$0x2D0];
	v44 =	vadd.s32 s11, v28;
	[tilespmem:$0x8E0] =	vst v42  }
0x6b: {  	v43 =	vld [tilespmem:$0x2E0];
	v46 =	vadd.s32 s11, v30;
	[tilespmem:$0x8F0] =	vst v44  }
0x6c: {  	v45 =	vld [tilespmem:$0x2F0];
	v48 =	vadd.s32 s11, v32;
	[tilespmem:$0x900] =	vst v46  }
0x6d: {  	v47 =	vld [tilespmem:$0x300];
	v50 =	vadd.s32 s11, v34;
	[tilespmem:$0x910] =	vst v48  }
0x6e: {  	v49 =	vld [tilespmem:$0x310];
	v52 =	vadd.s32 s11, v36;
	[tilespmem:$0x920] =	vst v50  }
0x6f: {  	v51 =	vld [tilespmem:$0x320];
	[tilespmem:$0x930] =	vst v52;
	v54 =	vadd.s32 s11, v38  }
0x70: {  	v53 =	vld [tilespmem:$0x330];
	v56 =	vadd.s32 s11, v41;
	[tilespmem:$0x940] =	vst v54  }
0x71: {  	v55 =	vld [tilespmem:$0x340];
	v58 =	vadd.s32 s11, v43;
	[tilespmem:$0x950] =	vst v56  }
0x72: {  	v57 =	vld [tilespmem:$0x350];
	v60 =	vadd.s32 s11, v45;
	[tilespmem:$0x960] =	vst v58  }
0x73: {  	v59 =	vld [tilespmem:$0x360];
	v62 =	vadd.s32 s11, v47;
	[tilespmem:$0x970] =	vst v60  }
0x74: {  	s10 =	smul.u32 $0x186A0, s10;
	v61 =	vld [tilespmem:$0x370];
	v12 =	vadd.s32 s11, v49;
	[tilespmem:$0x980] =	vst v62  }
0x75: {  	v63 =	vld [tilespmem:$0x380];
	v14 =	vadd.s32 s11, v51;
	[tilespmem:$0x990] =	vst v12  }
0x76: {  	v16 =	vld [tilespmem:$0x3A0];
	v19 =	vadd.s32 s10, v55;
	[tilespmem:$0x9A0] =	vst v14  }
0x77: {  	v18 =	vld [tilespmem:$0x3B0];
	v21 =	vadd.s32 s10, v57;
	[tilespmem:$0x9C0] =	vst v19  }
0x78: {  	v20 =	vld [tilespmem:$0x3C0];
	v23 =	vadd.s32 s10, v59;
	[tilespmem:$0x9D0] =	vst v21  }
0x79: {  	v22 =	vld [tilespmem:$0x3D0];
	v25 =	vadd.s32 s10, v61;
	[tilespmem:$0x9E0] =	vst v23  }
0x7a: {  	v24 =	vld [tilespmem:$0x3E0];
	v27 =	vadd.s32 s10, v63;
	[tilespmem:$0x9F0] =	vst v25  }
0x7b: {  	v26 =	vld [tilespmem:$0x3F0];
	v31 =	vadd.s32 s10, v16;
	[tilespmem:$0xA00] =	vst v27  }
0x7c: {  	v13 =	vld [tilespmem:$0x390];
	v33 =	vadd.s32 s10, v18;
	[tilespmem:$0xA20] =	vst v31  }
0x7d: {  	v28 =	vld [tilespmem:$0x400];
	v35 =	vadd.s32 s10, v20;
	[tilespmem:$0xA30] =	vst v33  }
0x7e: {  	v30 =	vld [tilespmem:$0x410];
	v37 =	vadd.s32 s10, v22;
	[tilespmem:$0xA40] =	vst v35  }
0x7f: {  	v32 =	vld [tilespmem:$0x420];
	v39 =	vadd.s32 s10, v24;
	[tilespmem:$0xA50] =	vst v37  }
0x80: {  	v34 =	vld [tilespmem:$0x430];
	v15 =	vadd.s32 s11, v53;
	v41 =	vadd.s32 s10, v26;
	[tilespmem:$0xA60] =	vst v39  }
0x81: {  	s9 =	smul.u32 $0x186A0, s9;
	v36 =	vld [tilespmem:$0x440];
	v17 =	vnsel vm0, $0x0, v15;
	[tilespmem:$0xA70] =	vst v41  }
0x82: {  	v40 =	vld [tilespmem:$0x460];
	v29 =	vadd.s32 s10, v13;
	[tilespmem:$0x9B0] =	vst v17  }
0x83: {  	v38 =	vld [tilespmem:$0x450];
	v46 =	vadd.s32 s9, v30;
	[tilespmem:$0xA10] =	vst v29  }
0x84: {  	v43 =	vld [tilespmem:$0x470];
	v48 =	vadd.s32 s9, v32;
	[tilespmem:$0xA90] =	vst v46  }
0x85: {  	v45 =	vld [tilespmem:$0x480];
	v50 =	vadd.s32 s9, v34;
	[tilespmem:$0xAA0] =	vst v48  }
0x86: {  	v47 =	vld [tilespmem:$0x490];
	v52 =	vadd.s32 s9, v36;
	[tilespmem:$0xAB0] =	vst v50  }
0x87: {  	v49 =	vld [tilespmem:$0x4A0];
	v42 =	vadd.s32 s10, v28;
	v56 =	vadd.s32 s9, v40;
	[tilespmem:$0xAC0] =	vst v52  }
0x88: {  	v51 =	vld [tilespmem:$0x4B0];
	v44 =	vnsel vm0, $0x0, v42;
	[tilespmem:$0xAE0] =	vst v56  }
0x89: {  	v53 =	vld [tilespmem:$0x4C0];
	[tilespmem:$0xA80] =	vst v44;
	v54 =	vadd.s32 s9, v38  }
0x8a: {  	v55 =	vld [tilespmem:$0x4D0];
	v58 =	vadd.s32 s9, v43;
	[tilespmem:$0xAD0] =	vst v54  }
0x8b: {  	v57 =	vld [tilespmem:$0x4E0];
	v60 =	vadd.s32 s9, v45;
	[tilespmem:$0xAF0] =	vst v58  }
0x8c: {  	v59 =	vld [tilespmem:$0x4F0];
	v62 =	vadd.s32 s9, v47;
	[tilespmem:$0xB00] =	vst v60  }
0x8d: {  	v61 =	vld [tilespmem:$0x500];
	v12 =	vadd.s32 s9, v49;
	[tilespmem:$0xB10] =	vst v62  }
0x8e: {  	s8 =	smul.u32 $0x186A0, s21;
	v63 =	vld [tilespmem:$0x510];
	v14 =	vadd.s32 s9, v51;
	[tilespmem:$0xB20] =	vst v12  }
0x8f: {  	v13 =	vld [tilespmem:$0x520];
	v16 =	vadd.s32 s9, v53;
	[tilespmem:$0xB30] =	vst v14  }
0x90: {  	v15 =	vld [tilespmem:$0x530];
	v20 =	vadd.s32 s8, v57;
	[tilespmem:$0xB40] =	vst v16  }
0x91: {  	v19 =	vld [tilespmem:$0x550];
	v22 =	vadd.s32 s8, v59;
	[tilespmem:$0xB60] =	vst v20  }
0x92: {  	v21 =	vld [tilespmem:$0x560];
	v24 =	vadd.s32 s8, v61;
	[tilespmem:$0xB70] =	vst v22  }
0x93: {  	v23 =	vld [tilespmem:$0x570];
	v2 =	vadd.s32 s9, v55;
	v26 =	vadd.s32 s8, v63;
	[tilespmem:$0xB80] =	vst v24  }
0x94: {  	v25 =	vld [tilespmem:$0x580];
	v18 =	vnsel vm0, $0x0, v2;
	[tilespmem:$0xB90] =	vst v26  }
0x95: {  	v27 =	vld [tilespmem:$0x590];
	v28 =	vadd.s32 s8, v13;
	[tilespmem:$0xB50] =	vst v18  }
0x96: {  	v31 =	vld [tilespmem:$0x5B0];
	v30 =	vadd.s32 s8, v15;
	[tilespmem:$0xBA0] =	vst v28  }
0x97: {  	v33 =	vld [tilespmem:$0x5C0];
	v34 =	vadd.s32 s8, v19;
	[tilespmem:$0xBB0] =	vst v30  }
0x98: {  	v35 =	vld [tilespmem:$0x5D0];
	v36 =	vadd.s32 s8, v21;
	[tilespmem:$0xBD0] =	vst v34  }
0x99: {  	v37 =	vld [tilespmem:$0x5E0];
	v38 =	vadd.s32 s8, v23;
	[tilespmem:$0xBE0] =	vst v36  }
0x9a: {  	s7 =	smul.u32 $0x186A0, s24;
	v39 =	vld [tilespmem:$0x5F0];
	v40 =	vadd.s32 s8, v25;
	[tilespmem:$0xBF0] =	vst v38  }
0x9b: {  	v41 =	vld [tilespmem:$0x600];
	v42 =	vadd.s32 s8, v27;
	[tilespmem:$0xC00] =	vst v40  }
0x9c: {  	v17 =	vld [tilespmem:$0x540];
	v47 =	vadd.s32 s7, v31;
	[tilespmem:$0xC10] =	vst v42  }
0x9d: {  	v29 =	vld [tilespmem:$0x5A0];
	v49 =	vadd.s32 s7, v33;
	[tilespmem:$0xC30] =	vst v47  }
0x9e: {  	v46 =	vld [tilespmem:$0x620];
	v51 =	vadd.s32 s7, v35;
	[tilespmem:$0xC40] =	vst v49  }
0x9f: {  	v48 =	vld [tilespmem:$0x630];
	v53 =	vadd.s32 s7, v37;
	[tilespmem:$0xC50] =	vst v51  }
0xa0: {  	v50 =	vld [tilespmem:$0x640];
	v55 =	vadd.s32 s7, v39;
	[tilespmem:$0xC60] =	vst v53  }
0xa1: {  	v52 =	vld [tilespmem:$0x650];
	v57 =	vadd.s32 s7, v41;
	[tilespmem:$0xC70] =	vst v55  }
0xa2: {  	v56 =	vld [tilespmem:$0x660];
	v32 =	vadd.s32 s8, v17;
	[tilespmem:$0xC80] =	vst v57  }
0xa3: {  	v10 =	vld [tilespmem:$0x13C0];
	v61 =	vadd.s32 s7, v46;
	[tilespmem:$0xBC0] =	vst v32  }
0xa4: {  	v9 =	vmov s6;
	v44 =	vld [tilespmem:$0x610];
	v63 =	vadd.s32 s7, v48;
	[tilespmem:$0xCA0] =	vst v61  }
0xa5: {  	v9 =	vmul.u32 $0x186A0, v9;
	v59 =	vld [tilespmem:$0x1380];
	v12 =	vadd.s32 s7, v50;
	[tilespmem:$0xCB0] =	vst v63  }
0xa6: {  	vm1 =	vcmask $0xF00;
	vm2 =	vcmask $0x2F00;
	v54 =	vld [tilespmem:$0x670];
	v2 =	vadd.s32 s7, v52;
	[tilespmem:$0xCC0] =	vst v12  }
0xa7: {  	v60 =	vbroadcast v9, $0x0;
	v62 =	vld [tilespmem:$0x1390];
	v43 =	vadd.s32 s8, v29;
	v5 =	vadd.s32 s7, v56;
	[tilespmem:$0xCD0] =	vst v2  }
0xa8: {  	v0 =	vlaneseq.u32;
	v13 =	vld [tilespmem:$0x13A0];
	v15 =	vimm.s32 $0xC4D6A0;
	v45 =	vnsel vm0, $0x0, v43;
	[tilespmem:$0xCE0] =	vst v5  }
0xa9: {  	v14 =	vld [tilespmem:$0x13B0];
	v22 =	vimm.s32 $0xC7E3E0;
	v58 =	vadd.s32 s7, v44;
	v28 =	vadd.s32 v10, v60;
	[tilespmem:$0xC20] =	vst v45  }
0xaa: {  	v33 =	vld [tilespmem:$0x1410];
	v18 =	vshrl.u32 v0, $0x3;
	[tilespmem:$0xC90] =	vst v58;
	v31 =	vadd.s32 $0xC7E3E0, v28;
	v16 =	vadd.s32 v59, v60  }
0xab: {  	v11 =	vld [tilespmem:$0x13D0];
	v19 =	vmul.u32 $0x186A0, v18;
	[tilespmem:$0x14C0] =	vst v31;
	v1 =	vadd.s32 s7, v54;
	v2 =	vadd.s32 $0xC35000, v16  }
0xac: {  	v20 =	vld [tilespmem:$0x13E0];
	v17 =	vsel vm1, $0xC35000, v15;
	v4 =	vadd.s32 v62, v60;
	v1 =	vnsel vm0, $0x0, v1;
	[tilespmem:$0x1480] =	vst v2  }
0xad: {  	v29 =	vld [tilespmem:$0x1400];
	v24 =	vadd.s32 $0xC4D6A0, v19;
	v23 =	vadd.s32 v13, v60;
	v21 =	vadd.s32 v17, v4;
	[tilespmem:$0xCF0] =	vst v1  }
0xae: {  	v25 =	vld [tilespmem:$0x13F0];
	v3 =	vsel vm2, $0xC65D40, v22;
	v27 =	vadd.s32 v14, v60;
	v26 =	vadd.s32 v24, v23;
	[tilespmem:$0x1490] =	vst v21  }
0xaf: {  	v38 =	vimm.s32 $0xCDFE60;
	v42 =	vadd.s32 v33, v60;
	v30 =	vadd.s32 v3, v27;
	[tilespmem:$0x14A0] =	vst v26  }
0xb0: {  	v32 =	vimm.s32 $0xCAF120;
	v34 =	vadd.s32 v11, v60;
	v43 =	vadd.s32 $0xCDFE60, v42;
	[tilespmem:$0x14B0] =	vst v30  }
0xb1: {  	v6 =	vadd.s32 v20, v60;
	v3 =	vsel vm1, $0xC96A80, v32;
	v1 =	vadd.s32 $0xC96A80, v34;
	[tilespmem:$0x1510] =	vst v43  }
0xb2: {  	v39 =	vsel vm2, $0xCC77C0, v38;
	v40 =	vadd.s32 v29, v60;
	v35 =	vadd.s32 v3, v6;
	[tilespmem:$0x14D0] =	vst v1  }
0xb3: {  	v37 =	vadd.s32 $0xCAF120, v19;
	v36 =	vadd.s32 v25, v60;
	v41 =	vadd.s32 v39, v40;
	[tilespmem:$0x14E0] =	vst v35  }
0xb4: {  	s5 =	sadd.s32 $0x494C00, s5;
	v1 =	vadd.s32 v37, v36;
	[tilespmem:$0x1500] =	vst v41  }
0xb5: {  	s6 =	simm.s32 $0x80;
	s12 =	simm.s32 $0xD00;
	s11 =	simm.s32 $0x680;
	[tilespmem:$0x14F0] =	vst v1  }
0xb6: {  	[tilespmem:s12], [sflag:$0x1] =	stream.indirect.gather [hbm4b:s5+s6], $0x1, s11, s6, $0xb8;
	[tilespmem:$0x1A20] =	vst v63  }
0xb7: {  	s14 =	simm.s32 $0xD80;
	s13 =	simm.s32 $0x700;
	s7 =	simm.s32 $0x50  }
0xb8: {  	[tilespmem:s14], [sflag:$0x1] =	stream.indirect.gather [hbm4b:s5+s7], $0x1, s13, s7, $0xb8;
	[tilespmem:$0x1A20] =	vst v63  }
0xb9: {  	s15 =	simm.s32 $0x750;
	s16 =	simm.s32 $0xDD0  }
0xba: {  	[tilespmem:s16], [sflag:$0x1] =	stream.indirect.gather [hbm4b:s5+s6], $0x1, s15, s6, $0xb8;
	[tilespmem:$0x1A20] =	vst v63  }
0xbb: {  	s17 =	simm.s32 $0x7D0;
	s18 =	simm.s32 $0xE50  }
0xbc: {  	[tilespmem:s18], [sflag:$0x1] =	stream.indirect.gather [hbm4b:s5+s7], $0x1, s17, s7, $0xb8;
	[tilespmem:$0x1A20] =	vst v63  }
0xbd: {  	s19 =	simm.s32 $0x820;
	s20 =	simm.s32 $0xEA0  }
0xbe: {  	[tilespmem:s20], [sflag:$0x1] =	stream.indirect.gather [hbm4b:s5+s6], $0x1, s19, s6, $0xb8;
	[tilespmem:$0x1A20] =	vst v63  }
0xbf: {  	s21 =	simm.s32 $0x8A0;
	s22 =	simm.s32 $0xF20  }
0xc0: {  	[tilespmem:s22], [sflag:$0x1] =	stream.indirect.gather [hbm4b:s5+s7], $0x1, s21, s7, $0xb8;
	[tilespmem:$0x1A20] =	vst v63  }
0xc1: {  	s24 =	simm.s32 $0xF70;
	s23 =	simm.s32 $0x8F0  }
0xc2: {  	[tilespmem:s24], [sflag:$0x1] =	stream.indirect.gather [hbm4b:s5+s6], $0x1, s23, s6, $0xb8;
	[tilespmem:$0x1A20] =	vst v63  }
0xc3: {  	s25 =	simm.s32 $0x970;
	s26 =	simm.s32 $0xFF0  }
0xc4: {  	[tilespmem:s26], [sflag:$0x1] =	stream.indirect.gather [hbm4b:s5+s7], $0x1, s25, s7, $0xb8;
	[tilespmem:$0x1A20] =	vst v63  }
0xc5: {  	s28 =	simm.s32 $0x9C0;
	s29 =	simm.s32 $0x1040  }
0xc6: {  	[tilespmem:s29], [sflag:$0x1] =	stream.indirect.gather [hbm4b:s5+s6], $0x1, s28, s6, $0xb8;
	[tilespmem:$0x1A20] =	vst v63  }
0xc7: {  	s30 =	simm.s32 $0xA40;
	s31 =	simm.s32 $0x10C0  }
0xc8: {  	[tilespmem:s31], [sflag:$0x1] =	stream.indirect.gather [hbm4b:s5+s7], $0x1, s30, s7, $0xb8;
	[tilespmem:$0x1A20] =	vst v63  }
0xc9: {  	s10 =	simm.s32 $0x1110;
	s9 =	simm.s32 $0xA90  }
0xca: {  	[tilespmem:s10], [sflag:$0x1] =	stream.indirect.gather [hbm4b:s5+s6], $0x1, s9, s6, $0xb8;
	[tilespmem:$0x1A20] =	vst v63  }
0xcb: {  	s11 =	simm.s32 $0xB10;
	s12 =	simm.s32 $0x1190  }
0xcc: {  	[tilespmem:s12], [sflag:$0x1] =	stream.indirect.gather [hbm4b:s5+s7], $0x1, s11, s7, $0xb8;
	[tilespmem:$0x1A20] =	vst v63  }
0xcd: {  	s13 =	simm.s32 $0xB60;
	s14 =	simm.s32 $0x11E0  }
0xce: {  	[tilespmem:s14], [sflag:$0x1] =	stream.indirect.gather [hbm4b:s5+s6], $0x1, s13, s6, $0xb8;
	[tilespmem:$0x1A20] =	vst v63  }
0xcf: {  	s15 =	simm.s32 $0xBE0;
	s16 =	simm.s32 $0x1260  }
0xd0: {  	[tilespmem:s16], [sflag:$0x1] =	stream.indirect.gather [hbm4b:s5+s7], $0x1, s15, s7, $0xb8;
	[tilespmem:$0x1A20] =	vst v63  }
0xd1: {  	s17 =	simm.s32 $0xC30;
	s18 =	simm.s32 $0x12B0  }
0xd2: {  	[tilespmem:s18], [sflag:$0x1] =	stream.indirect.gather [hbm4b:s5+s6], $0x1, s17, s6, $0xb8;
	[tilespmem:$0x1A20] =	vst v63  }
0xd3: {  	s19 =	simm.s32 $0xCB0;
	s20 =	simm.s32 $0x1330  }
0xd4: {  	[tilespmem:s20], [sflag:$0x1] =	stream.indirect.gather [hbm4b:s5+s7], $0x1, s19, s7, $0xb8;
	[tilespmem:$0x1A20] =	vst v63  }
0xd5: {  	s21 =	simm.s32 $0x1480;
	s22 =	simm.s32 $0x1580  }
0xd6: {  	[tilespmem:s22], [sflag:$0x1] =	stream.indirect.gather [hbm4b:s5+s6], $0x1, s21, s6, $0xb8;
	[tilespmem:$0x1A20] =	vst v63  }
0xd7: {  	s23 =	simm.s32 $0x20;
	s24 =	simm.s32 $0x1500;
	s25 =	simm.s32 $0x1600  }
0xd8: {  	[tilespmem:s25], [sflag:$0x1] =	stream.indirect.gather [hbm4b:s5+s23], $0x1, s24, s23, $0xb8;
	[tilespmem:$0x1A20] =	vst v63  }
0xd9: {  	_ =	swait.ge [sflag:s4], $0x80  }
0xda: {  	[sflag:s4] =	ssyncset.done $0x0  }
0xdb: {  	[sflag:s4] =	ssyncadd.s32 $0xFFFFFF80  }
0xdc: {  	_ =	swait.ge [sflag:s4], $0x50  }
0xdd: {  	[sflag:s4] =	ssyncset.done $0x0  }
0xde: {  	[sflag:s4] =	ssyncadd.s32 $0xFFFFFFB0  }
0xdf: {  	_ =	swait.ge [sflag:s4], $0x80  }
0xe0: {  	[sflag:s4] =	ssyncset.done $0x0  }
0xe1: {  	[sflag:s4] =	ssyncadd.s32 $0xFFFFFF80  }
0xe2: {  	_ =	swait.ge [sflag:s4], $0x50  }
0xe3: {  	[sflag:s4] =	ssyncset.done $0x0  }
0xe4: {  	[sflag:s4] =	ssyncadd.s32 $0xFFFFFFB0  }
0xe5: {  	_ =	swait.ge [sflag:s4], $0x80  }
0xe6: {  	[sflag:s4] =	ssyncset.done $0x0  }
0xe7: {  	[sflag:s4] =	ssyncadd.s32 $0xFFFFFF80  }
0xe8: {  	_ =	swait.ge [sflag:s4], $0x50  }
0xe9: {  	[sflag:s4] =	ssyncset.done $0x0  }
0xea: {  	[sflag:s4] =	ssyncadd.s32 $0xFFFFFFB0  }
0xeb: {  	_ =	swait.ge [sflag:s4], $0x80  }
0xec: {  	[sflag:s4] =	ssyncset.done $0x0  }
0xed: {  	[sflag:s4] =	ssyncadd.s32 $0xFFFFFF80  }
0xee: {  	_ =	swait.ge [sflag:s4], $0x50  }
0xef: {  	[sflag:s4] =	ssyncset.done $0x0  }
0xf0: {  	[sflag:s4] =	ssyncadd.s32 $0xFFFFFFB0  }
0xf1: {  	_ =	swait.ge [sflag:s4], $0x80  }
0xf2: {  	[sflag:s4] =	ssyncset.done $0x0  }
0xf3: {  	[sflag:s4] =	ssyncadd.s32 $0xFFFFFF80  }
0xf4: {  	_ =	swait.ge [sflag:s4], $0x50  }
0xf5: {  	[sflag:s4] =	ssyncset.done $0x0  }
0xf6: {  	[sflag:s4] =	ssyncadd.s32 $0xFFFFFFB0  }
0xf7: {  	_ =	swait.ge [sflag:s4], $0x80  }
0xf8: {  	[sflag:s4] =	ssyncset.done $0x0  }
0xf9: {  	[sflag:s4] =	ssyncadd.s32 $0xFFFFFF80  }
0xfa: {  	_ =	swait.ge [sflag:s4], $0x50  }
0xfb: {  	[sflag:s4] =	ssyncset.done $0x0  }
0xfc: {  	[sflag:s4] =	ssyncadd.s32 $0xFFFFFFB0  }
0xfd: {  	_ =	swait.ge [sflag:s4], $0x80  }
0xfe: {  	[sflag:s4] =	ssyncset.done $0x0  }
0xff: {  	[sflag:s4] =	ssyncadd.s32 $0xFFFFFF80  }
0x100: {  	_ =	swait.ge [sflag:s4], $0x50  }
0x101: {  	[sflag:s4] =	ssyncset.done $0x0  }
0x102: {  	[sflag:s4] =	ssyncadd.s32 $0xFFFFFFB0  }
0x103: {  	_ =	swait.ge [sflag:s4], $0x80  }
0x104: {  	[sflag:s4] =	ssyncset.done $0x0  }
0x105: {  	[sflag:s4] =	ssyncadd.s32 $0xFFFFFF80  }
0x106: {  	_ =	swait.ge [sflag:s4], $0x50  }
0x107: {  	[sflag:s4] =	ssyncset.done $0x0  }
0x108: {  	[sflag:s4] =	ssyncadd.s32 $0xFFFFFFB0  }
0x109: {  	_ =	swait.ge [sflag:s4], $0x80  }
0x10a: {  	[sflag:s4] =	ssyncset.done $0x0  }
0x10b: {  	[sflag:s4] =	ssyncadd.s32 $0xFFFFFF80  }
0x10c: {  	_ =	swait.ge [sflag:s4], $0x20  }
0x10d: {  	[sflag:s4] =	ssyncset.done $0x0  }
0x10e: {  	[sflag:s4] =	ssyncadd.s32 $0xFFFFFFE0  }
0x10f: {  	v44 =	vld [tilespmem:$0xD00];
	_ =	sdelay $0x1  }
0x110: {  	v45 =	vld [tilespmem:$0xD10];
	_ =	sdelay $0x1  }
0x111: {  	v46 =	vld [tilespmem:$0xD20]  }
0x112: {  	v1 =	vadd.f32 $0.0e+00, v44  }
0x113: {  	v47 =	vld [tilespmem:$0xD30]  }
0x114: {  	v1 =	vadd.f32 v45, v1  }
0x115: {  	v48 =	vld [tilespmem:$0xD40]  }
0x116: {  	v1 =	vadd.f32 v46, v1  }
0x117: {  	v49 =	vld [tilespmem:$0xD50]  }
0x118: {  	v1 =	vadd.f32 v47, v1  }
0x119: {  	v50 =	vld [tilespmem:$0xD60]  }
0x11a: {  	v1 =	vadd.f32 v48, v1  }
0x11b: {  	v51 =	vld [tilespmem:$0xD70]  }
0x11c: {  	v1 =	vadd.f32 v49, v1  }
0x11d: {  	v52 =	vld [tilespmem:$0xD80]  }
0x11e: {  	v1 =	vadd.f32 v50, v1  }
0x11f: {  	v53 =	vld [tilespmem:$0xD90]  }
0x120: {  	v1 =	vadd.f32 v51, v1  }
0x121: {  	v55 =	vimm.s32 $0xFEDCBA98;
	v54 =	vld [tilespmem:$0xDA0]  }
0x122: {  	v56 =	vimm.s32 $0x76543210;
	v2 =	vunpack.c.l.s4.s8 v55;
	v1 =	vadd.f32 v52, v1  }
0x123: {  	v3 =	vunpack.c.l.s4.s8 v56;
	v57 =	vld [tilespmem:$0xDB0]  }
0x124: {  	v59 =	vunpack.c.0.s8.s32 v2;
	v58 =	vld [tilespmem:$0xDC0];
	v1 =	vadd.f32 v53, v1  }
0x125: {  	v2 =	vunpack.c.0.s8.s32 v3  }
0x126: {  	v61 =	vld [tilespmem:$0xDD0];
	v60 =	vadd.f32 v54, v1;
	v1 =	vand.u32 $0xF, v59  }
0x127: {  	v4 =	vcombine.low v1, v2  }
0x128: {  	v15 =	vld [tilespmem:$0xDE0];
	v3 =	vadd.f32 v57, v60  }
0x129: {  	v63 =	vimm.s32 $0xBA98FEDC;
	v12 =	vimm.s32 $0x32107654;
	v62 =	vnsel vm0, $0x0, v58  }
0x12a: {  	v13 =	vunpack.c.l.s4.s8 v63;
	v14 =	vunpack.c.l.s4.s8 v12;
	v17 =	vld [tilespmem:$0xDF0];
	v6 =	vadd.f32 v62, v3  }
0x12b: {  	v5 =	vadd.f32 $0.0e+00, v61  }
0x12c: {  	v16 =	vunpack.c.0.s8.s32 v13;
	s26 =	simm.s32 $0x19A0;
	v19 =	vld [tilespmem:$0xE00];
	v3 =	vunpack.c.0.s8.s32 v14;
	[tilespmem:$0x19A0] =	vst v6  }
0x12d: {  	v8 =	vadd.f32 v15, v5;
	v18 =	vld.idx.msk [tilespmem:v4+s26+$0x0], $0xffff  }
0x12e: {  	v20 =	vld [tilespmem:$0xE10];
	v9 =	vcombine.low v3, v16  }
0x12f: {  	v7 =	vadd.f32 v17, v8  }
0x130: {  	v24 =	vld [tilespmem:$0xE20];
	v5 =	vand.u32 $0xF, v9  }
0x131: {  	v12 =	vimm.s32 $0xDCFE98BA;
	v13 =	vimm.s32 $0x54761032;
	v7 =	vadd.f32 v19, v7  }
0x132: {  	v22 =	vunpack.c.l.s4.s8 v12;
	v23 =	vunpack.c.l.s4.s8 v13;
	v25 =	vld [tilespmem:$0xE30];
	v21 =	vadd.f32 v18, v6  }
0x133: {  	v7 =	vadd.f32 v20, v7  }
0x134: {  	v10 =	vunpack.c.0.s8.s32 v23;
	v27 =	vld [tilespmem:$0xE40];
	v6 =	vunpack.c.0.s8.s32 v22;
	[tilespmem:$0x19A0] =	vst v21  }
0x135: {  	v7 =	vadd.f32 v24, v7;
	v26 =	vld.idx.msk [tilespmem:v5+s26+$0x0], $0xffff  }
0x136: {  	v28 =	vld [tilespmem:$0xE50];
	v6 =	vcombine.low v10, v6  }
0x137: {  	v7 =	vadd.f32 v25, v7  }
0x138: {  	v31 =	vld [tilespmem:$0xE60];
	v6 =	vand.u32 $0xF, v6  }
0x139: {  	v29 =	vimm.s32 $0xEFCDAB89;
	v30 =	vimm.s32 $0x67452301;
	v7 =	vadd.f32 v27, v7  }
0x13a: {  	v11 =	vunpack.c.l.s4.s8 v29;
	v12 =	vunpack.c.l.s4.s8 v30;
	v32 =	vld [tilespmem:$0xE70];
	v8 =	vadd.f32 v26, v21  }
0x13b: {  	v33 =	vld [tilespmem:$0xE80];
	v7 =	vadd.f32 v28, v7  }
0x13c: {  	v11 =	vunpack.c.0.s8.s32 v11;
	v12 =	vunpack.c.0.s8.s32 v12;
	v35 =	vld [tilespmem:$0xE90];
	[tilespmem:$0x19A0] =	vst v8  }
0x13d: {  	v34 =	vadd.f32 v31, v7;
	v14 =	vld.idx.msk [tilespmem:v6+s26+$0x0], $0xffff  }
0x13e: {  	v11 =	vcombine.low v12, v11  }
0x13f: {  	v36 =	vld [tilespmem:$0xEA0];
	v9 =	vadd.f32 v32, v34  }
0x140: {  	v7 =	vand.u32 $0xF, v11  }
0x141: {  	v38 =	vld [tilespmem:$0xEB0];
	v9 =	vadd.f32 v33, v9  }
0x142: {  	v37 =	vnsel vm0, $0x0, v35;
	v8 =	vadd.f32 v14, v8  }
0x143: {  	v39 =	vld [tilespmem:$0xEC0];
	v11 =	vadd.f32 v37, v9  }
0x144: {  	v15 =	vld [tilespmem:$0xED0];
	v10 =	vadd.f32 $0.0e+00, v36;
	[tilespmem:$0x19A0] =	vst v8  }
0x145: {  	v9 =	vld.idx.msk [tilespmem:v7+s26+$0x0], $0xffff;
	[tilespmem:$0x19A0] =	vst v11  }
0x146: {  	v10 =	vadd.f32 v38, v10;
	v40 =	vld.idx.msk [tilespmem:v4+s26+$0x0], $0xffff  }
0x147: {  	v41 =	vld [tilespmem:$0xEE0]  }
0x148: {  	v10 =	vadd.f32 v39, v10  }
0x149: {  	v42 =	vld [tilespmem:$0xEF0]  }
0x14a: {  	v10 =	vadd.f32 v15, v10  }
0x14b: {  	v43 =	vld [tilespmem:$0xF00];
	v11 =	vadd.f32 v40, v11  }
0x14c: {  	v10 =	vadd.f32 v41, v10  }
0x14d: {  	v45 =	vld [tilespmem:$0xF10];
	[tilespmem:$0x19A0] =	vst v11  }
0x14e: {  	v10 =	vadd.f32 v42, v10;
	v44 =	vld.idx.msk [tilespmem:v5+s26+$0x0], $0xffff  }
0x14f: {  	v46 =	vld [tilespmem:$0xF20]  }
0x150: {  	v10 =	vadd.f32 v43, v10  }
0x151: {  	v47 =	vld [tilespmem:$0xF30]  }
0x152: {  	v10 =	vadd.f32 v45, v10  }
0x153: {  	v48 =	vld [tilespmem:$0xF40];
	v11 =	vadd.f32 v44, v11  }
0x154: {  	v50 =	vld [tilespmem:$0xF50];
	v10 =	vadd.f32 v46, v10  }
0x155: {  	v51 =	vld [tilespmem:$0xF60];
	[tilespmem:$0x19A0] =	vst v11  }
0x156: {  	v10 =	vadd.f32 v47, v10;
	v49 =	vld.idx.msk [tilespmem:v6+s26+$0x0], $0xffff;
	_ =	sdelay $0x1  }
0x157: {  	v53 =	vld [tilespmem:$0xF70];
	v12 =	vadd.f32 v48, v10;
	_ =	sdelay $0x1  }
0x158: {  	v55 =	vld [tilespmem:$0xF80];
	v52 =	vadd.f32 v50, v12  }
0x159: {  	v54 =	vnsel vm0, $0x0, v51;
	v10 =	vadd.f32 v49, v11  }
0x15a: {  	v56 =	vld [tilespmem:$0xF90];
	v13 =	vadd.f32 v54, v52  }
0x15b: {  	v17 =	vld [tilespmem:$0xFA0];
	v12 =	vadd.f32 $0.0e+00, v53;
	[tilespmem:$0x19A0] =	vst v10  }
0x15c: {  	v11 =	vld.idx.msk [tilespmem:v7+s26+$0x0], $0xffff;
	[tilespmem:$0x19A0] =	vst v13  }
0x15d: {  	v12 =	vadd.f32 v55, v12;
	v16 =	vld.idx.msk [tilespmem:v4+s26+$0x0], $0xffff  }
0x15e: {  	v57 =	vld [tilespmem:$0xFB0]  }
0x15f: {  	v12 =	vadd.f32 v56, v12  }
0x160: {  	v58 =	vld [tilespmem:$0xFC0]  }
0x161: {  	v12 =	vadd.f32 v17, v12  }
0x162: {  	v59 =	vld [tilespmem:$0xFD0];
	v13 =	vadd.f32 v16, v13  }
0x163: {  	v12 =	vadd.f32 v57, v12  }
0x164: {  	v61 =	vld [tilespmem:$0xFE0];
	[tilespmem:$0x19A0] =	vst v13  }
0x165: {  	v12 =	vadd.f32 v58, v12;
	v60 =	vld.idx.msk [tilespmem:v5+s26+$0x0], $0xffff  }
0x166: {  	v62 =	vld [tilespmem:$0xFF0]  }
0x167: {  	v12 =	vadd.f32 v59, v12  }
0x168: {  	v63 =	vld [tilespmem:$0x1000]  }
0x169: {  	v12 =	vadd.f32 v61, v12  }
0x16a: {  	v20 =	vld [tilespmem:$0x1010];
	v13 =	vadd.f32 v60, v13  }
0x16b: {  	v23 =	vld [tilespmem:$0x1030];
	v12 =	vadd.f32 v62, v12  }
0x16c: {  	v22 =	vld [tilespmem:$0x1020];
	[tilespmem:$0x19A0] =	vst v13  }
0x16d: {  	v12 =	vadd.f32 v63, v12;
	v21 =	vld.idx.msk [tilespmem:v6+s26+$0x0], $0xffff;
	_ =	sdelay $0x1  }
0x16e: {  	v25 =	vld [tilespmem:$0x1040];
	v14 =	vadd.f32 v20, v12;
	_ =	sdelay $0x1  }
0x16f: {  	v27 =	vld [tilespmem:$0x1050];
	v24 =	vadd.f32 v22, v14  }
0x170: {  	v26 =	vnsel vm0, $0x0, v23;
	v12 =	vadd.f32 v21, v13  }
0x171: {  	v28 =	vld [tilespmem:$0x1060];
	v15 =	vadd.f32 v26, v24  }
0x172: {  	v19 =	vld [tilespmem:$0x1070];
	v14 =	vadd.f32 $0.0e+00, v25;
	[tilespmem:$0x19A0] =	vst v12  }
0x173: {  	v13 =	vld.idx.msk [tilespmem:v7+s26+$0x0], $0xffff;
	[tilespmem:$0x19A0] =	vst v15  }
0x174: {  	v14 =	vadd.f32 v27, v14;
	v18 =	vld.idx.msk [tilespmem:v4+s26+$0x0], $0xffff  }
0x175: {  	v29 =	vld [tilespmem:$0x1080]  }
0x176: {  	v14 =	vadd.f32 v28, v14  }
0x177: {  	v30 =	vld [tilespmem:$0x1090]  }
0x178: {  	v14 =	vadd.f32 v19, v14  }
0x179: {  	v31 =	vld [tilespmem:$0x10A0];
	v15 =	vadd.f32 v18, v15  }
0x17a: {  	v14 =	vadd.f32 v29, v14  }
0x17b: {  	v33 =	vld [tilespmem:$0x10B0];
	[tilespmem:$0x19A0] =	vst v15  }
0x17c: {  	v14 =	vadd.f32 v30, v14;
	v32 =	vld.idx.msk [tilespmem:v5+s26+$0x0], $0xffff  }
0x17d: {  	v34 =	vld [tilespmem:$0x10C0]  }
0x17e: {  	v14 =	vadd.f32 v31, v14  }
0x17f: {  	v35 =	vld [tilespmem:$0x10D0]  }
0x180: {  	v14 =	vadd.f32 v33, v14  }
0x181: {  	v36 =	vld [tilespmem:$0x10E0];
	v15 =	vadd.f32 v32, v15  }
0x182: {  	v38 =	vld [tilespmem:$0x10F0];
	v14 =	vadd.f32 v34, v14  }
0x183: {  	v39 =	vld [tilespmem:$0x1100];
	[tilespmem:$0x19A0] =	vst v15  }
0x184: {  	v14 =	vadd.f32 v35, v14;
	v37 =	vld.idx.msk [tilespmem:v6+s26+$0x0], $0xffff;
	_ =	sdelay $0x1  }
0x185: {  	v41 =	vld [tilespmem:$0x1110];
	v16 =	vadd.f32 v36, v14;
	_ =	sdelay $0x1  }
0x186: {  	v43 =	vld [tilespmem:$0x1120];
	v40 =	vadd.f32 v38, v16  }
0x187: {  	v42 =	vnsel vm0, $0x0, v39;
	v14 =	vadd.f32 v37, v15  }
0x188: {  	v44 =	vld [tilespmem:$0x1130];
	v17 =	vadd.f32 v42, v40  }
0x189: {  	v21 =	vld [tilespmem:$0x1140];
	v16 =	vadd.f32 $0.0e+00, v41;
	[tilespmem:$0x19A0] =	vst v14  }
0x18a: {  	v15 =	vld.idx.msk [tilespmem:v7+s26+$0x0], $0xffff;
	[tilespmem:$0x19A0] =	vst v17  }
0x18b: {  	v16 =	vadd.f32 v43, v16;
	v20 =	vld.idx.msk [tilespmem:v4+s26+$0x0], $0xffff  }
0x18c: {  	v45 =	vld [tilespmem:$0x1150]  }
0x18d: {  	v16 =	vadd.f32 v44, v16  }
0x18e: {  	v46 =	vld [tilespmem:$0x1160]  }
0x18f: {  	v16 =	vadd.f32 v21, v16  }
0x190: {  	v47 =	vld [tilespmem:$0x1170];
	v17 =	vadd.f32 v20, v17  }
0x191: {  	v16 =	vadd.f32 v45, v16  }
0x192: {  	v49 =	vld [tilespmem:$0x1180];
	[tilespmem:$0x19A0] =	vst v17  }
0x193: {  	v16 =	vadd.f32 v46, v16;
	v48 =	vld.idx.msk [tilespmem:v5+s26+$0x0], $0xffff  }
0x194: {  	v50 =	vld [tilespmem:$0x1190]  }
0x195: {  	v16 =	vadd.f32 v47, v16  }
0x196: {  	v51 =	vld [tilespmem:$0x11A0]  }
0x197: {  	v16 =	vadd.f32 v49, v16  }
0x198: {  	v52 =	vld [tilespmem:$0x11B0];
	v17 =	vadd.f32 v48, v17  }
0x199: {  	v54 =	vld [tilespmem:$0x11C0];
	v16 =	vadd.f32 v50, v16  }
0x19a: {  	v55 =	vld [tilespmem:$0x11D0];
	[tilespmem:$0x19A0] =	vst v17  }
0x19b: {  	v16 =	vadd.f32 v51, v16;
	v53 =	vld.idx.msk [tilespmem:v6+s26+$0x0], $0xffff;
	_ =	sdelay $0x1  }
0x19c: {  	v57 =	vld [tilespmem:$0x11E0];
	v18 =	vadd.f32 v52, v16;
	_ =	sdelay $0x1  }
0x19d: {  	v59 =	vld [tilespmem:$0x11F0];
	v56 =	vadd.f32 v54, v18  }
0x19e: {  	v58 =	vnsel vm0, $0x0, v55;
	v16 =	vadd.f32 v53, v17  }
0x19f: {  	v60 =	vld [tilespmem:$0x1200];
	v19 =	vadd.f32 v58, v56  }
0x1a0: {  	v23 =	vld [tilespmem:$0x1210];
	v18 =	vadd.f32 $0.0e+00, v57;
	[tilespmem:$0x19A0] =	vst v16  }
0x1a1: {  	v17 =	vld.idx.msk [tilespmem:v7+s26+$0x0], $0xffff;
	[tilespmem:$0x19A0] =	vst v19  }
0x1a2: {  	v18 =	vadd.f32 v59, v18;
	v22 =	vld.idx.msk [tilespmem:v4+s26+$0x0], $0xffff  }
0x1a3: {  	v61 =	vld [tilespmem:$0x1220]  }
0x1a4: {  	v18 =	vadd.f32 v60, v18  }
0x1a5: {  	v62 =	vld [tilespmem:$0x1230]  }
0x1a6: {  	v18 =	vadd.f32 v23, v18  }
0x1a7: {  	v63 =	vld [tilespmem:$0x1240];
	v19 =	vadd.f32 v22, v19  }
0x1a8: {  	v18 =	vadd.f32 v61, v18  }
0x1a9: {  	v25 =	vld [tilespmem:$0x1250];
	[tilespmem:$0x19A0] =	vst v19  }
0x1aa: {  	v18 =	vadd.f32 v62, v18;
	v24 =	vld.idx.msk [tilespmem:v5+s26+$0x0], $0xffff  }
0x1ab: {  	v26 =	vld [tilespmem:$0x1260]  }
0x1ac: {  	v18 =	vadd.f32 v63, v18  }
0x1ad: {  	v27 =	vld [tilespmem:$0x1270]  }
0x1ae: {  	v18 =	vadd.f32 v25, v18  }
0x1af: {  	v28 =	vld [tilespmem:$0x1280];
	v19 =	vadd.f32 v24, v19  }
0x1b0: {  	v30 =	vld [tilespmem:$0x1290];
	v18 =	vadd.f32 v26, v18  }
0x1b1: {  	v31 =	vld [tilespmem:$0x12A0];
	[tilespmem:$0x19A0] =	vst v19  }
0x1b2: {  	v18 =	vadd.f32 v27, v18;
	v29 =	vld.idx.msk [tilespmem:v6+s26+$0x0], $0xffff;
	_ =	sdelay $0x1  }
0x1b3: {  	v32 =	vld [tilespmem:$0x12B0];
	v18 =	vadd.f32 v28, v18;
	_ =	sdelay $0x1  }
0x1b4: {  	v34 =	vld [tilespmem:$0x12C0];
	v18 =	vadd.f32 v30, v18  }
0x1b5: {  	v33 =	vnsel vm0, $0x0, v31;
	v19 =	vadd.f32 v29, v19  }
0x1b6: {  	v36 =	vld [tilespmem:$0x12D0];
	v18 =	vadd.f32 v33, v18  }
0x1b7: {  	v20 =	vadd.f32 $0.0e+00, v32;
	v25 =	vld [tilespmem:$0x12E0];
	[tilespmem:$0x19A0] =	vst v19  }
0x1b8: {  	v35 =	vld.idx.msk [tilespmem:v7+s26+$0x0], $0xffff;
	[tilespmem:$0x19A0] =	vst v18  }
0x1b9: {  	v20 =	vadd.f32 v34, v20;
	v24 =	vld.idx.msk [tilespmem:v4+s26+$0x0], $0xffff  }
0x1ba: {  	v37 =	vld [tilespmem:$0x12F0]  }
0x1bb: {  	v20 =	vadd.f32 v36, v20  }
0x1bc: {  	v38 =	vld [tilespmem:$0x1300]  }
0x1bd: {  	v20 =	vadd.f32 v25, v20  }
0x1be: {  	v39 =	vld [tilespmem:$0x1310];
	v18 =	vadd.f32 v24, v18  }
0x1bf: {  	v20 =	vadd.f32 v37, v20  }
0x1c0: {  	v41 =	vld [tilespmem:$0x1320];
	[tilespmem:$0x19A0] =	vst v18  }
0x1c1: {  	v20 =	vadd.f32 v38, v20;
	v40 =	vld.idx.msk [tilespmem:v5+s26+$0x0], $0xffff  }
0x1c2: {  	v42 =	vld [tilespmem:$0x1330]  }
0x1c3: {  	v20 =	vadd.f32 v39, v20  }
0x1c4: {  	v43 =	vld [tilespmem:$0x1340]  }
0x1c5: {  	v20 =	vadd.f32 v41, v20  }
0x1c6: {  	v44 =	vld [tilespmem:$0x1350];
	v18 =	vadd.f32 v40, v18  }
0x1c7: {  	v46 =	vld [tilespmem:$0x1360];
	v20 =	vadd.f32 v42, v20  }
0x1c8: {  	v47 =	vld [tilespmem:$0x1370];
	[tilespmem:$0x19A0] =	vst v18  }
0x1c9: {  	v20 =	vadd.f32 v43, v20;
	v45 =	vld.idx.msk [tilespmem:v6+s26+$0x0], $0xffff;
	_ =	sdelay $0x1  }
0x1ca: {  	v20 =	vadd.f32 v44, v20;
	_ =	sdelay $0x1  }
0x1cb: {  	v20 =	vadd.f32 v46, v20  }
0x1cc: {  	v48 =	vnsel vm0, $0x0, v47;
	v18 =	vadd.f32 v45, v18  }
0x1cd: {  	v20 =	vadd.f32 v48, v20  }
0x1ce: {  	[tilespmem:$0x19A0] =	vst v18  }
0x1cf: {  	v49 =	vld.idx.msk [tilespmem:v7+s26+$0x0], $0xffff;
	[tilespmem:$0x19A0] =	vst v20  }
0x1d0: {  	v4 =	vld.idx.msk [tilespmem:v4+s26+$0x0], $0xffff;
	_ =	sdelay $0x4  }
0x1d1: {  	v4 =	vadd.f32 v4, v20;
	_ =	sdelay $0x1  }
0x1d2: {  	[tilespmem:$0x19A0] =	vst v4  }
0x1d3: {  	v5 =	vld.idx.msk [tilespmem:v5+s26+$0x0], $0xffff;
	_ =	sdelay $0x4  }
0x1d4: {  	v4 =	vadd.f32 v5, v4;
	_ =	sdelay $0x1  }
0x1d5: {  	[tilespmem:$0x19A0] =	vst v4  }
0x1d6: {  	v50 =	vld.idx.msk [tilespmem:v6+s26+$0x0], $0xffff;
	_ =	sdelay $0x2  }
0x1d7: {  	v51 =	vld [tilespmem:$0x1580]  }
0x1d8: {  	v8 =	vadd.f32 v9, v8  }
0x1d9: {  	v4 =	vadd.f32 v50, v4  }
0x1da: {  	v52 =	vmul.f32 $4.999999890e-03, v8  }
0x1db: {  	v53 =	vimm.f32 $0.0e+00;
	[tilespmem:$0x19A0] =	vst v4  }
0x1dc: {  	v6 =	vmul.f32 v51, v52;
	v7 =	vld.idx.msk [tilespmem:v7+s26+$0x0], $0xffff;
	[tilespmem:$0x1680] =	vst v53  }
0x1dd: {  	s28 =	simm.s32 $0x1680;
	v54 =	vimm.s32 $0x13121110;
	[tilespmem:$0x1690] =	vst v53  }
0x1de: {  	vm11 =	vcmask $0x2F10;
	v57 =	vimm.s32 $0xB0A0908;
	v56 =	vunpack.c.0.s8.s32 v54;
	[tilespmem:v0+s28+$0x0] =	vst.idx.add.f32.msk $0xffff, v6  }
0x1df: {  	v3 =	vand.u32 $0xF, v3;
	v55 =	vadd.f32 v11, v10;
	v8 =	vunpack.c.0.s8.s32 v57;
	v58 =	vld [tilespmem:$0x1590]  }
0x1e0: {  	vm12 =	vcmask $0x3F30;
	v3 =	vsel vm11, v3, v56  }
0x1e1: {  	v59 =	vmul.f32 $4.999999890e-03, v55;
	v3 =	vsel vm12, v8, v3  }
0x1e2: {  	vm13 =	vmmov $0xf  }
0x1e3: {  	v5 =	vsel vm13, v52, v59  }
0x1e4: {  	v60 =	vimm.s32 $0xF0E0D0C;
	v5 =	vmul.f32 v58, v5  }
0x1e5: {  	v9 =	vunpack.c.0.s8.s32 v60  }
0x1e6: {  	vm14 =	vcmask $0x1F10;
	[tilespmem:v3+s28+$0x0] =	vst.idx.add.f32.msk $0xffff, v5  }
0x1e7: {  	v9 =	vsel vm14, v56, v9;
	v61 =	vadd.f32 v13, v12;
	v62 =	vld [tilespmem:$0x15A0]  }
0x1e8: {  	v2 =	vcombine.low v9, v2  }
0x1e9: {  	v5 =	vmul.f32 $4.999999890e-03, v61;
	_ =	sdelay $0x1  }
0x1ea: {  	v8 =	vsel vm0, v59, v5  }
0x1eb: {  	v63 =	vimm.s32 $0x3020100;
	v8 =	vmul.f32 v62, v8  }
0x1ec: {  	v9 =	vunpack.c.0.s8.s32 v63  }
0x1ed: {  	[tilespmem:v2+s28+$0x0] =	vst.idx.add.f32.msk $0xffff, v8  }
0x1ee: {  	v12 =	vadd.f32 v15, v14;
	v6 =	vsel vm14, v9, v56;
	v13 =	vld [tilespmem:$0x15B0]  }
0x1ef: {  	v1 =	vcombine.low v1, v6  }
0x1f0: {  	v14 =	vmul.f32 $4.999999890e-03, v12  }
0x1f1: {  	vm15 =	vmmov $0xfff  }
0x1f2: {  	v5 =	vsel vm15, v5, v14  }
0x1f3: {  	v5 =	vmul.f32 v13, v5;
	_ =	sdelay $0x1  }
0x1f4: {  	[tilespmem:v1+s28+$0x0] =	vst.idx.add.f32.msk $0xffff, v5  }
0x1f5: {  	v5 =	vld [tilespmem:$0x15C0];
	_ =	sdelay $0x1  }
0x1f6: {  	v15 =	vadd.s32 $0x4, v0;
	_ =	sdelay $0x2  }
0x1f7: {  	v5 =	vmul.f32 v5, v14;
	_ =	sdelay $0x1  }
0x1f8: {  	[tilespmem:v15+s28+$0x0] =	vst.idx.add.f32.msk $0xffff, v5  }
0x1f9: {  	v5 =	vld [tilespmem:$0x15D0]  }
0x1fa: {  	v20 =	vadd.f32 v17, v16;
	_ =	sdelay $0x1  }
0x1fb: {  	v6 =	vmul.f32 $4.999999890e-03, v20;
	_ =	sdelay $0x1  }
0x1fc: {  	v5 =	vmul.f32 v5, v6;
	_ =	sdelay $0x1  }
0x1fd: {  	[tilespmem:v0+s28+$0x0] =	vst.idx.add.f32.msk $0xffff, v5  }
0x1fe: {  	v22 =	vadd.f32 v35, v19;
	v5 =	vld [tilespmem:$0x15E0];
	_ =	sdelay $0x1  }
0x1ff: {  	v0 =	vmul.f32 $4.999999890e-03, v22;
	_ =	sdelay $0x1  }
0x200: {  	v6 =	vsel vm13, v6, v0  }
0x201: {  	v5 =	vmul.f32 v5, v6;
	_ =	sdelay $0x1  }
0x202: {  	[tilespmem:v3+s28+$0x0] =	vst.idx.add.f32.msk $0xffff, v5  }
0x203: {  	v23 =	vadd.f32 v49, v18;
	v5 =	vld [tilespmem:$0x15F0];
	_ =	sdelay $0x1  }
0x204: {  	v3 =	vmul.f32 $4.999999890e-03, v23;
	_ =	sdelay $0x1  }
0x205: {  	v0 =	vsel vm0, v0, v3  }
0x206: {  	v0 =	vmul.f32 v5, v0;
	_ =	sdelay $0x1  }
0x207: {  	[tilespmem:v2+s28+$0x0] =	vst.idx.add.f32.msk $0xffff, v0  }
0x208: {  	v24 =	vadd.f32 v7, v4;
	v2 =	vld [tilespmem:$0x1600];
	_ =	sdelay $0x1  }
0x209: {  	v0 =	vmul.f32 $4.999999890e-03, v24;
	_ =	sdelay $0x1  }
0x20a: {  	v3 =	vsel vm15, v3, v0  }
0x20b: {  	v2 =	vmul.f32 v2, v3;
	_ =	sdelay $0x1  }
0x20c: {  	[tilespmem:v1+s28+$0x0] =	vst.idx.add.f32.msk $0xffff, v2  }
0x20d: {  	v1 =	vld [tilespmem:$0x1610];
	_ =	sdelay $0x4  }
0x20e: {  	v0 =	vmul.f32 v1, v0  }
0x20f: {  	s29 =	sshll.u32 s2, $0x5  }
0x210: {  	s30 =	simm.s32 $0x2;
	s5 =	sadd.s32 s29, s3;
	[tilespmem:v15+s28+$0x0] =	vst.idx.add.f32.msk $0xffff, v0  }
0x211: {  	[spmem:s5] =	stream.linear.scatter [tilespmem:s28], [sflag:$0x2], $0x20, $0x38;
	[tilespmem:$0x1A20] =	vst v63  }
0x212: {  	_ =	swait.ge [sflag:s30], $0x20  }
0x213: {  	[sflag:s30] =	ssyncset.done $0x0  }
0x214: {  	[sflag:s30] =	ssyncadd.s32 $0xFFFFFFE0  }
0x215: {  	s31 =	simm.s32 $0x1720;
	[bflag:$0x0] =	sbarrier.arrive $0xFFFF  }
0x216: {  	[tilespmem:s31], [sflag:$0x2] =	stream.linear.gather [spmem:s3], $0x200, $0x38;
	[tilespmem:$0x1A20] =	vst v63  }
0x217: {  	_ =	swait.ge [sflag:s30], $0x200  }
0x218: {  	[sflag:s30] =	ssyncset.done $0x0  }
0x219: {  	[sflag:s30] =	ssyncadd.s32 $0xFFFFFE00  }
0x21a: {  	v25 =	vld [tilespmem:$0x1720];
	_ =	sdelay $0x1  }
0x21b: {  	v26 =	vld [tilespmem:$0x1740];
	_ =	sdelay $0x1  }
0x21c: {  	v27 =	vld [tilespmem:$0x1760]  }
0x21d: {  	v0 =	vadd.f32 $0.0e+00, v25  }
0x21e: {  	v28 =	vld [tilespmem:$0x1780]  }
0x21f: {  	v0 =	vadd.f32 v26, v0  }
0x220: {  	v29 =	vld [tilespmem:$0x17A0]  }
0x221: {  	v0 =	vadd.f32 v27, v0  }
0x222: {  	v30 =	vld [tilespmem:$0x17C0]  }
0x223: {  	v0 =	vadd.f32 v28, v0  }
0x224: {  	v31 =	vld [tilespmem:$0x17E0]  }
0x225: {  	v32 =	vld [tilespmem:$0x1730];
	v0 =	vadd.f32 v29, v0  }
0x226: {  	v33 =	vld [tilespmem:$0x1800]  }
0x227: {  	v34 =	vld [tilespmem:$0x1750];
	v0 =	vadd.f32 v30, v0  }
0x228: {  	v35 =	vld [tilespmem:$0x1820]  }
0x229: {  	v36 =	vld [tilespmem:$0x1770];
	v0 =	vadd.f32 v31, v0  }
0x22a: {  	v38 =	vld [tilespmem:$0x1840];
	v37 =	vadd.f32 $0.0e+00, v32  }
0x22b: {  	v39 =	vld [tilespmem:$0x1790];
	v0 =	vadd.f32 v33, v0  }
0x22c: {  	v41 =	vld [tilespmem:$0x1860];
	v40 =	vadd.f32 v34, v37  }
0x22d: {  	v42 =	vld [tilespmem:$0x17B0];
	v0 =	vadd.f32 v35, v0  }
0x22e: {  	v43 =	vld [tilespmem:$0x1880];
	v1 =	vadd.f32 v36, v40  }
0x22f: {  	v44 =	vld [tilespmem:$0x17D0];
	v0 =	vadd.f32 v38, v0  }
0x230: {  	v45 =	vld [tilespmem:$0x18A0];
	v1 =	vadd.f32 v39, v1  }
0x231: {  	v46 =	vld [tilespmem:$0x17F0];
	v0 =	vadd.f32 v41, v0  }
0x232: {  	v47 =	vld [tilespmem:$0x18C0];
	v1 =	vadd.f32 v42, v1  }
0x233: {  	v48 =	vld [tilespmem:$0x1810];
	v0 =	vadd.f32 v43, v0  }
0x234: {  	v49 =	vld [tilespmem:$0x18E0];
	v1 =	vadd.f32 v44, v1  }
0x235: {  	v50 =	vld [tilespmem:$0x1830];
	v0 =	vadd.f32 v45, v0  }
0x236: {  	v51 =	vld [tilespmem:$0x1900];
	v1 =	vadd.f32 v46, v1  }
0x237: {  	v52 =	vld [tilespmem:$0x1850];
	v0 =	vadd.f32 v47, v0  }
0x238: {  	v1 =	vadd.f32 v48, v1  }
0x239: {  	v53 =	vld [tilespmem:$0x1870];
	v0 =	vadd.f32 v49, v0  }
0x23a: {  	v1 =	vadd.f32 v50, v1  }
0x23b: {  	v54 =	vld [tilespmem:$0x1890];
	v0 =	vadd.f32 v51, v0  }
0x23c: {  	v1 =	vadd.f32 v52, v1  }
0x23d: {  	v55 =	vld [tilespmem:$0x18B0];
	v0 =	vsub.f32 $0.0e+00, v0  }
0x23e: {  	v1 =	vadd.f32 v53, v1  }
0x23f: {  	v56 =	vld [tilespmem:$0x18D0];
	v0 =	vmul.f32 $1.442695020e+00, v0  }
0x240: {  	v1 =	vadd.f32 v54, v1  }
0x241: {  	v57 =	vld [tilespmem:$0x18F0];
	(erf) = vpow2.f32 v0  }
0x242: {  	v58 =	vadd.f32 v55, v1  }
0x243: {  	v59 =	vld [tilespmem:$0x1910]  }
0x244: {  	v0 =	vadd.f32 v56, v58;
	_ =	sdelay $0x1  }
0x245: {  	v0 =	vadd.f32 v57, v0;
	_ =	sdelay $0x1  }
0x246: {  	v0 =	vadd.f32 v59, v0;
	_ =	sdelay $0x1  }
0x247: {  	v0 =	vsub.f32 $0.0e+00, v0;
	v60 =	vpop (erf)  }
0x248: {  	v1 =	vadd.f32 $1.000000000e+00, v60  }
0x249: {  	v0 =	vmul.f32 $1.442695020e+00, v0  }
0x24a: {  	(erf) = vrcp.f32 v1  }
0x24b: {  	(erf) = vpow2.f32 v0;
	_ =	sdelay $0x7  }
0x24c: {  	v61 =	vpop (erf)  }
0x24d: {  	v62 =	vpop (erf)  }
0x24e: {  	v1 =	vadd.f32 $1.000000000e+00, v62;
	_ =	sdelay $0x1  }
0x24f: {  	(erf) = vrcp.f32 v1;
	_ =	sdelay $0x8  }
0x250: {  	[tilespmem:$0x1920] =	vst v61;
	v63 =	vpop (erf)  }
0x251: {  	p0 =	sne.s32 s2, $0x0;
	[tilespmem:$0x1930] =	vst v63  }
0x252: {  	_ =	sfence.sel @p0 $0x180000  }
0x253: {  	[bflag:$0x0] =	sbarrier.arrive @p0 $0xFFFF  }
0x254: {  	_ =	strace @p0 $0x90000047  }
0x255: {  	s2 =	simm.s32 @!p0 $0x0;
	s3 =	simm.s32 @!p0 $0x1920;
	[bflag:$0x2] =	sbarrier.arrive @p0 $0xFFFF  }
0x256: {  	[hbm4b:s1+s2] =	stream.linear.scatter @!p0 [tilespmem:s3], [sflag:$0x2], $0x80, $0x38;
	[tilespmem:$0x1A20] =	vst v63  }
0x257: {  	s1 =	simm.s32 @!p0 $0x2  }
0x258: {  	_ =	swait.ge @!p0 [sflag:s1], $0x80  }
0x259: {  	[sflag:s1] =	ssyncset.done @!p0 $0x0  }
0x25a: {  	[sflag:s1] =	ssyncadd.s32 @!p0 $0xFFFFFF80  }
0x25b: {  	_ =	sfence.sel @!p0 $0x180000  }
0x25c: {  	[bflag:$0x0] =	sbarrier.arrive @!p0 $0xFFFF  }
0x25d: {  	_ =	strace @!p0 $0x90000047  }
0x25e: {  	s0 =	sadd.s32 @!p0 $0x100000, s0;
	[bflag:$0x2] =	sbarrier.arrive @!p0 $0xFFFF  }
0x25f: {  	[sflag:s0] =	ssyncadd.tile.s32 @!p0 $0x1;
	_ =	shalt  }
.Lfunc_end2:
_tile_overlayer_lowered:
.L_overlay_start_2:
0x260: {  	(tag) =	ssettag $0x2  }
0x261: {  	s0 =	rddreg [dreg:$0x0];
	s2 =	stileid.u32  }
0x262: {  	s1 =	rddreg [dreg:$0x1];
	p0 =	sne.s32 s2, $0x0  }
0x263: {  	s3 =	rddreg [dreg:$0x2];
	[bflag:$0x3] =	sbarrier.arrive $0xFFFF;
	s2 =	simm.s32 @!p0 $0x1C02  }
0x264: {  	[timem:s3], [sflag:s2] =	dma.local @!p0 [hbm:s0], s1  }
0x265: {  	s0 =	simm.s32 @!p0 $0x2  }
0x266: {  	_ =	swait.ge @!p0 [sflag:s0], s1  }
0x267: {  	s1 =	ssub.s32 @!p0 $0x0, s1;
	[sflag:s0] =	ssyncset.done @!p0 $0x0  }
0x268: {  	[sflag:s0] =	ssyncadd.s32 @!p0 s1  }
0x269: {  	[bflag:$0x3] =	sbarrier.arrive $0xFFFF  }
0x26a: {  	_ =	shalt  }

</sc_bundles>
